<compile_context>
chip_gen: v7x
topology: tpu7x:2x2x1
jax: 0.10.2.dev20260603
libtpu: 0.0.44.dev20260713+nightly
codegen_flags: <defaults>
</compile_context>

<pallas_src>
import jax
import jax.numpy as jnp
from jax import lax
from jax.experimental import pallas as pl
from jax.experimental.pallas import tpu as pltpu
from jax.experimental.pallas import tpu_sc as plsc

VOCAB = 100000
DIM = 128
B = 4096
CTX = 20
NOISE = 10

NUM_CORES = 2
NUM_SUBCORES = 16
NW = NUM_CORES * NUM_SUBCORES
BPW = B // NW
JPW = BPW * NOISE
BCH = 16
CHUNK = BCH * NOISE
NCHUNK = JPW // CHUNK

_SC_PARAMS = pltpu.CompilerParams(needs_layout_passes=False)


def _sc_body(ctxT_hbm, doc_hbm, tnT_hbm, wemb_hbm, lect_hbm, ot_hbm, outT_hbm,
             ctx_v, doc_v, tnt_v, tn_v, x_v, rows_a, rows_b, pad_v,
             outT_v, sem2, sem_a, sem_b):
    cid = lax.axis_index("c")
    sid = lax.axis_index("s")
    base = (sid * NUM_CORES + cid) * BPW

    iota16 = lax.iota(jnp.int32, 16)

    pltpu.sync_copy(ctxT_hbm.at[:, pl.ds(base, BPW)], ctx_v)
    pltpu.sync_copy(doc_hbm.at[pl.ds(base, BPW)], doc_v)
    pltpu.sync_copy(tnT_hbm.at[:, pl.ds(base, BPW)], tnt_v)

    zero16 = jnp.zeros((16,), jnp.float32)

    def zbody(i, _):
        for k in range(DIM // 16):
            x_v[i, pl.ds(k * 16, 16)] = zero16
        return 0

    lax.fori_loop(0, BPW, zbody, 0)
    descs = [pltpu.async_copy(lect_hbm.at[doc_v], x_v, sem2, add=True)]
    for c in range(CTX):
        descs.append(
            pltpu.async_copy(wemb_hbm.at[ctx_v.at[c]], x_v, sem2, add=True))

    def tbody(g, _):
        j16 = g * 16 + iota16
        b16 = j16 // NOISE
        n16 = j16 - b16 * NOISE
        tn_v[pl.ds(g * 16, 16)] = plsc.load_gather(tnt_v, [n16, b16])
        return 0

    lax.fori_loop(0, JPW // 16, tbody, 0)

    pltpu.async_copy(ot_hbm.at[tn_v.at[pl.ds(0, CHUNK)]], rows_a, sem_a)
    pltpu.async_copy(ot_hbm.at[tn_v.at[pl.ds(CHUNK, CHUNK)]], rows_b, sem_b)

    for d in descs:
        d.wait()
    masks = [iota16 == n for n in range(NOISE)]
    gidx = [[(iota16 + h * 16) * 16 + n for h in range(BCH // 16)]
            for n in range(NOISE)]

    def compute(ch, rows_v):
        def bbody(bb, _):
            b = ch * BCH + bb
            xr = [x_v[b, pl.ds(k * 16, 16)] for k in range(DIM // 16)]
            out16 = zero16
            for n in range(NOISE):
                jj = bb * NOISE + n
                acc = xr[0] * rows_v[jj, pl.ds(0, 16)]
                for k in range(1, DIM // 16):
                    acc = acc + xr[k] * rows_v[jj, pl.ds(k * 16, 16)]
                out16 = jnp.where(masks[n], jnp.sum(acc), out16)
            pad_v[pl.ds(bb * 16, 16)] = out16
            return 0

        lax.fori_loop(0, BCH, bbody, 0)
        for n in range(NOISE):
            for h in range(BCH // 16):
                outT_v[n, pl.ds(ch * BCH + h * 16, 16)] = (
                    plsc.load_gather(pad_v, [gidx[n][h]]))

    def wait_rows(rows_v, sem):
        pltpu.make_async_copy(ot_hbm.at[pl.ds(0, CHUNK), :], rows_v, sem).wait()

    def pair_body(p, _):
        ch_a = 2 * p
        wait_rows(rows_a, sem_a)
        compute(ch_a, rows_a)

        @pl.when(p < NCHUNK // 2 - 1)
        def _():
            pltpu.async_copy(
                ot_hbm.at[tn_v.at[pl.ds((ch_a + 2) * CHUNK, CHUNK)]],
                rows_a, sem_a)

        wait_rows(rows_b, sem_b)
        compute(ch_a + 1, rows_b)

        @pl.when(p < NCHUNK // 2 - 1)
        def _():
            pltpu.async_copy(
                ot_hbm.at[tn_v.at[pl.ds((ch_a + 3) * CHUNK, CHUNK)]],
                rows_b, sem_b)

        return 0

    lax.fori_loop(0, NCHUNK // 2, pair_body, 0)
    pltpu.sync_copy(outT_v, outT_hbm.at[:, pl.ds(base, BPW)])


@jax.jit
def _sc_call(ctxT, doc_ids, tnT, word_emb, lecture, ot):
    mesh = plsc.VectorSubcoreMesh(core_axis_name="c", subcore_axis_name="s")
    f = pl.kernel(
        _sc_body,
        out_type=jax.ShapeDtypeStruct((NOISE, B), jnp.float32),
        mesh=mesh,
        compiler_params=_SC_PARAMS,
        scratch_types=[
            pltpu.VMEM((CTX, BPW), jnp.int32),
            pltpu.VMEM((BPW,), jnp.int32),
            pltpu.VMEM((NOISE, BPW), jnp.int32),
            pltpu.VMEM((JPW,), jnp.int32),
            pltpu.VMEM((BPW, DIM), jnp.float32),
            pltpu.VMEM((CHUNK, DIM), jnp.float32),
            pltpu.VMEM((CHUNK, DIM), jnp.float32),
            pltpu.VMEM((BCH * 16,), jnp.float32),
            pltpu.VMEM((NOISE, BPW), jnp.float32),
            pltpu.SemaphoreType.DMA,
            pltpu.SemaphoreType.DMA,
            pltpu.SemaphoreType.DMA,
        ],
    )
    return f(ctxT, doc_ids, tnT, word_emb, lecture, ot)


def kernel(context_ids, doc_ids, target_noise_ids, word_emb, lecture, O):
    outT = _sc_call(context_ids.T, doc_ids, target_noise_ids.T,
                    word_emb, lecture, O.T)
    return outT.T

# --- scband reference (transcript-rebuilt; emitter-appended) ---
"""Pipeline reference for scband-doc2vec-76768245449658 (READ-ONLY COPY).

The authoritative reference and input builder live on the scoring server;
editing this copy changes nothing except your own understanding.
"""

import jax, jax.numpy as jnp
import numpy as np

VOCAB = 100000
LECTURE_LEN = 100000
DIM = 128
NUM_WORDS = 100000
B = 4096
CTX = 20
NOISE = 10


def setup_inputs(seed: int = 0) -> dict:
    key = jax.random.key(seed)
    k1, k2, k3, k4, k5, k6 = jax.random.split(key, 6)
    context_ids = jax.random.randint(k1, (B, CTX), 0, VOCAB, dtype=jnp.int64) if jax.config.jax_enable_x64 else jax.random.randint(k1, (B, CTX), 0, VOCAB).astype(jnp.int32)
    doc_ids = jax.random.randint(k2, (B,), 0, LECTURE_LEN).astype(jnp.int32)
    target_noise_ids = jax.random.randint(k3, (B, NOISE), 0, NUM_WORDS).astype(jnp.int32)
    word_emb = jax.random.normal(k4, (VOCAB, DIM), dtype=jnp.float32) * 0.02
    lecture = jax.random.normal(k5, (LECTURE_LEN, DIM), dtype=jnp.float32) * 0.02
    O = jax.random.normal(k6, (DIM, NUM_WORDS), dtype=jnp.float32) * 0.02
    return {
        "context_ids": context_ids.astype(jnp.int32),
        "doc_ids": doc_ids,
        "target_noise_ids": target_noise_ids,
        "word_emb": word_emb,
        "lecture": lecture,
        "O": O,
    }


def reference(context_ids, doc_ids, target_noise_ids, word_emb, lecture, O):
    # x = lecture[doc_ids] + sum(word_emb[context_ids], dim=1)  -> (B, D)
    doc_vecs = jnp.take(lecture, doc_ids, axis=0)
    ctx_vecs = jnp.take(word_emb, context_ids, axis=0)  # (B, CTX, D)
    x = doc_vecs + jnp.sum(ctx_vecs, axis=1)  # (B, D)
    # O[:, target_noise_ids] -> (D, B, NOISE); permute(1,0,2) -> (B, D, NOISE)
    cols = jnp.take(O, target_noise_ids, axis=1)  # (D, B, NOISE)
    cols = jnp.transpose(cols, (1, 0, 2))  # (B, D, NOISE)
    # bmm((B,1,D),(B,D,NOISE)).squeeze() -> (B, NOISE)
    out = jnp.matmul(x[:, None, :], cols).squeeze(1)
    return out

if __name__ == "__main__":
    import jax
    _d = setup_inputs()
    print(jax.jit(kernel)(*tuple(_d.values())))

</pallas_src>

<mosaic_0001>
#map = affine_map<(d0, d1) -> (0, 0)>
#map1 = affine_map<(d0, d1) -> (0)>
module attributes {stable_mosaic.version = 14 : i64} {
  func.func @_sc_body(%arg0: i32, %arg1: i32, %arg2: memref<20x4096xi32, #tpu.memory_space<hbm>>, %arg3: memref<4096xi32, #tpu.memory_space<hbm>>, %arg4: memref<10x4096xi32, #tpu.memory_space<hbm>>, %arg5: memref<100000x128xf32, #tpu.memory_space<hbm>>, %arg6: memref<100000x128xf32, #tpu.memory_space<hbm>>, %arg7: memref<100000x128xf32, #tpu.memory_space<hbm>>, %arg8: memref<10x4096xf32, #tpu.memory_space<hbm>>, %arg9: memref<20x128xi32, #tpu.memory_space<vmem>>, %arg10: memref<128xi32, #tpu.memory_space<vmem>>, %arg11: memref<10x128xi32, #tpu.memory_space<vmem>>, %arg12: memref<1280xi32, #tpu.memory_space<vmem>>, %arg13: memref<128x128xf32, #tpu.memory_space<vmem>>, %arg14: memref<160x128xf32, #tpu.memory_space<vmem>>, %arg15: memref<160x128xf32, #tpu.memory_space<vmem>>, %arg16: memref<256xf32, #tpu.memory_space<vmem>>, %arg17: memref<10x128xf32, #tpu.memory_space<vmem>>, %arg18: memref<!tpu.dma_semaphore, #tpu.memory_space<semaphore_mem>>, %arg19: memref<!tpu.dma_semaphore, #tpu.memory_space<semaphore_mem>>, %arg20: memref<!tpu.dma_semaphore, #tpu.memory_space<semaphore_mem>>) attributes {dimension_semantics = [#tpu.dimension_semantics<core_parallel>, #tpu.dimension_semantics<subcore_parallel>], iteration_bounds = array<i64: 2, 16>, scalar_prefetch = 0 : i64, scratch_operands = 12 : i64, tpu.core_type = #tpu.core_type<sc_vector_subcore>, window_params = [{transform_indices = #map}, {transform_indices = #map1}, {transform_indices = #map}, {transform_indices = #map}, {transform_indices = #map}, {transform_indices = #map}, {transform_indices = #map}]} {
    %mul3A = arith.constant 2 : i32
    %mul3A_0 = arith.muli %arg1, %mul3A : i32
    %add3A = arith.addi %mul3A_0, %arg0 : i32
    %mul3A_1 = arith.constant 128 : i32
    %mul3A_2 = arith.muli %add3A, %mul3A_1 : i32
    %iota3A = tpu.iota {dimensions = array<i32: 0>} : vector<16xi32>
    "tpu.region"() ({
      %run_scoped3A = tpu.sem_alloc : memref<!tpu.dma_semaphore, #tpu.memory_space<semaphore_mem>>
      %dma_start3A_437 = arith.constant 0 : i32
      %dma_start3A_438 = tpu.memref_slice %arg2[%dma_start3A_437, %mul3A_2] : memref<20x4096xi32, #tpu.memory_space<hbm>> -> memref<20x128xi32, #tpu.memory_space<hbm>>
      %dma_start3A_439 = arith.constant 0 : i32
      %dma_start3A_440 = tpu.memref_slice %arg2[%dma_start3A_439, %mul3A_2] : memref<20x4096xi32, #tpu.memory_space<hbm>> -> memref<20x128xi32, #tpu.memory_space<hbm>>
      tpu.enqueue_dma source(%dma_start3A_440 : memref<20x128xi32, #tpu.memory_space<hbm>>) target(%arg9 : memref<20x128xi32, #tpu.memory_space<vmem>>) target_semaphore(%run_scoped3A : memref<!tpu.dma_semaphore, #tpu.memory_space<semaphore_mem>>)
      %dma_wait3A_441 = arith.constant 0 : i32
      %dma_wait3A_442 = tpu.memref_slice %arg2[%dma_wait3A_441, %mul3A_2] : memref<20x4096xi32, #tpu.memory_space<hbm>> -> memref<20x128xi32, #tpu.memory_space<hbm>>
      %dma_wait3A_443 = arith.constant 0 : i32
      %dma_wait3A_444 = tpu.memref_slice %arg2[%dma_wait3A_443, %mul3A_2] : memref<20x4096xi32, #tpu.memory_space<hbm>> -> memref<20x128xi32, #tpu.memory_space<hbm>>
      tpu.wait_dma2 semaphore(%run_scoped3A : memref<!tpu.dma_semaphore, #tpu.memory_space<semaphore_mem>>) src(%dma_wait3A_444 : memref<20x128xi32, #tpu.memory_space<hbm>>) dst(%arg9 : memref<20x128xi32, #tpu.memory_space<vmem>>)
      tpu.yield
    }) : () -> ()
    "tpu.region"() ({
      %run_scoped3A = tpu.sem_alloc : memref<!tpu.dma_semaphore, #tpu.memory_space<semaphore_mem>>
      %dma_start3A_437 = tpu.memref_slice %arg3[%mul3A_2] : memref<4096xi32, #tpu.memory_space<hbm>> -> memref<128xi32, #tpu.memory_space<hbm>>
      %dma_start3A_438 = tpu.memref_slice %arg3[%mul3A_2] : memref<4096xi32, #tpu.memory_space<hbm>> -> memref<128xi32, #tpu.memory_space<hbm>>
      tpu.enqueue_dma source(%dma_start3A_438 : memref<128xi32, #tpu.memory_space<hbm>>) target(%arg10 : memref<128xi32, #tpu.memory_space<vmem>>) target_semaphore(%run_scoped3A : memref<!tpu.dma_semaphore, #tpu.memory_space<semaphore_mem>>)
      %dma_wait3A_439 = tpu.memref_slice %arg3[%mul3A_2] : memref<4096xi32, #tpu.memory_space<hbm>> -> memref<128xi32, #tpu.memory_space<hbm>>
      %dma_wait3A_440 = tpu.memref_slice %arg3[%mul3A_2] : memref<4096xi32, #tpu.memory_space<hbm>> -> memref<128xi32, #tpu.memory_space<hbm>>
      tpu.wait_dma2 semaphore(%run_scoped3A : memref<!tpu.dma_semaphore, #tpu.memory_space<semaphore_mem>>) src(%dma_wait3A_440 : memref<128xi32, #tpu.memory_space<hbm>>) dst(%arg10 : memref<128xi32, #tpu.memory_space<vmem>>)
      tpu.yield
    }) : () -> ()
    "tpu.region"() ({
      %run_scoped3A = tpu.sem_alloc : memref<!tpu.dma_semaphore, #tpu.memory_space<semaphore_mem>>
      %dma_start3A_437 = arith.constant 0 : i32
      %dma_start3A_438 = tpu.memref_slice %arg4[%dma_start3A_437, %mul3A_2] : memref<10x4096xi32, #tpu.memory_space<hbm>> -> memref<10x128xi32, #tpu.memory_space<hbm>>
      %dma_start3A_439 = arith.constant 0 : i32
      %dma_start3A_440 = tpu.memref_slice %arg4[%dma_start3A_439, %mul3A_2] : memref<10x4096xi32, #tpu.memory_space<hbm>> -> memref<10x128xi32, #tpu.memory_space<hbm>>
      tpu.enqueue_dma source(%dma_start3A_440 : memref<10x128xi32, #tpu.memory_space<hbm>>) target(%arg11 : memref<10x128xi32, #tpu.memory_space<vmem>>) target_semaphore(%run_scoped3A : memref<!tpu.dma_semaphore, #tpu.memory_space<semaphore_mem>>)
      %dma_wait3A_441 = arith.constant 0 : i32
      %dma_wait3A_442 = tpu.memref_slice %arg4[%dma_wait3A_441, %mul3A_2] : memref<10x4096xi32, #tpu.memory_space<hbm>> -> memref<10x128xi32, #tpu.memory_space<hbm>>
      %dma_wait3A_443 = arith.constant 0 : i32
      %dma_wait3A_444 = tpu.memref_slice %arg4[%dma_wait3A_443, %mul3A_2] : memref<10x4096xi32, #tpu.memory_space<hbm>> -> memref<10x128xi32, #tpu.memory_space<hbm>>
      tpu.wait_dma2 semaphore(%run_scoped3A : memref<!tpu.dma_semaphore, #tpu.memory_space<semaphore_mem>>) src(%dma_wait3A_444 : memref<10x128xi32, #tpu.memory_space<hbm>>) dst(%arg11 : memref<10x128xi32, #tpu.memory_space<vmem>>)
      tpu.yield
    }) : () -> ()
    %broadcast_in_dim3A = arith.constant 0.000000e+00 : f32
    %broadcast_in_dim3A_3 = vector.broadcast %broadcast_in_dim3A : f32 to vector<16xf32>
    %scan3A = arith.constant 0 : i32
    %scan3A_4 = arith.constant 0 : i32
    %scan3A_5 = arith.constant 128 : i32
    %scan3A_6 = arith.addi %scan3A_4, %scan3A_5 : i32
    %scan3A_7 = arith.constant 1 : i32
    %scan3A_8 = scf.for %scan3A_437 = %scan3A_4 to %scan3A_6 step %scan3A_7 iter_args(%scan3A_438 = %scan3A) -> (i32)  : i32 {
      %swap3A = arith.index_cast %scan3A_437 : i32 to index
      %swap3A_439 = arith.constant 0 : index
      %swap3A_440 = tpu.vector_load %arg13[%swap3A, %swap3A_439] {strides = array<i32>} : memref<128x128xf32, #tpu.memory_space<vmem>>, vector<16xf32>,
      tpu.vector_store %arg13[%swap3A, %swap3A_439], %broadcast_in_dim3A_3 {strides = array<i32>} : memref<128x128xf32, #tpu.memory_space<vmem>>, vector<16xf32>,
      %swap3A_441 = arith.index_cast %scan3A_437 : i32 to index
      %swap3A_442 = arith.constant 16 : index
      %swap3A_443 = tpu.vector_load %arg13[%swap3A_441, %swap3A_442] {strides = array<i32>} : memref<128x128xf32, #tpu.memory_space<vmem>>, vector<16xf32>,
      tpu.vector_store %arg13[%swap3A_441, %swap3A_442], %broadcast_in_dim3A_3 {strides = array<i32>} : memref<128x128xf32, #tpu.memory_space<vmem>>, vector<16xf32>,
      %swap3A_444 = arith.index_cast %scan3A_437 : i32 to index
      %swap3A_445 = arith.constant 32 : index
      %swap3A_446 = tpu.vector_load %arg13[%swap3A_444, %swap3A_445] {strides = array<i32>} : memref<128x128xf32, #tpu.memory_space<vmem>>, vector<16xf32>,
      tpu.vector_store %arg13[%swap3A_444, %swap3A_445], %broadcast_in_dim3A_3 {strides = array<i32>} : memref<128x128xf32, #tpu.memory_space<vmem>>, vector<16xf32>,
      %swap3A_447 = arith.index_cast %scan3A_437 : i32 to index
      %swap3A_448 = arith.constant 48 : index
      %swap3A_449 = tpu.vector_load %arg13[%swap3A_447, %swap3A_448] {strides = array<i32>} : memref<128x128xf32, #tpu.memory_space<vmem>>, vector<16xf32>,
      tpu.vector_store %arg13[%swap3A_447, %swap3A_448], %broadcast_in_dim3A_3 {strides = array<i32>} : memref<128x128xf32, #tpu.memory_space<vmem>>, vector<16xf32>,
      %swap3A_450 = arith.index_cast %scan3A_437 : i32 to index
      %swap3A_451 = arith.constant 64 : index
      %swap3A_452 = tpu.vector_load %arg13[%swap3A_450, %swap3A_451] {strides = array<i32>} : memref<128x128xf32, #tpu.memory_space<vmem>>, vector<16xf32>,
      tpu.vector_store %arg13[%swap3A_450, %swap3A_451], %broadcast_in_dim3A_3 {strides = array<i32>} : memref<128x128xf32, #tpu.memory_space<vmem>>, vector<16xf32>,
      %swap3A_453 = arith.index_cast %scan3A_437 : i32 to index
      %swap3A_454 = arith.constant 80 : index
      %swap3A_455 = tpu.vector_load %arg13[%swap3A_453, %swap3A_454] {strides = array<i32>} : memref<128x128xf32, #tpu.memory_space<vmem>>, vector<16xf32>,
      tpu.vector_store %arg13[%swap3A_453, %swap3A_454], %broadcast_in_dim3A_3 {strides = array<i32>} : memref<128x128xf32, #tpu.memory_space<vmem>>, vector<16xf32>,
      %swap3A_456 = arith.index_cast %scan3A_437 : i32 to index
      %swap3A_457 = arith.constant 96 : index
      %swap3A_458 = tpu.vector_load %arg13[%swap3A_456, %swap3A_457] {strides = array<i32>} : memref<128x128xf32, #tpu.memory_space<vmem>>, vector<16xf32>,
      tpu.vector_store %arg13[%swap3A_456, %swap3A_457], %broadcast_in_dim3A_3 {strides = array<i32>} : memref<128x128xf32, #tpu.memory_space<vmem>>, vector<16xf32>,
      %swap3A_459 = arith.index_cast %scan3A_437 : i32 to index
      %swap3A_460 = arith.constant 112 : index
      %swap3A_461 = tpu.vector_load %arg13[%swap3A_459, %swap3A_460] {strides = array<i32>} : memref<128x128xf32, #tpu.memory_space<vmem>>, vector<16xf32>,
      tpu.vector_store %arg13[%swap3A_459, %swap3A_460], %broadcast_in_dim3A_3 {strides = array<i32>} : memref<128x128xf32, #tpu.memory_space<vmem>>, vector<16xf32>,
      %scan3A_462 = arith.constant 0 : i32
      scf.yield %scan3A_462 : i32
    }
    %scan3A_9 = arith.constant 128 : i32
    %dma_start3A = arith.constant 0 : i32
    %dma_start3A_10 = arith.constant 0 : i32
    %dma_start3A_11 = tpu.memref_slice %arg6[%dma_start3A, %dma_start3A_10] : memref<100000x128xf32, #tpu.memory_space<hbm>> -> memref<100000x128xf32, #tpu.memory_space<hbm>>
    tpu.enqueue_indirect_dma source(%dma_start3A_11 : memref<100000x128xf32, #tpu.memory_space<hbm>>) target(%arg13 : memref<128x128xf32, #tpu.memory_space<vmem>>) offsets(%arg10 : memref<128xi32, #tpu.memory_space<vmem>>) semaphore(%arg18 : memref<!tpu.dma_semaphore, #tpu.memory_space<semaphore_mem>>) {add = true}
    %dma_start3A_12 = arith.constant 0 : i32
    %dma_start3A_13 = arith.constant 0 : i32
    %dma_start3A_14 = tpu.memref_slice %arg9[%dma_start3A_12, %dma_start3A_13] : memref<20x128xi32, #tpu.memory_space<vmem>> -> memref<1x128xi32, #tpu.memory_space<vmem>>
    %dma_start3A_15 = tpu.memref_squeeze %dma_start3A_14 : memref<1x128xi32, #tpu.memory_space<vmem>> -> memref<128xi32, #tpu.memory_space<vmem>>
    %dma_start3A_16 = arith.constant 0 : i32
    %dma_start3A_17 = arith.constant 0 : i32
    %dma_start3A_18 = tpu.memref_slice %arg5[%dma_start3A_16, %dma_start3A_17] : memref<100000x128xf32, #tpu.memory_space<hbm>> -> memref<100000x128xf32, #tpu.memory_space<hbm>>
    tpu.enqueue_indirect_dma source(%dma_start3A_18 : memref<100000x128xf32, #tpu.memory_space<hbm>>) target(%arg13 : memref<128x128xf32, #tpu.memory_space<vmem>>) offsets(%dma_start3A_15 : memref<128xi32, #tpu.memory_space<vmem>>) semaphore(%arg18 : memref<!tpu.dma_semaphore, #tpu.memory_space<semaphore_mem>>) {add = true}
    %dma_start3A_19 = arith.constant 1 : i32
    %dma_start3A_20 = arith.constant 0 : i32
    %dma_start3A_21 = tpu.memref_slice %arg9[%dma_start3A_19, %dma_start3A_20] : memref<20x128xi32, #tpu.memory_space<vmem>> -> memref<1x128xi32, #tpu.memory_space<vmem>>
    %dma_start3A_22 = tpu.memref_squeeze %dma_start3A_21 : memref<1x128xi32, #tpu.memory_space<vmem>> -> memref<128xi32, #tpu.memory_space<vmem>>
    %dma_start3A_23 = arith.constant 0 : i32
    %dma_start3A_24 = arith.constant 0 : i32
    %dma_start3A_25 = tpu.memref_slice %arg5[%dma_start3A_23, %dma_start3A_24] : memref<100000x128xf32, #tpu.memory_space<hbm>> -> memref<100000x128xf32, #tpu.memory_space<hbm>>
    tpu.enqueue_indirect_dma source(%dma_start3A_25 : memref<100000x128xf32, #tpu.memory_space<hbm>>) target(%arg13 : memref<128x128xf32, #tpu.memory_space<vmem>>) offsets(%dma_start3A_22 : memref<128xi32, #tpu.memory_space<vmem>>) semaphore(%arg18 : memref<!tpu.dma_semaphore, #tpu.memory_space<semaphore_mem>>) {add = true}
    %dma_start3A_26 = arith.constant 2 : i32
    %dma_start3A_27 = arith.constant 0 : i32
    %dma_start3A_28 = tpu.memref_slice %arg9[%dma_start3A_26, %dma_start3A_27] : memref<20x128xi32, #tpu.memory_space<vmem>> -> memref<1x128xi32, #tpu.memory_space<vmem>>
    %dma_start3A_29 = tpu.memref_squeeze %dma_start3A_28 : memref<1x128xi32, #tpu.memory_space<vmem>> -> memref<128xi32, #tpu.memory_space<vmem>>
    %dma_start3A_30 = arith.constant 0 : i32
    %dma_start3A_31 = arith.constant 0 : i32
    %dma_start3A_32 = tpu.memref_slice %arg5[%dma_start3A_30, %dma_start3A_31] : memref<100000x128xf32, #tpu.memory_space<hbm>> -> memref<100000x128xf32, #tpu.memory_space<hbm>>
    tpu.enqueue_indirect_dma source(%dma_start3A_32 : memref<100000x128xf32, #tpu.memory_space<hbm>>) target(%arg13 : memref<128x128xf32, #tpu.memory_space<vmem>>) offsets(%dma_start3A_29 : memref<128xi32, #tpu.memory_space<vmem>>) semaphore(%arg18 : memref<!tpu.dma_semaphore, #tpu.memory_space<semaphore_mem>>) {add = true}
    %dma_start3A_33 = arith.constant 3 : i32
    %dma_start3A_34 = arith.constant 0 : i32
    %dma_start3A_35 = tpu.memref_slice %arg9[%dma_start3A_33, %dma_start3A_34] : memref<20x128xi32, #tpu.memory_space<vmem>> -> memref<1x128xi32, #tpu.memory_space<vmem>>
    %dma_start3A_36 = tpu.memref_squeeze %dma_start3A_35 : memref<1x128xi32, #tpu.memory_space<vmem>> -> memref<128xi32, #tpu.memory_space<vmem>>
    %dma_start3A_37 = arith.constant 0 : i32
    %dma_start3A_38 = arith.constant 0 : i32
    %dma_start3A_39 = tpu.memref_slice %arg5[%dma_start3A_37, %dma_start3A_38] : memref<100000x128xf32, #tpu.memory_space<hbm>> -> memref<100000x128xf32, #tpu.memory_space<hbm>>
    tpu.enqueue_indirect_dma source(%dma_start3A_39 : memref<100000x128xf32, #tpu.memory_space<hbm>>) target(%arg13 : memref<128x128xf32, #tpu.memory_space<vmem>>) offsets(%dma_start3A_36 : memref<128xi32, #tpu.memory_space<vmem>>) semaphore(%arg18 : memref<!tpu.dma_semaphore, #tpu.memory_space<semaphore_mem>>) {add = true}
    %dma_start3A_40 = arith.constant 4 : i32
    %dma_start3A_41 = arith.constant 0 : i32
    %dma_start3A_42 = tpu.memref_slice %arg9[%dma_start3A_40, %dma_start3A_41] : memref<20x128xi32, #tpu.memory_space<vmem>> -> memref<1x128xi32, #tpu.memory_space<vmem>>
    %dma_start3A_43 = tpu.memref_squeeze %dma_start3A_42 : memref<1x128xi32, #tpu.memory_space<vmem>> -> memref<128xi32, #tpu.memory_space<vmem>>
    %dma_start3A_44 = arith.constant 0 : i32
    %dma_start3A_45 = arith.constant 0 : i32
    %dma_start3A_46 = tpu.memref_slice %arg5[%dma_start3A_44, %dma_start3A_45] : memref<100000x128xf32, #tpu.memory_space<hbm>> -> memref<100000x128xf32, #tpu.memory_space<hbm>>
    tpu.enqueue_indirect_dma source(%dma_start3A_46 : memref<100000x128xf32, #tpu.memory_space<hbm>>) target(%arg13 : memref<128x128xf32, #tpu.memory_space<vmem>>) offsets(%dma_start3A_43 : memref<128xi32, #tpu.memory_space<vmem>>) semaphore(%arg18 : memref<!tpu.dma_semaphore, #tpu.memory_space<semaphore_mem>>) {add = true}
    %dma_start3A_47 = arith.constant 5 : i32
    %dma_start3A_48 = arith.constant 0 : i32
    %dma_start3A_49 = tpu.memref_slice %arg9[%dma_start3A_47, %dma_start3A_48] : memref<20x128xi32, #tpu.memory_space<vmem>> -> memref<1x128xi32, #tpu.memory_space<vmem>>
    %dma_start3A_50 = tpu.memref_squeeze %dma_start3A_49 : memref<1x128xi32, #tpu.memory_space<vmem>> -> memref<128xi32, #tpu.memory_space<vmem>>
    %dma_start3A_51 = arith.constant 0 : i32
    %dma_start3A_52 = arith.constant 0 : i32
    %dma_start3A_53 = tpu.memref_slice %arg5[%dma_start3A_51, %dma_start3A_52] : memref<100000x128xf32, #tpu.memory_space<hbm>> -> memref<100000x128xf32, #tpu.memory_space<hbm>>
    tpu.enqueue_indirect_dma source(%dma_start3A_53 : memref<100000x128xf32, #tpu.memory_space<hbm>>) target(%arg13 : memref<128x128xf32, #tpu.memory_space<vmem>>) offsets(%dma_start3A_50 : memref<128xi32, #tpu.memory_space<vmem>>) semaphore(%arg18 : memref<!tpu.dma_semaphore, #tpu.memory_space<semaphore_mem>>) {add = true}
    %dma_start3A_54 = arith.constant 6 : i32
    %dma_start3A_55 = arith.constant 0 : i32
    %dma_start3A_56 = tpu.memref_slice %arg9[%dma_start3A_54, %dma_start3A_55] : memref<20x128xi32, #tpu.memory_space<vmem>> -> memref<1x128xi32, #tpu.memory_space<vmem>>
    %dma_start3A_57 = tpu.memref_squeeze %dma_start3A_56 : memref<1x128xi32, #tpu.memory_space<vmem>> -> memref<128xi32, #tpu.memory_space<vmem>>
    %dma_start3A_58 = arith.constant 0 : i32
    %dma_start3A_59 = arith.constant 0 : i32
    %dma_start3A_60 = tpu.memref_slice %arg5[%dma_start3A_58, %dma_start3A_59] : memref<100000x128xf32, #tpu.memory_space<hbm>> -> memref<100000x128xf32, #tpu.memory_space<hbm>>
    tpu.enqueue_indirect_dma source(%dma_start3A_60 : memref<100000x128xf32, #tpu.memory_space<hbm>>) target(%arg13 : memref<128x128xf32, #tpu.memory_space<vmem>>) offsets(%dma_start3A_57 : memref<128xi32, #tpu.memory_space<vmem>>) semaphore(%arg18 : memref<!tpu.dma_semaphore, #tpu.memory_space<semaphore_mem>>) {add = true}
    %dma_start3A_61 = arith.constant 7 : i32
    %dma_start3A_62 = arith.constant 0 : i32
    %dma_start3A_63 = tpu.memref_slice %arg9[%dma_start3A_61, %dma_start3A_62] : memref<20x128xi32, #tpu.memory_space<vmem>> -> memref<1x128xi32, #tpu.memory_space<vmem>>
    %dma_start3A_64 = tpu.memref_squeeze %dma_start3A_63 : memref<1x128xi32, #tpu.memory_space<vmem>> -> memref<128xi32, #tpu.memory_space<vmem>>
    %dma_start3A_65 = arith.constant 0 : i32
    %dma_start3A_66 = arith.constant 0 : i32
    %dma_start3A_67 = tpu.memref_slice %arg5[%dma_start3A_65, %dma_start3A_66] : memref<100000x128xf32, #tpu.memory_space<hbm>> -> memref<100000x128xf32, #tpu.memory_space<hbm>>
    tpu.enqueue_indirect_dma source(%dma_start3A_67 : memref<100000x128xf32, #tpu.memory_space<hbm>>) target(%arg13 : memref<128x128xf32, #tpu.memory_space<vmem>>) offsets(%dma_start3A_64 : memref<128xi32, #tpu.memory_space<vmem>>) semaphore(%arg18 : memref<!tpu.dma_semaphore, #tpu.memory_space<semaphore_mem>>) {add = true}
    %dma_start3A_68 = arith.constant 8 : i32
    %dma_start3A_69 = arith.constant 0 : i32
    %dma_start3A_70 = tpu.memref_slice %arg9[%dma_start3A_68, %dma_start3A_69] : memref<20x128xi32, #tpu.memory_space<vmem>> -> memref<1x128xi32, #tpu.memory_space<vmem>>
    %dma_start3A_71 = tpu.memref_squeeze %dma_start3A_70 : memref<1x128xi32, #tpu.memory_space<vmem>> -> memref<128xi32, #tpu.memory_space<vmem>>
    %dma_start3A_72 = arith.constant 0 : i32
    %dma_start3A_73 = arith.constant 0 : i32
    %dma_start3A_74 = tpu.memref_slice %arg5[%dma_start3A_72, %dma_start3A_73] : memref<100000x128xf32, #tpu.memory_space<hbm>> -> memref<100000x128xf32, #tpu.memory_space<hbm>>
    tpu.enqueue_indirect_dma source(%dma_start3A_74 : memref<100000x128xf32, #tpu.memory_space<hbm>>) target(%arg13 : memref<128x128xf32, #tpu.memory_space<vmem>>) offsets(%dma_start3A_71 : memref<128xi32, #tpu.memory_space<vmem>>) semaphore(%arg18 : memref<!tpu.dma_semaphore, #tpu.memory_space<semaphore_mem>>) {add = true}
    %dma_start3A_75 = arith.constant 9 : i32
    %dma_start3A_76 = arith.constant 0 : i32
    %dma_start3A_77 = tpu.memref_slice %arg9[%dma_start3A_75, %dma_start3A_76] : memref<20x128xi32, #tpu.memory_space<vmem>> -> memref<1x128xi32, #tpu.memory_space<vmem>>
    %dma_start3A_78 = tpu.memref_squeeze %dma_start3A_77 : memref<1x128xi32, #tpu.memory_space<vmem>> -> memref<128xi32, #tpu.memory_space<vmem>>
    %dma_start3A_79 = arith.constant 0 : i32
    %dma_start3A_80 = arith.constant 0 : i32
    %dma_start3A_81 = tpu.memref_slice %arg5[%dma_start3A_79, %dma_start3A_80] : memref<100000x128xf32, #tpu.memory_space<hbm>> -> memref<100000x128xf32, #tpu.memory_space<hbm>>
    tpu.enqueue_indirect_dma source(%dma_start3A_81 : memref<100000x128xf32, #tpu.memory_space<hbm>>) target(%arg13 : memref<128x128xf32, #tpu.memory_space<vmem>>) offsets(%dma_start3A_78 : memref<128xi32, #tpu.memory_space<vmem>>) semaphore(%arg18 : memref<!tpu.dma_semaphore, #tpu.memory_space<semaphore_mem>>) {add = true}
    %dma_start3A_82 = arith.constant 10 : i32
    %dma_start3A_83 = arith.constant 0 : i32
    %dma_start3A_84 = tpu.memref_slice %arg9[%dma_start3A_82, %dma_start3A_83] : memref<20x128xi32, #tpu.memory_space<vmem>> -> memref<1x128xi32, #tpu.memory_space<vmem>>
    %dma_start3A_85 = tpu.memref_squeeze %dma_start3A_84 : memref<1x128xi32, #tpu.memory_space<vmem>> -> memref<128xi32, #tpu.memory_space<vmem>>
    %dma_start3A_86 = arith.constant 0 : i32
    %dma_start3A_87 = arith.constant 0 : i32
    %dma_start3A_88 = tpu.memref_slice %arg5[%dma_start3A_86, %dma_start3A_87] : memref<100000x128xf32, #tpu.memory_space<hbm>> -> memref<100000x128xf32, #tpu.memory_space<hbm>>
    tpu.enqueue_indirect_dma source(%dma_start3A_88 : memref<100000x128xf32, #tpu.memory_space<hbm>>) target(%arg13 : memref<128x128xf32, #tpu.memory_space<vmem>>) offsets(%dma_start3A_85 : memref<128xi32, #tpu.memory_space<vmem>>) semaphore(%arg18 : memref<!tpu.dma_semaphore, #tpu.memory_space<semaphore_mem>>) {add = true}
    %dma_start3A_89 = arith.constant 11 : i32
    %dma_start3A_90 = arith.constant 0 : i32
    %dma_start3A_91 = tpu.memref_slice %arg9[%dma_start3A_89, %dma_start3A_90] : memref<20x128xi32, #tpu.memory_space<vmem>> -> memref<1x128xi32, #tpu.memory_space<vmem>>
    %dma_start3A_92 = tpu.memref_squeeze %dma_start3A_91 : memref<1x128xi32, #tpu.memory_space<vmem>> -> memref<128xi32, #tpu.memory_space<vmem>>
    %dma_start3A_93 = arith.constant 0 : i32
    %dma_start3A_94 = arith.constant 0 : i32
    %dma_start3A_95 = tpu.memref_slice %arg5[%dma_start3A_93, %dma_start3A_94] : memref<100000x128xf32, #tpu.memory_space<hbm>> -> memref<100000x128xf32, #tpu.memory_space<hbm>>
    tpu.enqueue_indirect_dma source(%dma_start3A_95 : memref<100000x128xf32, #tpu.memory_space<hbm>>) target(%arg13 : memref<128x128xf32, #tpu.memory_space<vmem>>) offsets(%dma_start3A_92 : memref<128xi32, #tpu.memory_space<vmem>>) semaphore(%arg18 : memref<!tpu.dma_semaphore, #tpu.memory_space<semaphore_mem>>) {add = true}
    %dma_start3A_96 = arith.constant 12 : i32
    %dma_start3A_97 = arith.constant 0 : i32
    %dma_start3A_98 = tpu.memref_slice %arg9[%dma_start3A_96, %dma_start3A_97] : memref<20x128xi32, #tpu.memory_space<vmem>> -> memref<1x128xi32, #tpu.memory_space<vmem>>
    %dma_start3A_99 = tpu.memref_squeeze %dma_start3A_98 : memref<1x128xi32, #tpu.memory_space<vmem>> -> memref<128xi32, #tpu.memory_space<vmem>>
    %dma_start3A_100 = arith.constant 0 : i32
    %dma_start3A_101 = arith.constant 0 : i32
    %dma_start3A_102 = tpu.memref_slice %arg5[%dma_start3A_100, %dma_start3A_101] : memref<100000x128xf32, #tpu.memory_space<hbm>> -> memref<100000x128xf32, #tpu.memory_space<hbm>>
    tpu.enqueue_indirect_dma source(%dma_start3A_102 : memref<100000x128xf32, #tpu.memory_space<hbm>>) target(%arg13 : memref<128x128xf32, #tpu.memory_space<vmem>>) offsets(%dma_start3A_99 : memref<128xi32, #tpu.memory_space<vmem>>) semaphore(%arg18 : memref<!tpu.dma_semaphore, #tpu.memory_space<semaphore_mem>>) {add = true}
    %dma_start3A_103 = arith.constant 13 : i32
    %dma_start3A_104 = arith.constant 0 : i32
    %dma_start3A_105 = tpu.memref_slice %arg9[%dma_start3A_103, %dma_start3A_104] : memref<20x128xi32, #tpu.memory_space<vmem>> -> memref<1x128xi32, #tpu.memory_space<vmem>>
    %dma_start3A_106 = tpu.memref_squeeze %dma_start3A_105 : memref<1x128xi32, #tpu.memory_space<vmem>> -> memref<128xi32, #tpu.memory_space<vmem>>
    %dma_start3A_107 = arith.constant 0 : i32
    %dma_start3A_108 = arith.constant 0 : i32
    %dma_start3A_109 = tpu.memref_slice %arg5[%dma_start3A_107, %dma_start3A_108] : memref<100000x128xf32, #tpu.memory_space<hbm>> -> memref<100000x128xf32, #tpu.memory_space<hbm>>
    tpu.enqueue_indirect_dma source(%dma_start3A_109 : memref<100000x128xf32, #tpu.memory_space<hbm>>) target(%arg13 : memref<128x128xf32, #tpu.memory_space<vmem>>) offsets(%dma_start3A_106 : memref<128xi32, #tpu.memory_space<vmem>>) semaphore(%arg18 : memref<!tpu.dma_semaphore, #tpu.memory_space<semaphore_mem>>) {add = true}
    %dma_start3A_110 = arith.constant 14 : i32
    %dma_start3A_111 = arith.constant 0 : i32
    %dma_start3A_112 = tpu.memref_slice %arg9[%dma_start3A_110, %dma_start3A_111] : memref<20x128xi32, #tpu.memory_space<vmem>> -> memref<1x128xi32, #tpu.memory_space<vmem>>
    %dma_start3A_113 = tpu.memref_squeeze %dma_start3A_112 : memref<1x128xi32, #tpu.memory_space<vmem>> -> memref<128xi32, #tpu.memory_space<vmem>>
    %dma_start3A_114 = arith.constant 0 : i32
    %dma_start3A_115 = arith.constant 0 : i32
    %dma_start3A_116 = tpu.memref_slice %arg5[%dma_start3A_114, %dma_start3A_115] : memref<100000x128xf32, #tpu.memory_space<hbm>> -> memref<100000x128xf32, #tpu.memory_space<hbm>>
    tpu.enqueue_indirect_dma source(%dma_start3A_116 : memref<100000x128xf32, #tpu.memory_space<hbm>>) target(%arg13 : memref<128x128xf32, #tpu.memory_space<vmem>>) offsets(%dma_start3A_113 : memref<128xi32, #tpu.memory_space<vmem>>) semaphore(%arg18 : memref<!tpu.dma_semaphore, #tpu.memory_space<semaphore_mem>>) {add = true}
    %dma_start3A_117 = arith.constant 15 : i32
    %dma_start3A_118 = arith.constant 0 : i32
    %dma_start3A_119 = tpu.memref_slice %arg9[%dma_start3A_117, %dma_start3A_118] : memref<20x128xi32, #tpu.memory_space<vmem>> -> memref<1x128xi32, #tpu.memory_space<vmem>>
    %dma_start3A_120 = tpu.memref_squeeze %dma_start3A_119 : memref<1x128xi32, #tpu.memory_space<vmem>> -> memref<128xi32, #tpu.memory_space<vmem>>
    %dma_start3A_121 = arith.constant 0 : i32
    %dma_start3A_122 = arith.constant 0 : i32
    %dma_start3A_123 = tpu.memref_slice %arg5[%dma_start3A_121, %dma_start3A_122] : memref<100000x128xf32, #tpu.memory_space<hbm>> -> memref<100000x128xf32, #tpu.memory_space<hbm>>
    tpu.enqueue_indirect_dma source(%dma_start3A_123 : memref<100000x128xf32, #tpu.memory_space<hbm>>) target(%arg13 : memref<128x128xf32, #tpu.memory_space<vmem>>) offsets(%dma_start3A_120 : memref<128xi32, #tpu.memory_space<vmem>>) semaphore(%arg18 : memref<!tpu.dma_semaphore, #tpu.memory_space<semaphore_mem>>) {add = true}
    %dma_start3A_124 = arith.constant 16 : i32
    %dma_start3A_125 = arith.constant 0 : i32
    %dma_start3A_126 = tpu.memref_slice %arg9[%dma_start3A_124, %dma_start3A_125] : memref<20x128xi32, #tpu.memory_space<vmem>> -> memref<1x128xi32, #tpu.memory_space<vmem>>
    %dma_start3A_127 = tpu.memref_squeeze %dma_start3A_126 : memref<1x128xi32, #tpu.memory_space<vmem>> -> memref<128xi32, #tpu.memory_space<vmem>>
    %dma_start3A_128 = arith.constant 0 : i32
    %dma_start3A_129 = arith.constant 0 : i32
    %dma_start3A_130 = tpu.memref_slice %arg5[%dma_start3A_128, %dma_start3A_129] : memref<100000x128xf32, #tpu.memory_space<hbm>> -> memref<100000x128xf32, #tpu.memory_space<hbm>>
    tpu.enqueue_indirect_dma source(%dma_start3A_130 : memref<100000x128xf32, #tpu.memory_space<hbm>>) target(%arg13 : memref<128x128xf32, #tpu.memory_space<vmem>>) offsets(%dma_start3A_127 : memref<128xi32, #tpu.memory_space<vmem>>) semaphore(%arg18 : memref<!tpu.dma_semaphore, #tpu.memory_space<semaphore_mem>>) {add = true}
    %dma_start3A_131 = arith.constant 17 : i32
    %dma_start3A_132 = arith.constant 0 : i32
    %dma_start3A_133 = tpu.memref_slice %arg9[%dma_start3A_131, %dma_start3A_132] : memref<20x128xi32, #tpu.memory_space<vmem>> -> memref<1x128xi32, #tpu.memory_space<vmem>>
    %dma_start3A_134 = tpu.memref_squeeze %dma_start3A_133 : memref<1x128xi32, #tpu.memory_space<vmem>> -> memref<128xi32, #tpu.memory_space<vmem>>
    %dma_start3A_135 = arith.constant 0 : i32
    %dma_start3A_136 = arith.constant 0 : i32
    %dma_start3A_137 = tpu.memref_slice %arg5[%dma_start3A_135, %dma_start3A_136] : memref<100000x128xf32, #tpu.memory_space<hbm>> -> memref<100000x128xf32, #tpu.memory_space<hbm>>
    tpu.enqueue_indirect_dma source(%dma_start3A_137 : memref<100000x128xf32, #tpu.memory_space<hbm>>) target(%arg13 : memref<128x128xf32, #tpu.memory_space<vmem>>) offsets(%dma_start3A_134 : memref<128xi32, #tpu.memory_space<vmem>>) semaphore(%arg18 : memref<!tpu.dma_semaphore, #tpu.memory_space<semaphore_mem>>) {add = true}
    %dma_start3A_138 = arith.constant 18 : i32
    %dma_start3A_139 = arith.constant 0 : i32
    %dma_start3A_140 = tpu.memref_slice %arg9[%dma_start3A_138, %dma_start3A_139] : memref<20x128xi32, #tpu.memory_space<vmem>> -> memref<1x128xi32, #tpu.memory_space<vmem>>
    %dma_start3A_141 = tpu.memref_squeeze %dma_start3A_140 : memref<1x128xi32, #tpu.memory_space<vmem>> -> memref<128xi32, #tpu.memory_space<vmem>>
    %dma_start3A_142 = arith.constant 0 : i32
    %dma_start3A_143 = arith.constant 0 : i32
    %dma_start3A_144 = tpu.memref_slice %arg5[%dma_start3A_142, %dma_start3A_143] : memref<100000x128xf32, #tpu.memory_space<hbm>> -> memref<100000x128xf32, #tpu.memory_space<hbm>>
    tpu.enqueue_indirect_dma source(%dma_start3A_144 : memref<100000x128xf32, #tpu.memory_space<hbm>>) target(%arg13 : memref<128x128xf32, #tpu.memory_space<vmem>>) offsets(%dma_start3A_141 : memref<128xi32, #tpu.memory_space<vmem>>) semaphore(%arg18 : memref<!tpu.dma_semaphore, #tpu.memory_space<semaphore_mem>>) {add = true}
    %dma_start3A_145 = arith.constant 19 : i32
    %dma_start3A_146 = arith.constant 0 : i32
    %dma_start3A_147 = tpu.memref_slice %arg9[%dma_start3A_145, %dma_start3A_146] : memref<20x128xi32, #tpu.memory_space<vmem>> -> memref<1x128xi32, #tpu.memory_space<vmem>>
    %dma_start3A_148 = tpu.memref_squeeze %dma_start3A_147 : memref<1x128xi32, #tpu.memory_space<vmem>> -> memref<128xi32, #tpu.memory_space<vmem>>
    %dma_start3A_149 = arith.constant 0 : i32
    %dma_start3A_150 = arith.constant 0 : i32
    %dma_start3A_151 = tpu.memref_slice %arg5[%dma_start3A_149, %dma_start3A_150] : memref<100000x128xf32, #tpu.memory_space<hbm>> -> memref<100000x128xf32, #tpu.memory_space<hbm>>
    tpu.enqueue_indirect_dma source(%dma_start3A_151 : memref<100000x128xf32, #tpu.memory_space<hbm>>) target(%arg13 : memref<128x128xf32, #tpu.memory_space<vmem>>) offsets(%dma_start3A_148 : memref<128xi32, #tpu.memory_space<vmem>>) semaphore(%arg18 : memref<!tpu.dma_semaphore, #tpu.memory_space<semaphore_mem>>) {add = true}
    %scan3A_152 = arith.constant 0 : i32
    %scan3A_153 = arith.constant 0 : i32
    %scan3A_154 = arith.constant 80 : i32
    %scan3A_155 = arith.addi %scan3A_153, %scan3A_154 : i32
    %scan3A_156 = arith.constant 1 : i32
    %scan3A_157 = scf.for %scan3A_437 = %scan3A_153 to %scan3A_155 step %scan3A_156 iter_args(%scan3A_438 = %scan3A_152) -> (i32)  : i32 {
      %mul3A_439 = arith.constant 16 : i32
      %mul3A_440 = arith.muli %scan3A_437, %mul3A_439 : i32
      %add3A_441 = vector.broadcast %mul3A_440 : i32 to vector<16xi32>
      %add3A_442 = arith.addi %add3A_441, %iota3A : vector<16xi32>
      %jit3A = arith.constant 10 : i32
      %div3A = vector.broadcast %jit3A : i32 to vector<16xi32>
      %div3A_443 = arith.divsi %add3A_442, %div3A : vector<16xi32>
      %sign3A = arith.constant 0 : i32
      %sign3A_444 = vector.broadcast %sign3A : i32 to vector<16xi32>
      %sign3A_445 = arith.cmpi sgt, %add3A_442, %sign3A_444 : vector<16xi32>
      %sign3A_446 = arith.extui %sign3A_445 : vector<16xi1> to vector<16xi32>
      %sign3A_447 = arith.constant 0 : i32
      %sign3A_448 = vector.broadcast %sign3A_447 : i32 to vector<16xi32>
      %sign3A_449 = arith.cmpi slt, %add3A_442, %sign3A_448 : vector<16xi32>
      %sign3A_450 = arith.extui %sign3A_449 : vector<16xi1> to vector<16xi32>
      %sign3A_451 = arith.subi %sign3A_446, %sign3A_450 : vector<16xi32>
      %sign3A_452 = arith.constant 0 : i32
      %sign3A_453 = arith.cmpi sgt, %jit3A, %sign3A_452 : i32
      %sign3A_454 = arith.extui %sign3A_453 : i1 to i32
      %sign3A_455 = arith.constant 0 : i32
      %sign3A_456 = arith.cmpi slt, %jit3A, %sign3A_455 : i32
      %sign3A_457 = arith.extui %sign3A_456 : i1 to i32
      %sign3A_458 = arith.subi %sign3A_454, %sign3A_457 : i32
      %ne3A = vector.broadcast %sign3A_458 : i32 to vector<16xi32>
      %ne3A_459 = arith.cmpi ne, %sign3A_451, %ne3A : vector<16xi32>
      %rem3A = vector.broadcast %jit3A : i32 to vector<16xi32>
      %rem3A_460 = arith.remsi %add3A_442, %rem3A : vector<16xi32>
      %ne3A_461 = arith.constant 0 : i32
      %ne3A_462 = vector.broadcast %ne3A_461 : i32 to vector<16xi32>
      %ne3A_463 = arith.cmpi ne, %rem3A_460, %ne3A_462 : vector<16xi32>
      %and3A = arith.andi %ne3A_459, %ne3A_463 : vector<16xi1>
      %sub3A = arith.constant 1 : i32
      %sub3A_464 = vector.broadcast %sub3A : i32 to vector<16xi32>
      %sub3A_465 = arith.subi %div3A_443, %sub3A_464 : vector<16xi32>
      %select_n3A = arith.select %and3A, %sub3A_465, %div3A_443 : vector<16xi1>, vector<16xi32>
      %mul3A_466 = arith.constant 10 : i32
      %mul3A_467 = vector.broadcast %mul3A_466 : i32 to vector<16xi32>
      %mul3A_468 = arith.muli %select_n3A, %mul3A_467 : vector<16xi32>
      %sub3A_469 = arith.subi %add3A_442, %mul3A_468 : vector<16xi32>
      %gather3A = tpu.vector_load_idx %arg11[%sub3A_469, %select_n3A] : memref<10x128xi32, #tpu.memory_space<vmem>>[vector<16xi32>, vector<16xi32>], vector<16xi32>,
      %mul3A_470 = arith.constant 16 : i32
      %mul3A_471 = arith.muli %scan3A_437, %mul3A_470 : i32
      %swap3A = arith.index_cast %mul3A_471 : i32 to index
      %swap3A_472 = tpu.vector_load %arg12[%swap3A] {strides = array<i32>} : memref<1280xi32, #tpu.memory_space<vmem>>, vector<16xi32>,
      tpu.vector_store %arg12[%swap3A], %gather3A {strides = array<i32>} : memref<1280xi32, #tpu.memory_space<vmem>>, vector<16xi32>,
      %scan3A_473 = arith.constant 0 : i32
      scf.yield %scan3A_473 : i32
    }
    %scan3A_158 = arith.constant 80 : i32
    %dma_start3A_159 = arith.constant 0 : i32
    %dma_start3A_160 = tpu.memref_slice %arg12[%dma_start3A_159] : memref<1280xi32, #tpu.memory_space<vmem>> -> memref<160xi32, #tpu.memory_space<vmem>>
    %dma_start3A_161 = arith.constant 0 : i32
    %dma_start3A_162 = arith.constant 0 : i32
    %dma_start3A_163 = tpu.memref_slice %arg7[%dma_start3A_161, %dma_start3A_162] : memref<100000x128xf32, #tpu.memory_space<hbm>> -> memref<100000x128xf32, #tpu.memory_space<hbm>>
    tpu.enqueue_indirect_dma source(%dma_start3A_163 : memref<100000x128xf32, #tpu.memory_space<hbm>>) target(%arg14 : memref<160x128xf32, #tpu.memory_space<vmem>>) offsets(%dma_start3A_160 : memref<160xi32, #tpu.memory_space<vmem>>) semaphore(%arg19 : memref<!tpu.dma_semaphore, #tpu.memory_space<semaphore_mem>>)
    %dma_start3A_164 = arith.constant 160 : i32
    %dma_start3A_165 = tpu.memref_slice %arg12[%dma_start3A_164] : memref<1280xi32, #tpu.memory_space<vmem>> -> memref<160xi32, #tpu.memory_space<vmem>>
    %dma_start3A_166 = arith.constant 0 : i32
    %dma_start3A_167 = arith.constant 0 : i32
    %dma_start3A_168 = tpu.memref_slice %arg7[%dma_start3A_166, %dma_start3A_167] : memref<100000x128xf32, #tpu.memory_space<hbm>> -> memref<100000x128xf32, #tpu.memory_space<hbm>>
    tpu.enqueue_indirect_dma source(%dma_start3A_168 : memref<100000x128xf32, #tpu.memory_space<hbm>>) target(%arg15 : memref<160x128xf32, #tpu.memory_space<vmem>>) offsets(%dma_start3A_165 : memref<160xi32, #tpu.memory_space<vmem>>) semaphore(%arg20 : memref<!tpu.dma_semaphore, #tpu.memory_space<semaphore_mem>>)
    %dma_wait3A = arith.constant 0 : i32
    %dma_wait3A_169 = arith.constant 0 : i32
    %dma_wait3A_170 = tpu.memref_slice %arg6[%dma_wait3A, %dma_wait3A_169] : memref<100000x128xf32, #tpu.memory_space<hbm>> -> memref<100000x128xf32, #tpu.memory_space<hbm>>
    tpu.wait_indirect_dma semaphore(%arg18 : memref<!tpu.dma_semaphore, #tpu.memory_space<semaphore_mem>>) src(%dma_wait3A_170 : memref<100000x128xf32, #tpu.memory_space<hbm>>) dst(%arg13 : memref<128x128xf32, #tpu.memory_space<vmem>>)
    %dma_wait3A_171 = arith.constant 0 : i32
    %dma_wait3A_172 = arith.constant 0 : i32
    %dma_wait3A_173 = tpu.memref_slice %arg9[%dma_wait3A_171, %dma_wait3A_172] : memref<20x128xi32, #tpu.memory_space<vmem>> -> memref<1x128xi32, #tpu.memory_space<vmem>>
    %dma_wait3A_174 = tpu.memref_squeeze %dma_wait3A_173 : memref<1x128xi32, #tpu.memory_space<vmem>> -> memref<128xi32, #tpu.memory_space<vmem>>
    %dma_wait3A_175 = arith.constant 0 : i32
    %dma_wait3A_176 = arith.constant 0 : i32
    %dma_wait3A_177 = tpu.memref_slice %arg5[%dma_wait3A_175, %dma_wait3A_176] : memref<100000x128xf32, #tpu.memory_space<hbm>> -> memref<100000x128xf32, #tpu.memory_space<hbm>>
    tpu.wait_indirect_dma semaphore(%arg18 : memref<!tpu.dma_semaphore, #tpu.memory_space<semaphore_mem>>) src(%dma_wait3A_177 : memref<100000x128xf32, #tpu.memory_space<hbm>>) dst(%arg13 : memref<128x128xf32, #tpu.memory_space<vmem>>)
    %dma_wait3A_178 = arith.constant 1 : i32
    %dma_wait3A_179 = arith.constant 0 : i32
    %dma_wait3A_180 = tpu.memref_slice %arg9[%dma_wait3A_178, %dma_wait3A_179] : memref<20x128xi32, #tpu.memory_space<vmem>> -> memref<1x128xi32, #tpu.memory_space<vmem>>
    %dma_wait3A_181 = tpu.memref_squeeze %dma_wait3A_180 : memref<1x128xi32, #tpu.memory_space<vmem>> -> memref<128xi32, #tpu.memory_space<vmem>>
    %dma_wait3A_182 = arith.constant 0 : i32
    %dma_wait3A_183 = arith.constant 0 : i32
    %dma_wait3A_184 = tpu.memref_slice %arg5[%dma_wait3A_182, %dma_wait3A_183] : memref<100000x128xf32, #tpu.memory_space<hbm>> -> memref<100000x128xf32, #tpu.memory_space<hbm>>
    tpu.wait_indirect_dma semaphore(%arg18 : memref<!tpu.dma_semaphore, #tpu.memory_space<semaphore_mem>>) src(%dma_wait3A_184 : memref<100000x128xf32, #tpu.memory_space<hbm>>) dst(%arg13 : memref<128x128xf32, #tpu.memory_space<vmem>>)
    %dma_wait3A_185 = arith.constant 2 : i32
    %dma_wait3A_186 = arith.constant 0 : i32
    %dma_wait3A_187 = tpu.memref_slice %arg9[%dma_wait3A_185, %dma_wait3A_186] : memref<20x128xi32, #tpu.memory_space<vmem>> -> memref<1x128xi32, #tpu.memory_space<vmem>>
    %dma_wait3A_188 = tpu.memref_squeeze %dma_wait3A_187 : memref<1x128xi32, #tpu.memory_space<vmem>> -> memref<128xi32, #tpu.memory_space<vmem>>
    %dma_wait3A_189 = arith.constant 0 : i32
    %dma_wait3A_190 = arith.constant 0 : i32
    %dma_wait3A_191 = tpu.memref_slice %arg5[%dma_wait3A_189, %dma_wait3A_190] : memref<100000x128xf32, #tpu.memory_space<hbm>> -> memref<100000x128xf32, #tpu.memory_space<hbm>>
    tpu.wait_indirect_dma semaphore(%arg18 : memref<!tpu.dma_semaphore, #tpu.memory_space<semaphore_mem>>) src(%dma_wait3A_191 : memref<100000x128xf32, #tpu.memory_space<hbm>>) dst(%arg13 : memref<128x128xf32, #tpu.memory_space<vmem>>)
    %dma_wait3A_192 = arith.constant 3 : i32
    %dma_wait3A_193 = arith.constant 0 : i32
    %dma_wait3A_194 = tpu.memref_slice %arg9[%dma_wait3A_192, %dma_wait3A_193] : memref<20x128xi32, #tpu.memory_space<vmem>> -> memref<1x128xi32, #tpu.memory_space<vmem>>
    %dma_wait3A_195 = tpu.memref_squeeze %dma_wait3A_194 : memref<1x128xi32, #tpu.memory_space<vmem>> -> memref<128xi32, #tpu.memory_space<vmem>>
    %dma_wait3A_196 = arith.constant 0 : i32
    %dma_wait3A_197 = arith.constant 0 : i32
    %dma_wait3A_198 = tpu.memref_slice %arg5[%dma_wait3A_196, %dma_wait3A_197] : memref<100000x128xf32, #tpu.memory_space<hbm>> -> memref<100000x128xf32, #tpu.memory_space<hbm>>
    tpu.wait_indirect_dma semaphore(%arg18 : memref<!tpu.dma_semaphore, #tpu.memory_space<semaphore_mem>>) src(%dma_wait3A_198 : memref<100000x128xf32, #tpu.memory_space<hbm>>) dst(%arg13 : memref<128x128xf32, #tpu.memory_space<vmem>>)
    %dma_wait3A_199 = arith.constant 4 : i32
    %dma_wait3A_200 = arith.constant 0 : i32
    %dma_wait3A_201 = tpu.memref_slice %arg9[%dma_wait3A_199, %dma_wait3A_200] : memref<20x128xi32, #tpu.memory_space<vmem>> -> memref<1x128xi32, #tpu.memory_space<vmem>>
    %dma_wait3A_202 = tpu.memref_squeeze %dma_wait3A_201 : memref<1x128xi32, #tpu.memory_space<vmem>> -> memref<128xi32, #tpu.memory_space<vmem>>
    %dma_wait3A_203 = arith.constant 0 : i32
    %dma_wait3A_204 = arith.constant 0 : i32
    %dma_wait3A_205 = tpu.memref_slice %arg5[%dma_wait3A_203, %dma_wait3A_204] : memref<100000x128xf32, #tpu.memory_space<hbm>> -> memref<100000x128xf32, #tpu.memory_space<hbm>>
    tpu.wait_indirect_dma semaphore(%arg18 : memref<!tpu.dma_semaphore, #tpu.memory_space<semaphore_mem>>) src(%dma_wait3A_205 : memref<100000x128xf32, #tpu.memory_space<hbm>>) dst(%arg13 : memref<128x128xf32, #tpu.memory_space<vmem>>)
    %dma_wait3A_206 = arith.constant 5 : i32
    %dma_wait3A_207 = arith.constant 0 : i32
    %dma_wait3A_208 = tpu.memref_slice %arg9[%dma_wait3A_206, %dma_wait3A_207] : memref<20x128xi32, #tpu.memory_space<vmem>> -> memref<1x128xi32, #tpu.memory_space<vmem>>
    %dma_wait3A_209 = tpu.memref_squeeze %dma_wait3A_208 : memref<1x128xi32, #tpu.memory_space<vmem>> -> memref<128xi32, #tpu.memory_space<vmem>>
    %dma_wait3A_210 = arith.constant 0 : i32
    %dma_wait3A_211 = arith.constant 0 : i32
    %dma_wait3A_212 = tpu.memref_slice %arg5[%dma_wait3A_210, %dma_wait3A_211] : memref<100000x128xf32, #tpu.memory_space<hbm>> -> memref<100000x128xf32, #tpu.memory_space<hbm>>
    tpu.wait_indirect_dma semaphore(%arg18 : memref<!tpu.dma_semaphore, #tpu.memory_space<semaphore_mem>>) src(%dma_wait3A_212 : memref<100000x128xf32, #tpu.memory_space<hbm>>) dst(%arg13 : memref<128x128xf32, #tpu.memory_space<vmem>>)
    %dma_wait3A_213 = arith.constant 6 : i32
    %dma_wait3A_214 = arith.constant 0 : i32
    %dma_wait3A_215 = tpu.memref_slice %arg9[%dma_wait3A_213, %dma_wait3A_214] : memref<20x128xi32, #tpu.memory_space<vmem>> -> memref<1x128xi32, #tpu.memory_space<vmem>>
    %dma_wait3A_216 = tpu.memref_squeeze %dma_wait3A_215 : memref<1x128xi32, #tpu.memory_space<vmem>> -> memref<128xi32, #tpu.memory_space<vmem>>
    %dma_wait3A_217 = arith.constant 0 : i32
    %dma_wait3A_218 = arith.constant 0 : i32
    %dma_wait3A_219 = tpu.memref_slice %arg5[%dma_wait3A_217, %dma_wait3A_218] : memref<100000x128xf32, #tpu.memory_space<hbm>> -> memref<100000x128xf32, #tpu.memory_space<hbm>>
    tpu.wait_indirect_dma semaphore(%arg18 : memref<!tpu.dma_semaphore, #tpu.memory_space<semaphore_mem>>) src(%dma_wait3A_219 : memref<100000x128xf32, #tpu.memory_space<hbm>>) dst(%arg13 : memref<128x128xf32, #tpu.memory_space<vmem>>)
    %dma_wait3A_220 = arith.constant 7 : i32
    %dma_wait3A_221 = arith.constant 0 : i32
    %dma_wait3A_222 = tpu.memref_slice %arg9[%dma_wait3A_220, %dma_wait3A_221] : memref<20x128xi32, #tpu.memory_space<vmem>> -> memref<1x128xi32, #tpu.memory_space<vmem>>
    %dma_wait3A_223 = tpu.memref_squeeze %dma_wait3A_222 : memref<1x128xi32, #tpu.memory_space<vmem>> -> memref<128xi32, #tpu.memory_space<vmem>>
    %dma_wait3A_224 = arith.constant 0 : i32
    %dma_wait3A_225 = arith.constant 0 : i32
    %dma_wait3A_226 = tpu.memref_slice %arg5[%dma_wait3A_224, %dma_wait3A_225] : memref<100000x128xf32, #tpu.memory_space<hbm>> -> memref<100000x128xf32, #tpu.memory_space<hbm>>
    tpu.wait_indirect_dma semaphore(%arg18 : memref<!tpu.dma_semaphore, #tpu.memory_space<semaphore_mem>>) src(%dma_wait3A_226 : memref<100000x128xf32, #tpu.memory_space<hbm>>) dst(%arg13 : memref<128x128xf32, #tpu.memory_space<vmem>>)
    %dma_wait3A_227 = arith.constant 8 : i32
    %dma_wait3A_228 = arith.constant 0 : i32
    %dma_wait3A_229 = tpu.memref_slice %arg9[%dma_wait3A_227, %dma_wait3A_228] : memref<20x128xi32, #tpu.memory_space<vmem>> -> memref<1x128xi32, #tpu.memory_space<vmem>>
    %dma_wait3A_230 = tpu.memref_squeeze %dma_wait3A_229 : memref<1x128xi32, #tpu.memory_space<vmem>> -> memref<128xi32, #tpu.memory_space<vmem>>
    %dma_wait3A_231 = arith.constant 0 : i32
    %dma_wait3A_232 = arith.constant 0 : i32
    %dma_wait3A_233 = tpu.memref_slice %arg5[%dma_wait3A_231, %dma_wait3A_232] : memref<100000x128xf32, #tpu.memory_space<hbm>> -> memref<100000x128xf32, #tpu.memory_space<hbm>>
    tpu.wait_indirect_dma semaphore(%arg18 : memref<!tpu.dma_semaphore, #tpu.memory_space<semaphore_mem>>) src(%dma_wait3A_233 : memref<100000x128xf32, #tpu.memory_space<hbm>>) dst(%arg13 : memref<128x128xf32, #tpu.memory_space<vmem>>)
    %dma_wait3A_234 = arith.constant 9 : i32
    %dma_wait3A_235 = arith.constant 0 : i32
    %dma_wait3A_236 = tpu.memref_slice %arg9[%dma_wait3A_234, %dma_wait3A_235] : memref<20x128xi32, #tpu.memory_space<vmem>> -> memref<1x128xi32, #tpu.memory_space<vmem>>
    %dma_wait3A_237 = tpu.memref_squeeze %dma_wait3A_236 : memref<1x128xi32, #tpu.memory_space<vmem>> -> memref<128xi32, #tpu.memory_space<vmem>>
    %dma_wait3A_238 = arith.constant 0 : i32
    %dma_wait3A_239 = arith.constant 0 : i32
    %dma_wait3A_240 = tpu.memref_slice %arg5[%dma_wait3A_238, %dma_wait3A_239] : memref<100000x128xf32, #tpu.memory_space<hbm>> -> memref<100000x128xf32, #tpu.memory_space<hbm>>
    tpu.wait_indirect_dma semaphore(%arg18 : memref<!tpu.dma_semaphore, #tpu.memory_space<semaphore_mem>>) src(%dma_wait3A_240 : memref<100000x128xf32, #tpu.memory_space<hbm>>) dst(%arg13 : memref<128x128xf32, #tpu.memory_space<vmem>>)
    %dma_wait3A_241 = arith.constant 10 : i32
    %dma_wait3A_242 = arith.constant 0 : i32
    %dma_wait3A_243 = tpu.memref_slice %arg9[%dma_wait3A_241, %dma_wait3A_242] : memref<20x128xi32, #tpu.memory_space<vmem>> -> memref<1x128xi32, #tpu.memory_space<vmem>>
    %dma_wait3A_244 = tpu.memref_squeeze %dma_wait3A_243 : memref<1x128xi32, #tpu.memory_space<vmem>> -> memref<128xi32, #tpu.memory_space<vmem>>
    %dma_wait3A_245 = arith.constant 0 : i32
    %dma_wait3A_246 = arith.constant 0 : i32
    %dma_wait3A_247 = tpu.memref_slice %arg5[%dma_wait3A_245, %dma_wait3A_246] : memref<100000x128xf32, #tpu.memory_space<hbm>> -> memref<100000x128xf32, #tpu.memory_space<hbm>>
    tpu.wait_indirect_dma semaphore(%arg18 : memref<!tpu.dma_semaphore, #tpu.memory_space<semaphore_mem>>) src(%dma_wait3A_247 : memref<100000x128xf32, #tpu.memory_space<hbm>>) dst(%arg13 : memref<128x128xf32, #tpu.memory_space<vmem>>)
    %dma_wait3A_248 = arith.constant 11 : i32
    %dma_wait3A_249 = arith.constant 0 : i32
    %dma_wait3A_250 = tpu.memref_slice %arg9[%dma_wait3A_248, %dma_wait3A_249] : memref<20x128xi32, #tpu.memory_space<vmem>> -> memref<1x128xi32, #tpu.memory_space<vmem>>
    %dma_wait3A_251 = tpu.memref_squeeze %dma_wait3A_250 : memref<1x128xi32, #tpu.memory_space<vmem>> -> memref<128xi32, #tpu.memory_space<vmem>>
    %dma_wait3A_252 = arith.constant 0 : i32
    %dma_wait3A_253 = arith.constant 0 : i32
    %dma_wait3A_254 = tpu.memref_slice %arg5[%dma_wait3A_252, %dma_wait3A_253] : memref<100000x128xf32, #tpu.memory_space<hbm>> -> memref<100000x128xf32, #tpu.memory_space<hbm>>
    tpu.wait_indirect_dma semaphore(%arg18 : memref<!tpu.dma_semaphore, #tpu.memory_space<semaphore_mem>>) src(%dma_wait3A_254 : memref<100000x128xf32, #tpu.memory_space<hbm>>) dst(%arg13 : memref<128x128xf32, #tpu.memory_space<vmem>>)
    %dma_wait3A_255 = arith.constant 12 : i32
    %dma_wait3A_256 = arith.constant 0 : i32
    %dma_wait3A_257 = tpu.memref_slice %arg9[%dma_wait3A_255, %dma_wait3A_256] : memref<20x128xi32, #tpu.memory_space<vmem>> -> memref<1x128xi32, #tpu.memory_space<vmem>>
    %dma_wait3A_258 = tpu.memref_squeeze %dma_wait3A_257 : memref<1x128xi32, #tpu.memory_space<vmem>> -> memref<128xi32, #tpu.memory_space<vmem>>
    %dma_wait3A_259 = arith.constant 0 : i32
    %dma_wait3A_260 = arith.constant 0 : i32
    %dma_wait3A_261 = tpu.memref_slice %arg5[%dma_wait3A_259, %dma_wait3A_260] : memref<100000x128xf32, #tpu.memory_space<hbm>> -> memref<100000x128xf32, #tpu.memory_space<hbm>>
    tpu.wait_indirect_dma semaphore(%arg18 : memref<!tpu.dma_semaphore, #tpu.memory_space<semaphore_mem>>) src(%dma_wait3A_261 : memref<100000x128xf32, #tpu.memory_space<hbm>>) dst(%arg13 : memref<128x128xf32, #tpu.memory_space<vmem>>)
    %dma_wait3A_262 = arith.constant 13 : i32
    %dma_wait3A_263 = arith.constant 0 : i32
    %dma_wait3A_264 = tpu.memref_slice %arg9[%dma_wait3A_262, %dma_wait3A_263] : memref<20x128xi32, #tpu.memory_space<vmem>> -> memref<1x128xi32, #tpu.memory_space<vmem>>
    %dma_wait3A_265 = tpu.memref_squeeze %dma_wait3A_264 : memref<1x128xi32, #tpu.memory_space<vmem>> -> memref<128xi32, #tpu.memory_space<vmem>>
    %dma_wait3A_266 = arith.constant 0 : i32
    %dma_wait3A_267 = arith.constant 0 : i32
    %dma_wait3A_268 = tpu.memref_slice %arg5[%dma_wait3A_266, %dma_wait3A_267] : memref<100000x128xf32, #tpu.memory_space<hbm>> -> memref<100000x128xf32, #tpu.memory_space<hbm>>
    tpu.wait_indirect_dma semaphore(%arg18 : memref<!tpu.dma_semaphore, #tpu.memory_space<semaphore_mem>>) src(%dma_wait3A_268 : memref<100000x128xf32, #tpu.memory_space<hbm>>) dst(%arg13 : memref<128x128xf32, #tpu.memory_space<vmem>>)
    %dma_wait3A_269 = arith.constant 14 : i32
    %dma_wait3A_270 = arith.constant 0 : i32
    %dma_wait3A_271 = tpu.memref_slice %arg9[%dma_wait3A_269, %dma_wait3A_270] : memref<20x128xi32, #tpu.memory_space<vmem>> -> memref<1x128xi32, #tpu.memory_space<vmem>>
    %dma_wait3A_272 = tpu.memref_squeeze %dma_wait3A_271 : memref<1x128xi32, #tpu.memory_space<vmem>> -> memref<128xi32, #tpu.memory_space<vmem>>
    %dma_wait3A_273 = arith.constant 0 : i32
    %dma_wait3A_274 = arith.constant 0 : i32
    %dma_wait3A_275 = tpu.memref_slice %arg5[%dma_wait3A_273, %dma_wait3A_274] : memref<100000x128xf32, #tpu.memory_space<hbm>> -> memref<100000x128xf32, #tpu.memory_space<hbm>>
    tpu.wait_indirect_dma semaphore(%arg18 : memref<!tpu.dma_semaphore, #tpu.memory_space<semaphore_mem>>) src(%dma_wait3A_275 : memref<100000x128xf32, #tpu.memory_space<hbm>>) dst(%arg13 : memref<128x128xf32, #tpu.memory_space<vmem>>)
    %dma_wait3A_276 = arith.constant 15 : i32
    %dma_wait3A_277 = arith.constant 0 : i32
    %dma_wait3A_278 = tpu.memref_slice %arg9[%dma_wait3A_276, %dma_wait3A_277] : memref<20x128xi32, #tpu.memory_space<vmem>> -> memref<1x128xi32, #tpu.memory_space<vmem>>
    %dma_wait3A_279 = tpu.memref_squeeze %dma_wait3A_278 : memref<1x128xi32, #tpu.memory_space<vmem>> -> memref<128xi32, #tpu.memory_space<vmem>>
    %dma_wait3A_280 = arith.constant 0 : i32
    %dma_wait3A_281 = arith.constant 0 : i32
    %dma_wait3A_282 = tpu.memref_slice %arg5[%dma_wait3A_280, %dma_wait3A_281] : memref<100000x128xf32, #tpu.memory_space<hbm>> -> memref<100000x128xf32, #tpu.memory_space<hbm>>
    tpu.wait_indirect_dma semaphore(%arg18 : memref<!tpu.dma_semaphore, #tpu.memory_space<semaphore_mem>>) src(%dma_wait3A_282 : memref<100000x128xf32, #tpu.memory_space<hbm>>) dst(%arg13 : memref<128x128xf32, #tpu.memory_space<vmem>>)
    %dma_wait3A_283 = arith.constant 16 : i32
    %dma_wait3A_284 = arith.constant 0 : i32
    %dma_wait3A_285 = tpu.memref_slice %arg9[%dma_wait3A_283, %dma_wait3A_284] : memref<20x128xi32, #tpu.memory_space<vmem>> -> memref<1x128xi32, #tpu.memory_space<vmem>>
    %dma_wait3A_286 = tpu.memref_squeeze %dma_wait3A_285 : memref<1x128xi32, #tpu.memory_space<vmem>> -> memref<128xi32, #tpu.memory_space<vmem>>
    %dma_wait3A_287 = arith.constant 0 : i32
    %dma_wait3A_288 = arith.constant 0 : i32
    %dma_wait3A_289 = tpu.memref_slice %arg5[%dma_wait3A_287, %dma_wait3A_288] : memref<100000x128xf32, #tpu.memory_space<hbm>> -> memref<100000x128xf32, #tpu.memory_space<hbm>>
    tpu.wait_indirect_dma semaphore(%arg18 : memref<!tpu.dma_semaphore, #tpu.memory_space<semaphore_mem>>) src(%dma_wait3A_289 : memref<100000x128xf32, #tpu.memory_space<hbm>>) dst(%arg13 : memref<128x128xf32, #tpu.memory_space<vmem>>)
    %dma_wait3A_290 = arith.constant 17 : i32
    %dma_wait3A_291 = arith.constant 0 : i32
    %dma_wait3A_292 = tpu.memref_slice %arg9[%dma_wait3A_290, %dma_wait3A_291] : memref<20x128xi32, #tpu.memory_space<vmem>> -> memref<1x128xi32, #tpu.memory_space<vmem>>
    %dma_wait3A_293 = tpu.memref_squeeze %dma_wait3A_292 : memref<1x128xi32, #tpu.memory_space<vmem>> -> memref<128xi32, #tpu.memory_space<vmem>>
    %dma_wait3A_294 = arith.constant 0 : i32
    %dma_wait3A_295 = arith.constant 0 : i32
    %dma_wait3A_296 = tpu.memref_slice %arg5[%dma_wait3A_294, %dma_wait3A_295] : memref<100000x128xf32, #tpu.memory_space<hbm>> -> memref<100000x128xf32, #tpu.memory_space<hbm>>
    tpu.wait_indirect_dma semaphore(%arg18 : memref<!tpu.dma_semaphore, #tpu.memory_space<semaphore_mem>>) src(%dma_wait3A_296 : memref<100000x128xf32, #tpu.memory_space<hbm>>) dst(%arg13 : memref<128x128xf32, #tpu.memory_space<vmem>>)
    %dma_wait3A_297 = arith.constant 18 : i32
    %dma_wait3A_298 = arith.constant 0 : i32
    %dma_wait3A_299 = tpu.memref_slice %arg9[%dma_wait3A_297, %dma_wait3A_298] : memref<20x128xi32, #tpu.memory_space<vmem>> -> memref<1x128xi32, #tpu.memory_space<vmem>>
    %dma_wait3A_300 = tpu.memref_squeeze %dma_wait3A_299 : memref<1x128xi32, #tpu.memory_space<vmem>> -> memref<128xi32, #tpu.memory_space<vmem>>
    %dma_wait3A_301 = arith.constant 0 : i32
    %dma_wait3A_302 = arith.constant 0 : i32
    %dma_wait3A_303 = tpu.memref_slice %arg5[%dma_wait3A_301, %dma_wait3A_302] : memref<100000x128xf32, #tpu.memory_space<hbm>> -> memref<100000x128xf32, #tpu.memory_space<hbm>>
    tpu.wait_indirect_dma semaphore(%arg18 : memref<!tpu.dma_semaphore, #tpu.memory_space<semaphore_mem>>) src(%dma_wait3A_303 : memref<100000x128xf32, #tpu.memory_space<hbm>>) dst(%arg13 : memref<128x128xf32, #tpu.memory_space<vmem>>)
    %dma_wait3A_304 = arith.constant 19 : i32
    %dma_wait3A_305 = arith.constant 0 : i32
    %dma_wait3A_306 = tpu.memref_slice %arg9[%dma_wait3A_304, %dma_wait3A_305] : memref<20x128xi32, #tpu.memory_space<vmem>> -> memref<1x128xi32, #tpu.memory_space<vmem>>
    %dma_wait3A_307 = tpu.memref_squeeze %dma_wait3A_306 : memref<1x128xi32, #tpu.memory_space<vmem>> -> memref<128xi32, #tpu.memory_space<vmem>>
    %dma_wait3A_308 = arith.constant 0 : i32
    %dma_wait3A_309 = arith.constant 0 : i32
    %dma_wait3A_310 = tpu.memref_slice %arg5[%dma_wait3A_308, %dma_wait3A_309] : memref<100000x128xf32, #tpu.memory_space<hbm>> -> memref<100000x128xf32, #tpu.memory_space<hbm>>
    tpu.wait_indirect_dma semaphore(%arg18 : memref<!tpu.dma_semaphore, #tpu.memory_space<semaphore_mem>>) src(%dma_wait3A_310 : memref<100000x128xf32, #tpu.memory_space<hbm>>) dst(%arg13 : memref<128x128xf32, #tpu.memory_space<vmem>>)
    %eq3A = arith.constant 0 : i32
    %eq3A_311 = vector.broadcast %eq3A : i32 to vector<16xi32>
    %eq3A_312 = arith.cmpi eq, %iota3A, %eq3A_311 : vector<16xi32>
    %eq3A_313 = arith.constant 1 : i32
    %eq3A_314 = vector.broadcast %eq3A_313 : i32 to vector<16xi32>
    %eq3A_315 = arith.cmpi eq, %iota3A, %eq3A_314 : vector<16xi32>
    %eq3A_316 = arith.constant 2 : i32
    %eq3A_317 = vector.broadcast %eq3A_316 : i32 to vector<16xi32>
    %eq3A_318 = arith.cmpi eq, %iota3A, %eq3A_317 : vector<16xi32>
    %eq3A_319 = arith.constant 3 : i32
    %eq3A_320 = vector.broadcast %eq3A_319 : i32 to vector<16xi32>
    %eq3A_321 = arith.cmpi eq, %iota3A, %eq3A_320 : vector<16xi32>
    %eq3A_322 = arith.constant 4 : i32
    %eq3A_323 = vector.broadcast %eq3A_322 : i32 to vector<16xi32>
    %eq3A_324 = arith.cmpi eq, %iota3A, %eq3A_323 : vector<16xi32>
    %eq3A_325 = arith.constant 5 : i32
    %eq3A_326 = vector.broadcast %eq3A_325 : i32 to vector<16xi32>
    %eq3A_327 = arith.cmpi eq, %iota3A, %eq3A_326 : vector<16xi32>
    %eq3A_328 = arith.constant 6 : i32
    %eq3A_329 = vector.broadcast %eq3A_328 : i32 to vector<16xi32>
    %eq3A_330 = arith.cmpi eq, %iota3A, %eq3A_329 : vector<16xi32>
    %eq3A_331 = arith.constant 7 : i32
    %eq3A_332 = vector.broadcast %eq3A_331 : i32 to vector<16xi32>
    %eq3A_333 = arith.cmpi eq, %iota3A, %eq3A_332 : vector<16xi32>
    %eq3A_334 = arith.constant 8 : i32
    %eq3A_335 = vector.broadcast %eq3A_334 : i32 to vector<16xi32>
    %eq3A_336 = arith.cmpi eq, %iota3A, %eq3A_335 : vector<16xi32>
    %eq3A_337 = arith.constant 9 : i32
    %eq3A_338 = vector.broadcast %eq3A_337 : i32 to vector<16xi32>
    %eq3A_339 = arith.cmpi eq, %iota3A, %eq3A_338 : vector<16xi32>
    %add3A_340 = arith.constant 0 : i32
    %add3A_341 = vector.broadcast %add3A_340 : i32 to vector<16xi32>
    %add3A_342 = arith.addi %iota3A, %add3A_341 : vector<16xi32>
    %mul3A_343 = arith.constant 16 : i32
    %mul3A_344 = vector.broadcast %mul3A_343 : i32 to vector<16xi32>
    %mul3A_345 = arith.muli %add3A_342, %mul3A_344 : vector<16xi32>
    %add3A_346 = arith.constant 0 : i32
    %add3A_347 = vector.broadcast %add3A_346 : i32 to vector<16xi32>
    %add3A_348 = arith.addi %mul3A_345, %add3A_347 : vector<16xi32>
    %add3A_349 = arith.constant 0 : i32
    %add3A_350 = vector.broadcast %add3A_349 : i32 to vector<16xi32>
    %add3A_351 = arith.addi %iota3A, %add3A_350 : vector<16xi32>
    %mul3A_352 = arith.constant 16 : i32
    %mul3A_353 = vector.broadcast %mul3A_352 : i32 to vector<16xi32>
    %mul3A_354 = arith.muli %add3A_351, %mul3A_353 : vector<16xi32>
    %add3A_355 = arith.constant 1 : i32
    %add3A_356 = vector.broadcast %add3A_355 : i32 to vector<16xi32>
    %add3A_357 = arith.addi %mul3A_354, %add3A_356 : vector<16xi32>
    %add3A_358 = arith.constant 0 : i32
    %add3A_359 = vector.broadcast %add3A_358 : i32 to vector<16xi32>
    %add3A_360 = arith.addi %iota3A, %add3A_359 : vector<16xi32>
    %mul3A_361 = arith.constant 16 : i32
    %mul3A_362 = vector.broadcast %mul3A_361 : i32 to vector<16xi32>
    %mul3A_363 = arith.muli %add3A_360, %mul3A_362 : vector<16xi32>
    %add3A_364 = arith.constant 2 : i32
    %add3A_365 = vector.broadcast %add3A_364 : i32 to vector<16xi32>
    %add3A_366 = arith.addi %mul3A_363, %add3A_365 : vector<16xi32>
    %add3A_367 = arith.constant 0 : i32
    %add3A_368 = vector.broadcast %add3A_367 : i32 to vector<16xi32>
    %add3A_369 = arith.addi %iota3A, %add3A_368 : vector<16xi32>
    %mul3A_370 = arith.constant 16 : i32
    %mul3A_371 = vector.broadcast %mul3A_370 : i32 to vector<16xi32>
    %mul3A_372 = arith.muli %add3A_369, %mul3A_371 : vector<16xi32>
    %add3A_373 = arith.constant 3 : i32
    %add3A_374 = vector.broadcast %add3A_373 : i32 to vector<16xi32>
    %add3A_375 = arith.addi %mul3A_372, %add3A_374 : vector<16xi32>
    %add3A_376 = arith.constant 0 : i32
    %add3A_377 = vector.broadcast %add3A_376 : i32 to vector<16xi32>
    %add3A_378 = arith.addi %iota3A, %add3A_377 : vector<16xi32>
    %mul3A_379 = arith.constant 16 : i32
    %mul3A_380 = vector.broadcast %mul3A_379 : i32 to vector<16xi32>
    %mul3A_381 = arith.muli %add3A_378, %mul3A_380 : vector<16xi32>
    %add3A_382 = arith.constant 4 : i32
    %add3A_383 = vector.broadcast %add3A_382 : i32 to vector<16xi32>
    %add3A_384 = arith.addi %mul3A_381, %add3A_383 : vector<16xi32>
    %add3A_385 = arith.constant 0 : i32
    %add3A_386 = vector.broadcast %add3A_385 : i32 to vector<16xi32>
    %add3A_387 = arith.addi %iota3A, %add3A_386 : vector<16xi32>
    %mul3A_388 = arith.constant 16 : i32
    %mul3A_389 = vector.broadcast %mul3A_388 : i32 to vector<16xi32>
    %mul3A_390 = arith.muli %add3A_387, %mul3A_389 : vector<16xi32>
    %add3A_391 = arith.constant 5 : i32
    %add3A_392 = vector.broadcast %add3A_391 : i32 to vector<16xi32>
    %add3A_393 = arith.addi %mul3A_390, %add3A_392 : vector<16xi32>
    %add3A_394 = arith.constant 0 : i32
    %add3A_395 = vector.broadcast %add3A_394 : i32 to vector<16xi32>
    %add3A_396 = arith.addi %iota3A, %add3A_395 : vector<16xi32>
    %mul3A_397 = arith.constant 16 : i32
    %mul3A_398 = vector.broadcast %mul3A_397 : i32 to vector<16xi32>
    %mul3A_399 = arith.muli %add3A_396, %mul3A_398 : vector<16xi32>
    %add3A_400 = arith.constant 6 : i32
    %add3A_401 = vector.broadcast %add3A_400 : i32 to vector<16xi32>
    %add3A_402 = arith.addi %mul3A_399, %add3A_401 : vector<16xi32>
    %add3A_403 = arith.constant 0 : i32
    %add3A_404 = vector.broadcast %add3A_403 : i32 to vector<16xi32>
    %add3A_405 = arith.addi %iota3A, %add3A_404 : vector<16xi32>
    %mul3A_406 = arith.constant 16 : i32
    %mul3A_407 = vector.broadcast %mul3A_406 : i32 to vector<16xi32>
    %mul3A_408 = arith.muli %add3A_405, %mul3A_407 : vector<16xi32>
    %add3A_409 = arith.constant 7 : i32
    %add3A_410 = vector.broadcast %add3A_409 : i32 to vector<16xi32>
    %add3A_411 = arith.addi %mul3A_408, %add3A_410 : vector<16xi32>
    %add3A_412 = arith.constant 0 : i32
    %add3A_413 = vector.broadcast %add3A_412 : i32 to vector<16xi32>
    %add3A_414 = arith.addi %iota3A, %add3A_413 : vector<16xi32>
    %mul3A_415 = arith.constant 16 : i32
    %mul3A_416 = vector.broadcast %mul3A_415 : i32 to vector<16xi32>
    %mul3A_417 = arith.muli %add3A_414, %mul3A_416 : vector<16xi32>
    %add3A_418 = arith.constant 8 : i32
    %add3A_419 = vector.broadcast %add3A_418 : i32 to vector<16xi32>
    %add3A_420 = arith.addi %mul3A_417, %add3A_419 : vector<16xi32>
    %add3A_421 = arith.constant 0 : i32
    %add3A_422 = vector.broadcast %add3A_421 : i32 to vector<16xi32>
    %add3A_423 = arith.addi %iota3A, %add3A_422 : vector<16xi32>
    %mul3A_424 = arith.constant 16 : i32
    %mul3A_425 = vector.broadcast %mul3A_424 : i32 to vector<16xi32>
    %mul3A_426 = arith.muli %add3A_423, %mul3A_425 : vector<16xi32>
    %add3A_427 = arith.constant 9 : i32
    %add3A_428 = vector.broadcast %add3A_427 : i32 to vector<16xi32>
    %add3A_429 = arith.addi %mul3A_426, %add3A_428 : vector<16xi32>
    %scan3A_430 = arith.constant 0 : i32
    %scan3A_431 = arith.constant 0 : i32
    %scan3A_432 = arith.constant 4 : i32
    %scan3A_433 = arith.addi %scan3A_431, %scan3A_432 : i32
    %scan3A_434 = arith.constant 1 : i32
    %scan3A_435 = scf.for %scan3A_437 = %scan3A_431 to %scan3A_433 step %scan3A_434 iter_args(%scan3A_438 = %scan3A_430) -> (i32)  : i32 {
      %mul3A_439 = arith.constant 2 : i32
      %mul3A_440 = arith.muli %mul3A_439, %scan3A_437 : i32
      %dma_wait3A_441 = arith.constant 0 : i32
      %dma_wait3A_442 = arith.constant 0 : i32
      %dma_wait3A_443 = tpu.memref_slice %arg7[%dma_wait3A_441, %dma_wait3A_442] : memref<100000x128xf32, #tpu.memory_space<hbm>> -> memref<160x128xf32, #tpu.memory_space<hbm>>
      %dma_wait3A_444 = arith.constant 0 : i32
      %dma_wait3A_445 = arith.constant 0 : i32
      %dma_wait3A_446 = tpu.memref_slice %arg7[%dma_wait3A_444, %dma_wait3A_445] : memref<100000x128xf32, #tpu.memory_space<hbm>> -> memref<160x128xf32, #tpu.memory_space<hbm>>
      tpu.wait_dma2 semaphore(%arg19 : memref<!tpu.dma_semaphore, #tpu.memory_space<semaphore_mem>>) src(%dma_wait3A_446 : memref<160x128xf32, #tpu.memory_space<hbm>>) dst(%arg14 : memref<160x128xf32, #tpu.memory_space<vmem>>)
      %scan3A_447 = arith.constant 0 : i32
      %scan3A_448 = arith.constant 0 : i32
      %scan3A_449 = arith.constant 16 : i32
      %scan3A_450 = arith.addi %scan3A_448, %scan3A_449 : i32
      %scan3A_451 = arith.constant 1 : i32
      %scan3A_452 = scf.for %scan3A_655 = %scan3A_448 to %scan3A_450 step %scan3A_451 iter_args(%scan3A_656 = %scan3A_447) -> (i32)  : i32 {
        %mul3A_657 = arith.constant 16 : i32
        %mul3A_658 = arith.muli %mul3A_440, %mul3A_657 : i32
        %add3A_659 = arith.addi %mul3A_658, %scan3A_655 : i32
        %get3A = arith.index_cast %add3A_659 : i32 to index
        %get3A_660 = arith.constant 0 : index
        %get3A_661 = tpu.vector_load %arg13[%get3A, %get3A_660] {strides = array<i32>} : memref<128x128xf32, #tpu.memory_space<vmem>>, vector<16xf32>,
        %get3A_662 = arith.index_cast %add3A_659 : i32 to index
        %get3A_663 = arith.constant 16 : index
        %get3A_664 = tpu.vector_load %arg13[%get3A_662, %get3A_663] {strides = array<i32>} : memref<128x128xf32, #tpu.memory_space<vmem>>, vector<16xf32>,
        %get3A_665 = arith.index_cast %add3A_659 : i32 to index
        %get3A_666 = arith.constant 32 : index
        %get3A_667 = tpu.vector_load %arg13[%get3A_665, %get3A_666] {strides = array<i32>} : memref<128x128xf32, #tpu.memory_space<vmem>>, vector<16xf32>,
        %get3A_668 = arith.index_cast %add3A_659 : i32 to index
        %get3A_669 = arith.constant 48 : index
        %get3A_670 = tpu.vector_load %arg13[%get3A_668, %get3A_669] {strides = array<i32>} : memref<128x128xf32, #tpu.memory_space<vmem>>, vector<16xf32>,
        %get3A_671 = arith.index_cast %add3A_659 : i32 to index
        %get3A_672 = arith.constant 64 : index
        %get3A_673 = tpu.vector_load %arg13[%get3A_671, %get3A_672] {strides = array<i32>} : memref<128x128xf32, #tpu.memory_space<vmem>>, vector<16xf32>,
        %get3A_674 = arith.index_cast %add3A_659 : i32 to index
        %get3A_675 = arith.constant 80 : index
        %get3A_676 = tpu.vector_load %arg13[%get3A_674, %get3A_675] {strides = array<i32>} : memref<128x128xf32, #tpu.memory_space<vmem>>, vector<16xf32>,
        %get3A_677 = arith.index_cast %add3A_659 : i32 to index
        %get3A_678 = arith.constant 96 : index
        %get3A_679 = tpu.vector_load %arg13[%get3A_677, %get3A_678] {strides = array<i32>} : memref<128x128xf32, #tpu.memory_space<vmem>>, vector<16xf32>,
        %get3A_680 = arith.index_cast %add3A_659 : i32 to index
        %get3A_681 = arith.constant 112 : index
        %get3A_682 = tpu.vector_load %arg13[%get3A_680, %get3A_681] {strides = array<i32>} : memref<128x128xf32, #tpu.memory_space<vmem>>, vector<16xf32>,
        %mul3A_683 = arith.constant 10 : i32
        %mul3A_684 = arith.muli %scan3A_655, %mul3A_683 : i32
        %add3A_685 = arith.constant 0 : i32
        %add3A_686 = arith.addi %mul3A_684, %add3A_685 : i32
        %get3A_687 = arith.index_cast %add3A_686 : i32 to index
        %get3A_688 = arith.constant 0 : index
        %get3A_689 = tpu.vector_load %arg14[%get3A_687, %get3A_688] {strides = array<i32>} : memref<160x128xf32, #tpu.memory_space<vmem>>, vector<16xf32>,
        %mul3A_690 = arith.mulf %get3A_661, %get3A_689 : vector<16xf32>
        %get3A_691 = arith.index_cast %add3A_686 : i32 to index
        %get3A_692 = arith.constant 16 : index
        %get3A_693 = tpu.vector_load %arg14[%get3A_691, %get3A_692] {strides = array<i32>} : memref<160x128xf32, #tpu.memory_space<vmem>>, vector<16xf32>,
        %mul3A_694 = arith.mulf %get3A_664, %get3A_693 : vector<16xf32>
        %add3A_695 = arith.addf %mul3A_690, %mul3A_694 : vector<16xf32>
        %get3A_696 = arith.index_cast %add3A_686 : i32 to index
        %get3A_697 = arith.constant 32 : index
        %get3A_698 = tpu.vector_load %arg14[%get3A_696, %get3A_697] {strides = array<i32>} : memref<160x128xf32, #tpu.memory_space<vmem>>, vector<16xf32>,
        %mul3A_699 = arith.mulf %get3A_667, %get3A_698 : vector<16xf32>
        %add3A_700 = arith.addf %add3A_695, %mul3A_699 : vector<16xf32>
        %get3A_701 = arith.index_cast %add3A_686 : i32 to index
        %get3A_702 = arith.constant 48 : index
        %get3A_703 = tpu.vector_load %arg14[%get3A_701, %get3A_702] {strides = array<i32>} : memref<160x128xf32, #tpu.memory_space<vmem>>, vector<16xf32>,
        %mul3A_704 = arith.mulf %get3A_670, %get3A_703 : vector<16xf32>
        %add3A_705 = arith.addf %add3A_700, %mul3A_704 : vector<16xf32>
        %get3A_706 = arith.index_cast %add3A_686 : i32 to index
        %get3A_707 = arith.constant 64 : index
        %get3A_708 = tpu.vector_load %arg14[%get3A_706, %get3A_707] {strides = array<i32>} : memref<160x128xf32, #tpu.memory_space<vmem>>, vector<16xf32>,
        %mul3A_709 = arith.mulf %get3A_673, %get3A_708 : vector<16xf32>
        %add3A_710 = arith.addf %add3A_705, %mul3A_709 : vector<16xf32>
        %get3A_711 = arith.index_cast %add3A_686 : i32 to index
        %get3A_712 = arith.constant 80 : index
        %get3A_713 = tpu.vector_load %arg14[%get3A_711, %get3A_712] {strides = array<i32>} : memref<160x128xf32, #tpu.memory_space<vmem>>, vector<16xf32>,
        %mul3A_714 = arith.mulf %get3A_676, %get3A_713 : vector<16xf32>
        %add3A_715 = arith.addf %add3A_710, %mul3A_714 : vector<16xf32>
        %get3A_716 = arith.index_cast %add3A_686 : i32 to index
        %get3A_717 = arith.constant 96 : index
        %get3A_718 = tpu.vector_load %arg14[%get3A_716, %get3A_717] {strides = array<i32>} : memref<160x128xf32, #tpu.memory_space<vmem>>, vector<16xf32>,
        %mul3A_719 = arith.mulf %get3A_679, %get3A_718 : vector<16xf32>
        %add3A_720 = arith.addf %add3A_715, %mul3A_719 : vector<16xf32>
        %get3A_721 = arith.index_cast %add3A_686 : i32 to index
        %get3A_722 = arith.constant 112 : index
        %get3A_723 = tpu.vector_load %arg14[%get3A_721, %get3A_722] {strides = array<i32>} : memref<160x128xf32, #tpu.memory_space<vmem>>, vector<16xf32>,
        %mul3A_724 = arith.mulf %get3A_682, %get3A_723 : vector<16xf32>
        %add3A_725 = arith.addf %add3A_720, %mul3A_724 : vector<16xf32>
        %reduce_sum3A = arith.constant true
        %reduce_sum3A_726 = vector.broadcast %reduce_sum3A : i1 to vector<16xi1>
        %reduce_sum3A_727 = tpu.scan <sum>, %add3A_725 masked %reduce_sum3A_726 : vector<16xf32>, vector<16xi1> -> vector<16xf32>
        %reduce_sum3A_728 = vector.extract %reduce_sum3A_727[15] : f32 from vector<16xf32>
        %broadcast_in_dim3A_729 = vector.broadcast %reduce_sum3A_728 : f32 to vector<16xf32>
        %select_n3A = arith.select %eq3A_312, %broadcast_in_dim3A_729, %broadcast_in_dim3A_3 : vector<16xi1>, vector<16xf32>
        %mul3A_730 = arith.constant 10 : i32
        %mul3A_731 = arith.muli %scan3A_655, %mul3A_730 : i32
        %add3A_732 = arith.constant 1 : i32
        %add3A_733 = arith.addi %mul3A_731, %add3A_732 : i32
        %get3A_734 = arith.index_cast %add3A_733 : i32 to index
        %get3A_735 = arith.constant 0 : index
        %get3A_736 = tpu.vector_load %arg14[%get3A_734, %get3A_735] {strides = array<i32>} : memref<160x128xf32, #tpu.memory_space<vmem>>, vector<16xf32>,
        %mul3A_737 = arith.mulf %get3A_661, %get3A_736 : vector<16xf32>
        %get3A_738 = arith.index_cast %add3A_733 : i32 to index
        %get3A_739 = arith.constant 16 : index
        %get3A_740 = tpu.vector_load %arg14[%get3A_738, %get3A_739] {strides = array<i32>} : memref<160x128xf32, #tpu.memory_space<vmem>>, vector<16xf32>,
        %mul3A_741 = arith.mulf %get3A_664, %get3A_740 : vector<16xf32>
        %add3A_742 = arith.addf %mul3A_737, %mul3A_741 : vector<16xf32>
        %get3A_743 = arith.index_cast %add3A_733 : i32 to index
        %get3A_744 = arith.constant 32 : index
        %get3A_745 = tpu.vector_load %arg14[%get3A_743, %get3A_744] {strides = array<i32>} : memref<160x128xf32, #tpu.memory_space<vmem>>, vector<16xf32>,
        %mul3A_746 = arith.mulf %get3A_667, %get3A_745 : vector<16xf32>
        %add3A_747 = arith.addf %add3A_742, %mul3A_746 : vector<16xf32>
        %get3A_748 = arith.index_cast %add3A_733 : i32 to index
        %get3A_749 = arith.constant 48 : index
        %get3A_750 = tpu.vector_load %arg14[%get3A_748, %get3A_749] {strides = array<i32>} : memref<160x128xf32, #tpu.memory_space<vmem>>, vector<16xf32>,
        %mul3A_751 = arith.mulf %get3A_670, %get3A_750 : vector<16xf32>
        %add3A_752 = arith.addf %add3A_747, %mul3A_751 : vector<16xf32>
        %get3A_753 = arith.index_cast %add3A_733 : i32 to index
        %get3A_754 = arith.constant 64 : index
        %get3A_755 = tpu.vector_load %arg14[%get3A_753, %get3A_754] {strides = array<i32>} : memref<160x128xf32, #tpu.memory_space<vmem>>, vector<16xf32>,
        %mul3A_756 = arith.mulf %get3A_673, %get3A_755 : vector<16xf32>
        %add3A_757 = arith.addf %add3A_752, %mul3A_756 : vector<16xf32>
        %get3A_758 = arith.index_cast %add3A_733 : i32 to index
        %get3A_759 = arith.constant 80 : index
        %get3A_760 = tpu.vector_load %arg14[%get3A_758, %get3A_759] {strides = array<i32>} : memref<160x128xf32, #tpu.memory_space<vmem>>, vector<16xf32>,
        %mul3A_761 = arith.mulf %get3A_676, %get3A_760 : vector<16xf32>
        %add3A_762 = arith.addf %add3A_757, %mul3A_761 : vector<16xf32>
        %get3A_763 = arith.index_cast %add3A_733 : i32 to index
        %get3A_764 = arith.constant 96 : index
        %get3A_765 = tpu.vector_load %arg14[%get3A_763, %get3A_764] {strides = array<i32>} : memref<160x128xf32, #tpu.memory_space<vmem>>, vector<16xf32>,
        %mul3A_766 = arith.mulf %get3A_679, %get3A_765 : vector<16xf32>
        %add3A_767 = arith.addf %add3A_762, %mul3A_766 : vector<16xf32>
        %get3A_768 = arith.index_cast %add3A_733 : i32 to index
        %get3A_769 = arith.constant 112 : index
        %get3A_770 = tpu.vector_load %arg14[%get3A_768, %get3A_769] {strides = array<i32>} : memref<160x128xf32, #tpu.memory_space<vmem>>, vector<16xf32>,
        %mul3A_771 = arith.mulf %get3A_682, %get3A_770 : vector<16xf32>
        %add3A_772 = arith.addf %add3A_767, %mul3A_771 : vector<16xf32>
        %reduce_sum3A_773 = arith.constant true
        %reduce_sum3A_774 = vector.broadcast %reduce_sum3A_773 : i1 to vector<16xi1>
        %reduce_sum3A_775 = tpu.scan <sum>, %add3A_772 masked %reduce_sum3A_774 : vector<16xf32>, vector<16xi1> -> vector<16xf32>
        %reduce_sum3A_776 = vector.extract %reduce_sum3A_775[15] : f32 from vector<16xf32>
        %broadcast_in_dim3A_777 = vector.broadcast %reduce_sum3A_776 : f32 to vector<16xf32>
        %select_n3A_778 = arith.select %eq3A_315, %broadcast_in_dim3A_777, %select_n3A : vector<16xi1>, vector<16xf32>
        %mul3A_779 = arith.constant 10 : i32
        %mul3A_780 = arith.muli %scan3A_655, %mul3A_779 : i32
        %add3A_781 = arith.constant 2 : i32
        %add3A_782 = arith.addi %mul3A_780, %add3A_781 : i32
        %get3A_783 = arith.index_cast %add3A_782 : i32 to index
        %get3A_784 = arith.constant 0 : index
        %get3A_785 = tpu.vector_load %arg14[%get3A_783, %get3A_784] {strides = array<i32>} : memref<160x128xf32, #tpu.memory_space<vmem>>, vector<16xf32>,
        %mul3A_786 = arith.mulf %get3A_661, %get3A_785 : vector<16xf32>
        %get3A_787 = arith.index_cast %add3A_782 : i32 to index
        %get3A_788 = arith.constant 16 : index
        %get3A_789 = tpu.vector_load %arg14[%get3A_787, %get3A_788] {strides = array<i32>} : memref<160x128xf32, #tpu.memory_space<vmem>>, vector<16xf32>,
        %mul3A_790 = arith.mulf %get3A_664, %get3A_789 : vector<16xf32>
        %add3A_791 = arith.addf %mul3A_786, %mul3A_790 : vector<16xf32>
        %get3A_792 = arith.index_cast %add3A_782 : i32 to index
        %get3A_793 = arith.constant 32 : index
        %get3A_794 = tpu.vector_load %arg14[%get3A_792, %get3A_793] {strides = array<i32>} : memref<160x128xf32, #tpu.memory_space<vmem>>, vector<16xf32>,
        %mul3A_795 = arith.mulf %get3A_667, %get3A_794 : vector<16xf32>
        %add3A_796 = arith.addf %add3A_791, %mul3A_795 : vector<16xf32>
        %get3A_797 = arith.index_cast %add3A_782 : i32 to index
        %get3A_798 = arith.constant 48 : index
        %get3A_799 = tpu.vector_load %arg14[%get3A_797, %get3A_798] {strides = array<i32>} : memref<160x128xf32, #tpu.memory_space<vmem>>, vector<16xf32>,
        %mul3A_800 = arith.mulf %get3A_670, %get3A_799 : vector<16xf32>
        %add3A_801 = arith.addf %add3A_796, %mul3A_800 : vector<16xf32>
        %get3A_802 = arith.index_cast %add3A_782 : i32 to index
        %get3A_803 = arith.constant 64 : index
        %get3A_804 = tpu.vector_load %arg14[%get3A_802, %get3A_803] {strides = array<i32>} : memref<160x128xf32, #tpu.memory_space<vmem>>, vector<16xf32>,
        %mul3A_805 = arith.mulf %get3A_673, %get3A_804 : vector<16xf32>
        %add3A_806 = arith.addf %add3A_801, %mul3A_805 : vector<16xf32>
        %get3A_807 = arith.index_cast %add3A_782 : i32 to index
        %get3A_808 = arith.constant 80 : index
        %get3A_809 = tpu.vector_load %arg14[%get3A_807, %get3A_808] {strides = array<i32>} : memref<160x128xf32, #tpu.memory_space<vmem>>, vector<16xf32>,
        %mul3A_810 = arith.mulf %get3A_676, %get3A_809 : vector<16xf32>
        %add3A_811 = arith.addf %add3A_806, %mul3A_810 : vector<16xf32>
        %get3A_812 = arith.index_cast %add3A_782 : i32 to index
        %get3A_813 = arith.constant 96 : index
        %get3A_814 = tpu.vector_load %arg14[%get3A_812, %get3A_813] {strides = array<i32>} : memref<160x128xf32, #tpu.memory_space<vmem>>, vector<16xf32>,
        %mul3A_815 = arith.mulf %get3A_679, %get3A_814 : vector<16xf32>
        %add3A_816 = arith.addf %add3A_811, %mul3A_815 : vector<16xf32>
        %get3A_817 = arith.index_cast %add3A_782 : i32 to index
        %get3A_818 = arith.constant 112 : index
        %get3A_819 = tpu.vector_load %arg14[%get3A_817, %get3A_818] {strides = array<i32>} : memref<160x128xf32, #tpu.memory_space<vmem>>, vector<16xf32>,
        %mul3A_820 = arith.mulf %get3A_682, %get3A_819 : vector<16xf32>
        %add3A_821 = arith.addf %add3A_816, %mul3A_820 : vector<16xf32>
        %reduce_sum3A_822 = arith.constant true
        %reduce_sum3A_823 = vector.broadcast %reduce_sum3A_822 : i1 to vector<16xi1>
        %reduce_sum3A_824 = tpu.scan <sum>, %add3A_821 masked %reduce_sum3A_823 : vector<16xf32>, vector<16xi1> -> vector<16xf32>
        %reduce_sum3A_825 = vector.extract %reduce_sum3A_824[15] : f32 from vector<16xf32>
        %broadcast_in_dim3A_826 = vector.broadcast %reduce_sum3A_825 : f32 to vector<16xf32>
        %select_n3A_827 = arith.select %eq3A_318, %broadcast_in_dim3A_826, %select_n3A_778 : vector<16xi1>, vector<16xf32>
        %mul3A_828 = arith.constant 10 : i32
        %mul3A_829 = arith.muli %scan3A_655, %mul3A_828 : i32
        %add3A_830 = arith.constant 3 : i32
        %add3A_831 = arith.addi %mul3A_829, %add3A_830 : i32
        %get3A_832 = arith.index_cast %add3A_831 : i32 to index
        %get3A_833 = arith.constant 0 : index
        %get3A_834 = tpu.vector_load %arg14[%get3A_832, %get3A_833] {strides = array<i32>} : memref<160x128xf32, #tpu.memory_space<vmem>>, vector<16xf32>,
        %mul3A_835 = arith.mulf %get3A_661, %get3A_834 : vector<16xf32>
        %get3A_836 = arith.index_cast %add3A_831 : i32 to index
        %get3A_837 = arith.constant 16 : index
        %get3A_838 = tpu.vector_load %arg14[%get3A_836, %get3A_837] {strides = array<i32>} : memref<160x128xf32, #tpu.memory_space<vmem>>, vector<16xf32>,
        %mul3A_839 = arith.mulf %get3A_664, %get3A_838 : vector<16xf32>
        %add3A_840 = arith.addf %mul3A_835, %mul3A_839 : vector<16xf32>
        %get3A_841 = arith.index_cast %add3A_831 : i32 to index
        %get3A_842 = arith.constant 32 : index
        %get3A_843 = tpu.vector_load %arg14[%get3A_841, %get3A_842] {strides = array<i32>} : memref<160x128xf32, #tpu.memory_space<vmem>>, vector<16xf32>,
        %mul3A_844 = arith.mulf %get3A_667, %get3A_843 : vector<16xf32>
        %add3A_845 = arith.addf %add3A_840, %mul3A_844 : vector<16xf32>
        %get3A_846 = arith.index_cast %add3A_831 : i32 to index
        %get3A_847 = arith.constant 48 : index
        %get3A_848 = tpu.vector_load %arg14[%get3A_846, %get3A_847] {strides = array<i32>} : memref<160x128xf32, #tpu.memory_space<vmem>>, vector<16xf32>,
        %mul3A_849 = arith.mulf %get3A_670, %get3A_848 : vector<16xf32>
        %add3A_850 = arith.addf %add3A_845, %mul3A_849 : vector<16xf32>
        %get3A_851 = arith.index_cast %add3A_831 : i32 to index
        %get3A_852 = arith.constant 64 : index
        %get3A_853 = tpu.vector_load %arg14[%get3A_851, %get3A_852] {strides = array<i32>} : memref<160x128xf32, #tpu.memory_space<vmem>>, vector<16xf32>,
        %mul3A_854 = arith.mulf %get3A_673, %get3A_853 : vector<16xf32>
        %add3A_855 = arith.addf %add3A_850, %mul3A_854 : vector<16xf32>
        %get3A_856 = arith.index_cast %add3A_831 : i32 to index
        %get3A_857 = arith.constant 80 : index
        %get3A_858 = tpu.vector_load %arg14[%get3A_856, %get3A_857] {strides = array<i32>} : memref<160x128xf32, #tpu.memory_space<vmem>>, vector<16xf32>,
        %mul3A_859 = arith.mulf %get3A_676, %get3A_858 : vector<16xf32>
        %add3A_860 = arith.addf %add3A_855, %mul3A_859 : vector<16xf32>
        %get3A_861 = arith.index_cast %add3A_831 : i32 to index
        %get3A_862 = arith.constant 96 : index
        %get3A_863 = tpu.vector_load %arg14[%get3A_861, %get3A_862] {strides = array<i32>} : memref<160x128xf32, #tpu.memory_space<vmem>>, vector<16xf32>,
        %mul3A_864 = arith.mulf %get3A_679, %get3A_863 : vector<16xf32>
        %add3A_865 = arith.addf %add3A_860, %mul3A_864 : vector<16xf32>
        %get3A_866 = arith.index_cast %add3A_831 : i32 to index
        %get3A_867 = arith.constant 112 : index
        %get3A_868 = tpu.vector_load %arg14[%get3A_866, %get3A_867] {strides = array<i32>} : memref<160x128xf32, #tpu.memory_space<vmem>>, vector<16xf32>,
        %mul3A_869 = arith.mulf %get3A_682, %get3A_868 : vector<16xf32>
        %add3A_870 = arith.addf %add3A_865, %mul3A_869 : vector<16xf32>
        %reduce_sum3A_871 = arith.constant true
        %reduce_sum3A_872 = vector.broadcast %reduce_sum3A_871 : i1 to vector<16xi1>
        %reduce_sum3A_873 = tpu.scan <sum>, %add3A_870 masked %reduce_sum3A_872 : vector<16xf32>, vector<16xi1> -> vector<16xf32>
        %reduce_sum3A_874 = vector.extract %reduce_sum3A_873[15] : f32 from vector<16xf32>
        %broadcast_in_dim3A_875 = vector.broadcast %reduce_sum3A_874 : f32 to vector<16xf32>
        %select_n3A_876 = arith.select %eq3A_321, %broadcast_in_dim3A_875, %select_n3A_827 : vector<16xi1>, vector<16xf32>
        %mul3A_877 = arith.constant 10 : i32
        %mul3A_878 = arith.muli %scan3A_655, %mul3A_877 : i32
        %add3A_879 = arith.constant 4 : i32
        %add3A_880 = arith.addi %mul3A_878, %add3A_879 : i32
        %get3A_881 = arith.index_cast %add3A_880 : i32 to index
        %get3A_882 = arith.constant 0 : index
        %get3A_883 = tpu.vector_load %arg14[%get3A_881, %get3A_882] {strides = array<i32>} : memref<160x128xf32, #tpu.memory_space<vmem>>, vector<16xf32>,
        %mul3A_884 = arith.mulf %get3A_661, %get3A_883 : vector<16xf32>
        %get3A_885 = arith.index_cast %add3A_880 : i32 to index
        %get3A_886 = arith.constant 16 : index
        %get3A_887 = tpu.vector_load %arg14[%get3A_885, %get3A_886] {strides = array<i32>} : memref<160x128xf32, #tpu.memory_space<vmem>>, vector<16xf32>,
        %mul3A_888 = arith.mulf %get3A_664, %get3A_887 : vector<16xf32>
        %add3A_889 = arith.addf %mul3A_884, %mul3A_888 : vector<16xf32>
        %get3A_890 = arith.index_cast %add3A_880 : i32 to index
        %get3A_891 = arith.constant 32 : index
        %get3A_892 = tpu.vector_load %arg14[%get3A_890, %get3A_891] {strides = array<i32>} : memref<160x128xf32, #tpu.memory_space<vmem>>, vector<16xf32>,
        %mul3A_893 = arith.mulf %get3A_667, %get3A_892 : vector<16xf32>
        %add3A_894 = arith.addf %add3A_889, %mul3A_893 : vector<16xf32>
        %get3A_895 = arith.index_cast %add3A_880 : i32 to index
        %get3A_896 = arith.constant 48 : index
        %get3A_897 = tpu.vector_load %arg14[%get3A_895, %get3A_896] {strides = array<i32>} : memref<160x128xf32, #tpu.memory_space<vmem>>, vector<16xf32>,
        %mul3A_898 = arith.mulf %get3A_670, %get3A_897 : vector<16xf32>
        %add3A_899 = arith.addf %add3A_894, %mul3A_898 : vector<16xf32>
        %get3A_900 = arith.index_cast %add3A_880 : i32 to index
        %get3A_901 = arith.constant 64 : index
        %get3A_902 = tpu.vector_load %arg14[%get3A_900, %get3A_901] {strides = array<i32>} : memref<160x128xf32, #tpu.memory_space<vmem>>, vector<16xf32>,
        %mul3A_903 = arith.mulf %get3A_673, %get3A_902 : vector<16xf32>
        %add3A_904 = arith.addf %add3A_899, %mul3A_903 : vector<16xf32>
        %get3A_905 = arith.index_cast %add3A_880 : i32 to index
        %get3A_906 = arith.constant 80 : index
        %get3A_907 = tpu.vector_load %arg14[%get3A_905, %get3A_906] {strides = array<i32>} : memref<160x128xf32, #tpu.memory_space<vmem>>, vector<16xf32>,
        %mul3A_908 = arith.mulf %get3A_676, %get3A_907 : vector<16xf32>
        %add3A_909 = arith.addf %add3A_904, %mul3A_908 : vector<16xf32>
        %get3A_910 = arith.index_cast %add3A_880 : i32 to index
        %get3A_911 = arith.constant 96 : index
        %get3A_912 = tpu.vector_load %arg14[%get3A_910, %get3A_911] {strides = array<i32>} : memref<160x128xf32, #tpu.memory_space<vmem>>, vector<16xf32>,
        %mul3A_913 = arith.mulf %get3A_679, %get3A_912 : vector<16xf32>
        %add3A_914 = arith.addf %add3A_909, %mul3A_913 : vector<16xf32>
        %get3A_915 = arith.index_cast %add3A_880 : i32 to index
        %get3A_916 = arith.constant 112 : index
        %get3A_917 = tpu.vector_load %arg14[%get3A_915, %get3A_916] {strides = array<i32>} : memref<160x128xf32, #tpu.memory_space<vmem>>, vector<16xf32>,
        %mul3A_918 = arith.mulf %get3A_682, %get3A_917 : vector<16xf32>
        %add3A_919 = arith.addf %add3A_914, %mul3A_918 : vector<16xf32>
        %reduce_sum3A_920 = arith.constant true
        %reduce_sum3A_921 = vector.broadcast %reduce_sum3A_920 : i1 to vector<16xi1>
        %reduce_sum3A_922 = tpu.scan <sum>, %add3A_919 masked %reduce_sum3A_921 : vector<16xf32>, vector<16xi1> -> vector<16xf32>
        %reduce_sum3A_923 = vector.extract %reduce_sum3A_922[15] : f32 from vector<16xf32>
        %broadcast_in_dim3A_924 = vector.broadcast %reduce_sum3A_923 : f32 to vector<16xf32>
        %select_n3A_925 = arith.select %eq3A_324, %broadcast_in_dim3A_924, %select_n3A_876 : vector<16xi1>, vector<16xf32>
        %mul3A_926 = arith.constant 10 : i32
        %mul3A_927 = arith.muli %scan3A_655, %mul3A_926 : i32
        %add3A_928 = arith.constant 5 : i32
        %add3A_929 = arith.addi %mul3A_927, %add3A_928 : i32
        %get3A_930 = arith.index_cast %add3A_929 : i32 to index
        %get3A_931 = arith.constant 0 : index
        %get3A_932 = tpu.vector_load %arg14[%get3A_930, %get3A_931] {strides = array<i32>} : memref<160x128xf32, #tpu.memory_space<vmem>>, vector<16xf32>,
        %mul3A_933 = arith.mulf %get3A_661, %get3A_932 : vector<16xf32>
        %get3A_934 = arith.index_cast %add3A_929 : i32 to index
        %get3A_935 = arith.constant 16 : index
        %get3A_936 = tpu.vector_load %arg14[%get3A_934, %get3A_935] {strides = array<i32>} : memref<160x128xf32, #tpu.memory_space<vmem>>, vector<16xf32>,
        %mul3A_937 = arith.mulf %get3A_664, %get3A_936 : vector<16xf32>
        %add3A_938 = arith.addf %mul3A_933, %mul3A_937 : vector<16xf32>
        %get3A_939 = arith.index_cast %add3A_929 : i32 to index
        %get3A_940 = arith.constant 32 : index
        %get3A_941 = tpu.vector_load %arg14[%get3A_939, %get3A_940] {strides = array<i32>} : memref<160x128xf32, #tpu.memory_space<vmem>>, vector<16xf32>,
        %mul3A_942 = arith.mulf %get3A_667, %get3A_941 : vector<16xf32>
        %add3A_943 = arith.addf %add3A_938, %mul3A_942 : vector<16xf32>
        %get3A_944 = arith.index_cast %add3A_929 : i32 to index
        %get3A_945 = arith.constant 48 : index
        %get3A_946 = tpu.vector_load %arg14[%get3A_944, %get3A_945] {strides = array<i32>} : memref<160x128xf32, #tpu.memory_space<vmem>>, vector<16xf32>,
        %mul3A_947 = arith.mulf %get3A_670, %get3A_946 : vector<16xf32>
        %add3A_948 = arith.addf %add3A_943, %mul3A_947 : vector<16xf32>
        %get3A_949 = arith.index_cast %add3A_929 : i32 to index
        %get3A_950 = arith.constant 64 : index
        %get3A_951 = tpu.vector_load %arg14[%get3A_949, %get3A_950] {strides = array<i32>} : memref<160x128xf32, #tpu.memory_space<vmem>>, vector<16xf32>,
        %mul3A_952 = arith.mulf %get3A_673, %get3A_951 : vector<16xf32>
        %add3A_953 = arith.addf %add3A_948, %mul3A_952 : vector<16xf32>
        %get3A_954 = arith.index_cast %add3A_929 : i32 to index
        %get3A_955 = arith.constant 80 : index
        %get3A_956 = tpu.vector_load %arg14[%get3A_954, %get3A_955] {strides = array<i32>} : memref<160x128xf32, #tpu.memory_space<vmem>>, vector<16xf32>,
        %mul3A_957 = arith.mulf %get3A_676, %get3A_956 : vector<16xf32>
        %add3A_958 = arith.addf %add3A_953, %mul3A_957 : vector<16xf32>
        %get3A_959 = arith.index_cast %add3A_929 : i32 to index
        %get3A_960 = arith.constant 96 : index
        %get3A_961 = tpu.vector_load %arg14[%get3A_959, %get3A_960] {strides = array<i32>} : memref<160x128xf32, #tpu.memory_space<vmem>>, vector<16xf32>,
        %mul3A_962 = arith.mulf %get3A_679, %get3A_961 : vector<16xf32>
        %add3A_963 = arith.addf %add3A_958, %mul3A_962 : vector<16xf32>
        %get3A_964 = arith.index_cast %add3A_929 : i32 to index
        %get3A_965 = arith.constant 112 : index
        %get3A_966 = tpu.vector_load %arg14[%get3A_964, %get3A_965] {strides = array<i32>} : memref<160x128xf32, #tpu.memory_space<vmem>>, vector<16xf32>,
        %mul3A_967 = arith.mulf %get3A_682, %get3A_966 : vector<16xf32>
        %add3A_968 = arith.addf %add3A_963, %mul3A_967 : vector<16xf32>
        %reduce_sum3A_969 = arith.constant true
        %reduce_sum3A_970 = vector.broadcast %reduce_sum3A_969 : i1 to vector<16xi1>
        %reduce_sum3A_971 = tpu.scan <sum>, %add3A_968 masked %reduce_sum3A_970 : vector<16xf32>, vector<16xi1> -> vector<16xf32>
        %reduce_sum3A_972 = vector.extract %reduce_sum3A_971[15] : f32 from vector<16xf32>
        %broadcast_in_dim3A_973 = vector.broadcast %reduce_sum3A_972 : f32 to vector<16xf32>
        %select_n3A_974 = arith.select %eq3A_327, %broadcast_in_dim3A_973, %select_n3A_925 : vector<16xi1>, vector<16xf32>
        %mul3A_975 = arith.constant 10 : i32
        %mul3A_976 = arith.muli %scan3A_655, %mul3A_975 : i32
        %add3A_977 = arith.constant 6 : i32
        %add3A_978 = arith.addi %mul3A_976, %add3A_977 : i32
        %get3A_979 = arith.index_cast %add3A_978 : i32 to index
        %get3A_980 = arith.constant 0 : index
        %get3A_981 = tpu.vector_load %arg14[%get3A_979, %get3A_980] {strides = array<i32>} : memref<160x128xf32, #tpu.memory_space<vmem>>, vector<16xf32>,
        %mul3A_982 = arith.mulf %get3A_661, %get3A_981 : vector<16xf32>
        %get3A_983 = arith.index_cast %add3A_978 : i32 to index
        %get3A_984 = arith.constant 16 : index
        %get3A_985 = tpu.vector_load %arg14[%get3A_983, %get3A_984] {strides = array<i32>} : memref<160x128xf32, #tpu.memory_space<vmem>>, vector<16xf32>,
        %mul3A_986 = arith.mulf %get3A_664, %get3A_985 : vector<16xf32>
        %add3A_987 = arith.addf %mul3A_982, %mul3A_986 : vector<16xf32>
        %get3A_988 = arith.index_cast %add3A_978 : i32 to index
        %get3A_989 = arith.constant 32 : index
        %get3A_990 = tpu.vector_load %arg14[%get3A_988, %get3A_989] {strides = array<i32>} : memref<160x128xf32, #tpu.memory_space<vmem>>, vector<16xf32>,
        %mul3A_991 = arith.mulf %get3A_667, %get3A_990 : vector<16xf32>
        %add3A_992 = arith.addf %add3A_987, %mul3A_991 : vector<16xf32>
        %get3A_993 = arith.index_cast %add3A_978 : i32 to index
        %get3A_994 = arith.constant 48 : index
        %get3A_995 = tpu.vector_load %arg14[%get3A_993, %get3A_994] {strides = array<i32>} : memref<160x128xf32, #tpu.memory_space<vmem>>, vector<16xf32>,
        %mul3A_996 = arith.mulf %get3A_670, %get3A_995 : vector<16xf32>
        %add3A_997 = arith.addf %add3A_992, %mul3A_996 : vector<16xf32>
        %get3A_998 = arith.index_cast %add3A_978 : i32 to index
        %get3A_999 = arith.constant 64 : index
        %get3A_1000 = tpu.vector_load %arg14[%get3A_998, %get3A_999] {strides = array<i32>} : memref<160x128xf32, #tpu.memory_space<vmem>>, vector<16xf32>,
        %mul3A_1001 = arith.mulf %get3A_673, %get3A_1000 : vector<16xf32>
        %add3A_1002 = arith.addf %add3A_997, %mul3A_1001 : vector<16xf32>
        %get3A_1003 = arith.index_cast %add3A_978 : i32 to index
        %get3A_1004 = arith.constant 80 : index
        %get3A_1005 = tpu.vector_load %arg14[%get3A_1003, %get3A_1004] {strides = array<i32>} : memref<160x128xf32, #tpu.memory_space<vmem>>, vector<16xf32>,
        %mul3A_1006 = arith.mulf %get3A_676, %get3A_1005 : vector<16xf32>
        %add3A_1007 = arith.addf %add3A_1002, %mul3A_1006 : vector<16xf32>
        %get3A_1008 = arith.index_cast %add3A_978 : i32 to index
        %get3A_1009 = arith.constant 96 : index
        %get3A_1010 = tpu.vector_load %arg14[%get3A_1008, %get3A_1009] {strides = array<i32>} : memref<160x128xf32, #tpu.memory_space<vmem>>, vector<16xf32>,
        %mul3A_1011 = arith.mulf %get3A_679, %get3A_1010 : vector<16xf32>
        %add3A_1012 = arith.addf %add3A_1007, %mul3A_1011 : vector<16xf32>
        %get3A_1013 = arith.index_cast %add3A_978 : i32 to index
        %get3A_1014 = arith.constant 112 : index
        %get3A_1015 = tpu.vector_load %arg14[%get3A_1013, %get3A_1014] {strides = array<i32>} : memref<160x128xf32, #tpu.memory_space<vmem>>, vector<16xf32>,
        %mul3A_1016 = arith.mulf %get3A_682, %get3A_1015 : vector<16xf32>
        %add3A_1017 = arith.addf %add3A_1012, %mul3A_1016 : vector<16xf32>
        %reduce_sum3A_1018 = arith.constant true
        %reduce_sum3A_1019 = vector.broadcast %reduce_sum3A_1018 : i1 to vector<16xi1>
        %reduce_sum3A_1020 = tpu.scan <sum>, %add3A_1017 masked %reduce_sum3A_1019 : vector<16xf32>, vector<16xi1> -> vector<16xf32>
        %reduce_sum3A_1021 = vector.extract %reduce_sum3A_1020[15] : f32 from vector<16xf32>
        %broadcast_in_dim3A_1022 = vector.broadcast %reduce_sum3A_1021 : f32 to vector<16xf32>
        %select_n3A_1023 = arith.select %eq3A_330, %broadcast_in_dim3A_1022, %select_n3A_974 : vector<16xi1>, vector<16xf32>
        %mul3A_1024 = arith.constant 10 : i32
        %mul3A_1025 = arith.muli %scan3A_655, %mul3A_1024 : i32
        %add3A_1026 = arith.constant 7 : i32
        %add3A_1027 = arith.addi %mul3A_1025, %add3A_1026 : i32
        %get3A_1028 = arith.index_cast %add3A_1027 : i32 to index
        %get3A_1029 = arith.constant 0 : index
        %get3A_1030 = tpu.vector_load %arg14[%get3A_1028, %get3A_1029] {strides = array<i32>} : memref<160x128xf32, #tpu.memory_space<vmem>>, vector<16xf32>,
        %mul3A_1031 = arith.mulf %get3A_661, %get3A_1030 : vector<16xf32>
        %get3A_1032 = arith.index_cast %add3A_1027 : i32 to index
        %get3A_1033 = arith.constant 16 : index
        %get3A_1034 = tpu.vector_load %arg14[%get3A_1032, %get3A_1033] {strides = array<i32>} : memref<160x128xf32, #tpu.memory_space<vmem>>, vector<16xf32>,
        %mul3A_1035 = arith.mulf %get3A_664, %get3A_1034 : vector<16xf32>
        %add3A_1036 = arith.addf %mul3A_1031, %mul3A_1035 : vector<16xf32>
        %get3A_1037 = arith.index_cast %add3A_1027 : i32 to index
        %get3A_1038 = arith.constant 32 : index
        %get3A_1039 = tpu.vector_load %arg14[%get3A_1037, %get3A_1038] {strides = array<i32>} : memref<160x128xf32, #tpu.memory_space<vmem>>, vector<16xf32>,
        %mul3A_1040 = arith.mulf %get3A_667, %get3A_1039 : vector<16xf32>
        %add3A_1041 = arith.addf %add3A_1036, %mul3A_1040 : vector<16xf32>
        %get3A_1042 = arith.index_cast %add3A_1027 : i32 to index
        %get3A_1043 = arith.constant 48 : index
        %get3A_1044 = tpu.vector_load %arg14[%get3A_1042, %get3A_1043] {strides = array<i32>} : memref<160x128xf32, #tpu.memory_space<vmem>>, vector<16xf32>,
        %mul3A_1045 = arith.mulf %get3A_670, %get3A_1044 : vector<16xf32>
        %add3A_1046 = arith.addf %add3A_1041, %mul3A_1045 : vector<16xf32>
        %get3A_1047 = arith.index_cast %add3A_1027 : i32 to index
        %get3A_1048 = arith.constant 64 : index
        %get3A_1049 = tpu.vector_load %arg14[%get3A_1047, %get3A_1048] {strides = array<i32>} : memref<160x128xf32, #tpu.memory_space<vmem>>, vector<16xf32>,
        %mul3A_1050 = arith.mulf %get3A_673, %get3A_1049 : vector<16xf32>
        %add3A_1051 = arith.addf %add3A_1046, %mul3A_1050 : vector<16xf32>
        %get3A_1052 = arith.index_cast %add3A_1027 : i32 to index
        %get3A_1053 = arith.constant 80 : index
        %get3A_1054 = tpu.vector_load %arg14[%get3A_1052, %get3A_1053] {strides = array<i32>} : memref<160x128xf32, #tpu.memory_space<vmem>>, vector<16xf32>,
        %mul3A_1055 = arith.mulf %get3A_676, %get3A_1054 : vector<16xf32>
        %add3A_1056 = arith.addf %add3A_1051, %mul3A_1055 : vector<16xf32>
        %get3A_1057 = arith.index_cast %add3A_1027 : i32 to index
        %get3A_1058 = arith.constant 96 : index
        %get3A_1059 = tpu.vector_load %arg14[%get3A_1057, %get3A_1058] {strides = array<i32>} : memref<160x128xf32, #tpu.memory_space<vmem>>, vector<16xf32>,
        %mul3A_1060 = arith.mulf %get3A_679, %get3A_1059 : vector<16xf32>
        %add3A_1061 = arith.addf %add3A_1056, %mul3A_1060 : vector<16xf32>
        %get3A_1062 = arith.index_cast %add3A_1027 : i32 to index
        %get3A_1063 = arith.constant 112 : index
        %get3A_1064 = tpu.vector_load %arg14[%get3A_1062, %get3A_1063] {strides = array<i32>} : memref<160x128xf32, #tpu.memory_space<vmem>>, vector<16xf32>,
        %mul3A_1065 = arith.mulf %get3A_682, %get3A_1064 : vector<16xf32>
        %add3A_1066 = arith.addf %add3A_1061, %mul3A_1065 : vector<16xf32>
        %reduce_sum3A_1067 = arith.constant true
        %reduce_sum3A_1068 = vector.broadcast %reduce_sum3A_1067 : i1 to vector<16xi1>
        %reduce_sum3A_1069 = tpu.scan <sum>, %add3A_1066 masked %reduce_sum3A_1068 : vector<16xf32>, vector<16xi1> -> vector<16xf32>
        %reduce_sum3A_1070 = vector.extract %reduce_sum3A_1069[15] : f32 from vector<16xf32>
        %broadcast_in_dim3A_1071 = vector.broadcast %reduce_sum3A_1070 : f32 to vector<16xf32>
        %select_n3A_1072 = arith.select %eq3A_333, %broadcast_in_dim3A_1071, %select_n3A_1023 : vector<16xi1>, vector<16xf32>
        %mul3A_1073 = arith.constant 10 : i32
        %mul3A_1074 = arith.muli %scan3A_655, %mul3A_1073 : i32
        %add3A_1075 = arith.constant 8 : i32
        %add3A_1076 = arith.addi %mul3A_1074, %add3A_1075 : i32
        %get3A_1077 = arith.index_cast %add3A_1076 : i32 to index
        %get3A_1078 = arith.constant 0 : index
        %get3A_1079 = tpu.vector_load %arg14[%get3A_1077, %get3A_1078] {strides = array<i32>} : memref<160x128xf32, #tpu.memory_space<vmem>>, vector<16xf32>,
        %mul3A_1080 = arith.mulf %get3A_661, %get3A_1079 : vector<16xf32>
        %get3A_1081 = arith.index_cast %add3A_1076 : i32 to index
        %get3A_1082 = arith.constant 16 : index
        %get3A_1083 = tpu.vector_load %arg14[%get3A_1081, %get3A_1082] {strides = array<i32>} : memref<160x128xf32, #tpu.memory_space<vmem>>, vector<16xf32>,
        %mul3A_1084 = arith.mulf %get3A_664, %get3A_1083 : vector<16xf32>
        %add3A_1085 = arith.addf %mul3A_1080, %mul3A_1084 : vector<16xf32>
        %get3A_1086 = arith.index_cast %add3A_1076 : i32 to index
        %get3A_1087 = arith.constant 32 : index
        %get3A_1088 = tpu.vector_load %arg14[%get3A_1086, %get3A_1087] {strides = array<i32>} : memref<160x128xf32, #tpu.memory_space<vmem>>, vector<16xf32>,
        %mul3A_1089 = arith.mulf %get3A_667, %get3A_1088 : vector<16xf32>
        %add3A_1090 = arith.addf %add3A_1085, %mul3A_1089 : vector<16xf32>
        %get3A_1091 = arith.index_cast %add3A_1076 : i32 to index
        %get3A_1092 = arith.constant 48 : index
        %get3A_1093 = tpu.vector_load %arg14[%get3A_1091, %get3A_1092] {strides = array<i32>} : memref<160x128xf32, #tpu.memory_space<vmem>>, vector<16xf32>,
        %mul3A_1094 = arith.mulf %get3A_670, %get3A_1093 : vector<16xf32>
        %add3A_1095 = arith.addf %add3A_1090, %mul3A_1094 : vector<16xf32>
        %get3A_1096 = arith.index_cast %add3A_1076 : i32 to index
        %get3A_1097 = arith.constant 64 : index
        %get3A_1098 = tpu.vector_load %arg14[%get3A_1096, %get3A_1097] {strides = array<i32>} : memref<160x128xf32, #tpu.memory_space<vmem>>, vector<16xf32>,
        %mul3A_1099 = arith.mulf %get3A_673, %get3A_1098 : vector<16xf32>
        %add3A_1100 = arith.addf %add3A_1095, %mul3A_1099 : vector<16xf32>
        %get3A_1101 = arith.index_cast %add3A_1076 : i32 to index
        %get3A_1102 = arith.constant 80 : index
        %get3A_1103 = tpu.vector_load %arg14[%get3A_1101, %get3A_1102] {strides = array<i32>} : memref<160x128xf32, #tpu.memory_space<vmem>>, vector<16xf32>,
        %mul3A_1104 = arith.mulf %get3A_676, %get3A_1103 : vector<16xf32>
        %add3A_1105 = arith.addf %add3A_1100, %mul3A_1104 : vector<16xf32>
        %get3A_1106 = arith.index_cast %add3A_1076 : i32 to index
        %get3A_1107 = arith.constant 96 : index
        %get3A_1108 = tpu.vector_load %arg14[%get3A_1106, %get3A_1107] {strides = array<i32>} : memref<160x128xf32, #tpu.memory_space<vmem>>, vector<16xf32>,
        %mul3A_1109 = arith.mulf %get3A_679, %get3A_1108 : vector<16xf32>
        %add3A_1110 = arith.addf %add3A_1105, %mul3A_1109 : vector<16xf32>
        %get3A_1111 = arith.index_cast %add3A_1076 : i32 to index
        %get3A_1112 = arith.constant 112 : index
        %get3A_1113 = tpu.vector_load %arg14[%get3A_1111, %get3A_1112] {strides = array<i32>} : memref<160x128xf32, #tpu.memory_space<vmem>>, vector<16xf32>,
        %mul3A_1114 = arith.mulf %get3A_682, %get3A_1113 : vector<16xf32>
        %add3A_1115 = arith.addf %add3A_1110, %mul3A_1114 : vector<16xf32>
        %reduce_sum3A_1116 = arith.constant true
        %reduce_sum3A_1117 = vector.broadcast %reduce_sum3A_1116 : i1 to vector<16xi1>
        %reduce_sum3A_1118 = tpu.scan <sum>, %add3A_1115 masked %reduce_sum3A_1117 : vector<16xf32>, vector<16xi1> -> vector<16xf32>
        %reduce_sum3A_1119 = vector.extract %reduce_sum3A_1118[15] : f32 from vector<16xf32>
        %broadcast_in_dim3A_1120 = vector.broadcast %reduce_sum3A_1119 : f32 to vector<16xf32>
        %select_n3A_1121 = arith.select %eq3A_336, %broadcast_in_dim3A_1120, %select_n3A_1072 : vector<16xi1>, vector<16xf32>
        %mul3A_1122 = arith.constant 10 : i32
        %mul3A_1123 = arith.muli %scan3A_655, %mul3A_1122 : i32
        %add3A_1124 = arith.constant 9 : i32
        %add3A_1125 = arith.addi %mul3A_1123, %add3A_1124 : i32
        %get3A_1126 = arith.index_cast %add3A_1125 : i32 to index
        %get3A_1127 = arith.constant 0 : index
        %get3A_1128 = tpu.vector_load %arg14[%get3A_1126, %get3A_1127] {strides = array<i32>} : memref<160x128xf32, #tpu.memory_space<vmem>>, vector<16xf32>,
        %mul3A_1129 = arith.mulf %get3A_661, %get3A_1128 : vector<16xf32>
        %get3A_1130 = arith.index_cast %add3A_1125 : i32 to index
        %get3A_1131 = arith.constant 16 : index
        %get3A_1132 = tpu.vector_load %arg14[%get3A_1130, %get3A_1131] {strides = array<i32>} : memref<160x128xf32, #tpu.memory_space<vmem>>, vector<16xf32>,
        %mul3A_1133 = arith.mulf %get3A_664, %get3A_1132 : vector<16xf32>
        %add3A_1134 = arith.addf %mul3A_1129, %mul3A_1133 : vector<16xf32>
        %get3A_1135 = arith.index_cast %add3A_1125 : i32 to index
        %get3A_1136 = arith.constant 32 : index
        %get3A_1137 = tpu.vector_load %arg14[%get3A_1135, %get3A_1136] {strides = array<i32>} : memref<160x128xf32, #tpu.memory_space<vmem>>, vector<16xf32>,
        %mul3A_1138 = arith.mulf %get3A_667, %get3A_1137 : vector<16xf32>
        %add3A_1139 = arith.addf %add3A_1134, %mul3A_1138 : vector<16xf32>
        %get3A_1140 = arith.index_cast %add3A_1125 : i32 to index
        %get3A_1141 = arith.constant 48 : index
        %get3A_1142 = tpu.vector_load %arg14[%get3A_1140, %get3A_1141] {strides = array<i32>} : memref<160x128xf32, #tpu.memory_space<vmem>>, vector<16xf32>,
        %mul3A_1143 = arith.mulf %get3A_670, %get3A_1142 : vector<16xf32>
        %add3A_1144 = arith.addf %add3A_1139, %mul3A_1143 : vector<16xf32>
        %get3A_1145 = arith.index_cast %add3A_1125 : i32 to index
        %get3A_1146 = arith.constant 64 : index
        %get3A_1147 = tpu.vector_load %arg14[%get3A_1145, %get3A_1146] {strides = array<i32>} : memref<160x128xf32, #tpu.memory_space<vmem>>, vector<16xf32>,
        %mul3A_1148 = arith.mulf %get3A_673, %get3A_1147 : vector<16xf32>
        %add3A_1149 = arith.addf %add3A_1144, %mul3A_1148 : vector<16xf32>
        %get3A_1150 = arith.index_cast %add3A_1125 : i32 to index
        %get3A_1151 = arith.constant 80 : index
        %get3A_1152 = tpu.vector_load %arg14[%get3A_1150, %get3A_1151] {strides = array<i32>} : memref<160x128xf32, #tpu.memory_space<vmem>>, vector<16xf32>,
        %mul3A_1153 = arith.mulf %get3A_676, %get3A_1152 : vector<16xf32>
        %add3A_1154 = arith.addf %add3A_1149, %mul3A_1153 : vector<16xf32>
        %get3A_1155 = arith.index_cast %add3A_1125 : i32 to index
        %get3A_1156 = arith.constant 96 : index
        %get3A_1157 = tpu.vector_load %arg14[%get3A_1155, %get3A_1156] {strides = array<i32>} : memref<160x128xf32, #tpu.memory_space<vmem>>, vector<16xf32>,
        %mul3A_1158 = arith.mulf %get3A_679, %get3A_1157 : vector<16xf32>
        %add3A_1159 = arith.addf %add3A_1154, %mul3A_1158 : vector<16xf32>
        %get3A_1160 = arith.index_cast %add3A_1125 : i32 to index
        %get3A_1161 = arith.constant 112 : index
        %get3A_1162 = tpu.vector_load %arg14[%get3A_1160, %get3A_1161] {strides = array<i32>} : memref<160x128xf32, #tpu.memory_space<vmem>>, vector<16xf32>,
        %mul3A_1163 = arith.mulf %get3A_682, %get3A_1162 : vector<16xf32>
        %add3A_1164 = arith.addf %add3A_1159, %mul3A_1163 : vector<16xf32>
        %reduce_sum3A_1165 = arith.constant true
        %reduce_sum3A_1166 = vector.broadcast %reduce_sum3A_1165 : i1 to vector<16xi1>
        %reduce_sum3A_1167 = tpu.scan <sum>, %add3A_1164 masked %reduce_sum3A_1166 : vector<16xf32>, vector<16xi1> -> vector<16xf32>
        %reduce_sum3A_1168 = vector.extract %reduce_sum3A_1167[15] : f32 from vector<16xf32>
        %broadcast_in_dim3A_1169 = vector.broadcast %reduce_sum3A_1168 : f32 to vector<16xf32>
        %select_n3A_1170 = arith.select %eq3A_339, %broadcast_in_dim3A_1169, %select_n3A_1121 : vector<16xi1>, vector<16xf32>
        %mul3A_1171 = arith.constant 16 : i32
        %mul3A_1172 = arith.muli %scan3A_655, %mul3A_1171 : i32
        %swap3A_1173 = arith.index_cast %mul3A_1172 : i32 to index
        %swap3A_1174 = tpu.vector_load %arg16[%swap3A_1173] {strides = array<i32>} : memref<256xf32, #tpu.memory_space<vmem>>, vector<16xf32>,
        tpu.vector_store %arg16[%swap3A_1173], %select_n3A_1170 {strides = array<i32>} : memref<256xf32, #tpu.memory_space<vmem>>, vector<16xf32>,
        %scan3A_1175 = arith.constant 0 : i32
        scf.yield %scan3A_1175 : i32
      }
      %scan3A_453 = arith.constant 16 : i32
      %gather3A = tpu.vector_load_idx %arg16[%add3A_348] : memref<256xf32, #tpu.memory_space<vmem>>[vector<16xi32>], vector<16xf32>,
      %mul3A_454 = arith.constant 16 : i32
      %mul3A_455 = arith.muli %mul3A_440, %mul3A_454 : i32
      %add3A_456 = arith.constant 0 : i32
      %add3A_457 = arith.addi %mul3A_455, %add3A_456 : i32
      %swap3A = arith.constant 0 : i32
      %swap3A_458 = arith.index_cast %swap3A : i32 to index
      %swap3A_459 = arith.index_cast %add3A_457 : i32 to index
      %swap3A_460 = tpu.vector_load %arg17[%swap3A_458, %swap3A_459] {strides = array<i32>} : memref<10x128xf32, #tpu.memory_space<vmem>>, vector<16xf32>,
      tpu.vector_store %arg17[%swap3A_458, %swap3A_459], %gather3A {strides = array<i32>} : memref<10x128xf32, #tpu.memory_space<vmem>>, vector<16xf32>,
      %gather3A_461 = tpu.vector_load_idx %arg16[%add3A_357] : memref<256xf32, #tpu.memory_space<vmem>>[vector<16xi32>], vector<16xf32>,
      %mul3A_462 = arith.constant 16 : i32
      %mul3A_463 = arith.muli %mul3A_440, %mul3A_462 : i32
      %add3A_464 = arith.constant 0 : i32
      %add3A_465 = arith.addi %mul3A_463, %add3A_464 : i32
      %swap3A_466 = arith.constant 1 : i32
      %swap3A_467 = arith.index_cast %swap3A_466 : i32 to index
      %swap3A_468 = arith.index_cast %add3A_465 : i32 to index
      %swap3A_469 = tpu.vector_load %arg17[%swap3A_467, %swap3A_468] {strides = array<i32>} : memref<10x128xf32, #tpu.memory_space<vmem>>, vector<16xf32>,
      tpu.vector_store %arg17[%swap3A_467, %swap3A_468], %gather3A_461 {strides = array<i32>} : memref<10x128xf32, #tpu.memory_space<vmem>>, vector<16xf32>,
      %gather3A_470 = tpu.vector_load_idx %arg16[%add3A_366] : memref<256xf32, #tpu.memory_space<vmem>>[vector<16xi32>], vector<16xf32>,
      %mul3A_471 = arith.constant 16 : i32
      %mul3A_472 = arith.muli %mul3A_440, %mul3A_471 : i32
      %add3A_473 = arith.constant 0 : i32
      %add3A_474 = arith.addi %mul3A_472, %add3A_473 : i32
      %swap3A_475 = arith.constant 2 : i32
      %swap3A_476 = arith.index_cast %swap3A_475 : i32 to index
      %swap3A_477 = arith.index_cast %add3A_474 : i32 to index
      %swap3A_478 = tpu.vector_load %arg17[%swap3A_476, %swap3A_477] {strides = array<i32>} : memref<10x128xf32, #tpu.memory_space<vmem>>, vector<16xf32>,
      tpu.vector_store %arg17[%swap3A_476, %swap3A_477], %gather3A_470 {strides = array<i32>} : memref<10x128xf32, #tpu.memory_space<vmem>>, vector<16xf32>,
      %gather3A_479 = tpu.vector_load_idx %arg16[%add3A_375] : memref<256xf32, #tpu.memory_space<vmem>>[vector<16xi32>], vector<16xf32>,
      %mul3A_480 = arith.constant 16 : i32
      %mul3A_481 = arith.muli %mul3A_440, %mul3A_480 : i32
      %add3A_482 = arith.constant 0 : i32
      %add3A_483 = arith.addi %mul3A_481, %add3A_482 : i32
      %swap3A_484 = arith.constant 3 : i32
      %swap3A_485 = arith.index_cast %swap3A_484 : i32 to index
      %swap3A_486 = arith.index_cast %add3A_483 : i32 to index
      %swap3A_487 = tpu.vector_load %arg17[%swap3A_485, %swap3A_486] {strides = array<i32>} : memref<10x128xf32, #tpu.memory_space<vmem>>, vector<16xf32>,
      tpu.vector_store %arg17[%swap3A_485, %swap3A_486], %gather3A_479 {strides = array<i32>} : memref<10x128xf32, #tpu.memory_space<vmem>>, vector<16xf32>,
      %gather3A_488 = tpu.vector_load_idx %arg16[%add3A_384] : memref<256xf32, #tpu.memory_space<vmem>>[vector<16xi32>], vector<16xf32>,
      %mul3A_489 = arith.constant 16 : i32
      %mul3A_490 = arith.muli %mul3A_440, %mul3A_489 : i32
      %add3A_491 = arith.constant 0 : i32
      %add3A_492 = arith.addi %mul3A_490, %add3A_491 : i32
      %swap3A_493 = arith.constant 4 : i32
      %swap3A_494 = arith.index_cast %swap3A_493 : i32 to index
      %swap3A_495 = arith.index_cast %add3A_492 : i32 to index
      %swap3A_496 = tpu.vector_load %arg17[%swap3A_494, %swap3A_495] {strides = array<i32>} : memref<10x128xf32, #tpu.memory_space<vmem>>, vector<16xf32>,
      tpu.vector_store %arg17[%swap3A_494, %swap3A_495], %gather3A_488 {strides = array<i32>} : memref<10x128xf32, #tpu.memory_space<vmem>>, vector<16xf32>,
      %gather3A_497 = tpu.vector_load_idx %arg16[%add3A_393] : memref<256xf32, #tpu.memory_space<vmem>>[vector<16xi32>], vector<16xf32>,
      %mul3A_498 = arith.constant 16 : i32
      %mul3A_499 = arith.muli %mul3A_440, %mul3A_498 : i32
      %add3A_500 = arith.constant 0 : i32
      %add3A_501 = arith.addi %mul3A_499, %add3A_500 : i32
      %swap3A_502 = arith.constant 5 : i32
      %swap3A_503 = arith.index_cast %swap3A_502 : i32 to index
      %swap3A_504 = arith.index_cast %add3A_501 : i32 to index
      %swap3A_505 = tpu.vector_load %arg17[%swap3A_503, %swap3A_504] {strides = array<i32>} : memref<10x128xf32, #tpu.memory_space<vmem>>, vector<16xf32>,
      tpu.vector_store %arg17[%swap3A_503, %swap3A_504], %gather3A_497 {strides = array<i32>} : memref<10x128xf32, #tpu.memory_space<vmem>>, vector<16xf32>,
      %gather3A_506 = tpu.vector_load_idx %arg16[%add3A_402] : memref<256xf32, #tpu.memory_space<vmem>>[vector<16xi32>], vector<16xf32>,
      %mul3A_507 = arith.constant 16 : i32
      %mul3A_508 = arith.muli %mul3A_440, %mul3A_507 : i32
      %add3A_509 = arith.constant 0 : i32
      %add3A_510 = arith.addi %mul3A_508, %add3A_509 : i32
      %swap3A_511 = arith.constant 6 : i32
      %swap3A_512 = arith.index_cast %swap3A_511 : i32 to index
      %swap3A_513 = arith.index_cast %add3A_510 : i32 to index
      %swap3A_514 = tpu.vector_load %arg17[%swap3A_512, %swap3A_513] {strides = array<i32>} : memref<10x128xf32, #tpu.memory_space<vmem>>, vector<16xf32>,
      tpu.vector_store %arg17[%swap3A_512, %swap3A_513], %gather3A_506 {strides = array<i32>} : memref<10x128xf32, #tpu.memory_space<vmem>>, vector<16xf32>,
      %gather3A_515 = tpu.vector_load_idx %arg16[%add3A_411] : memref<256xf32, #tpu.memory_space<vmem>>[vector<16xi32>], vector<16xf32>,
      %mul3A_516 = arith.constant 16 : i32
      %mul3A_517 = arith.muli %mul3A_440, %mul3A_516 : i32
      %add3A_518 = arith.constant 0 : i32
      %add3A_519 = arith.addi %mul3A_517, %add3A_518 : i32
      %swap3A_520 = arith.constant 7 : i32
      %swap3A_521 = arith.index_cast %swap3A_520 : i32 to index
      %swap3A_522 = arith.index_cast %add3A_519 : i32 to index
      %swap3A_523 = tpu.vector_load %arg17[%swap3A_521, %swap3A_522] {strides = array<i32>} : memref<10x128xf32, #tpu.memory_space<vmem>>, vector<16xf32>,
      tpu.vector_store %arg17[%swap3A_521, %swap3A_522], %gather3A_515 {strides = array<i32>} : memref<10x128xf32, #tpu.memory_space<vmem>>, vector<16xf32>,
      %gather3A_524 = tpu.vector_load_idx %arg16[%add3A_420] : memref<256xf32, #tpu.memory_space<vmem>>[vector<16xi32>], vector<16xf32>,
      %mul3A_525 = arith.constant 16 : i32
      %mul3A_526 = arith.muli %mul3A_440, %mul3A_525 : i32
      %add3A_527 = arith.constant 0 : i32
      %add3A_528 = arith.addi %mul3A_526, %add3A_527 : i32
      %swap3A_529 = arith.constant 8 : i32
      %swap3A_530 = arith.index_cast %swap3A_529 : i32 to index
      %swap3A_531 = arith.index_cast %add3A_528 : i32 to index
      %swap3A_532 = tpu.vector_load %arg17[%swap3A_530, %swap3A_531] {strides = array<i32>} : memref<10x128xf32, #tpu.memory_space<vmem>>, vector<16xf32>,
      tpu.vector_store %arg17[%swap3A_530, %swap3A_531], %gather3A_524 {strides = array<i32>} : memref<10x128xf32, #tpu.memory_space<vmem>>, vector<16xf32>,
      %gather3A_533 = tpu.vector_load_idx %arg16[%add3A_429] : memref<256xf32, #tpu.memory_space<vmem>>[vector<16xi32>], vector<16xf32>,
      %mul3A_534 = arith.constant 16 : i32
      %mul3A_535 = arith.muli %mul3A_440, %mul3A_534 : i32
      %add3A_536 = arith.constant 0 : i32
      %add3A_537 = arith.addi %mul3A_535, %add3A_536 : i32
      %swap3A_538 = arith.constant 9 : i32
      %swap3A_539 = arith.index_cast %swap3A_538 : i32 to index
      %swap3A_540 = arith.index_cast %add3A_537 : i32 to index
      %swap3A_541 = tpu.vector_load %arg17[%swap3A_539, %swap3A_540] {strides = array<i32>} : memref<10x128xf32, #tpu.memory_space<vmem>>, vector<16xf32>,
      tpu.vector_store %arg17[%swap3A_539, %swap3A_540], %gather3A_533 {strides = array<i32>} : memref<10x128xf32, #tpu.memory_space<vmem>>, vector<16xf32>,
      %lt3A = arith.constant 3 : i32
      %lt3A_542 = arith.cmpi slt, %scan3A_437, %lt3A : i32
      %convert_element_type3A = arith.extui %lt3A_542 : i1 to i32
      %cond3A = arith.constant 0 : i32
      %cond3A_543 = arith.cmpi ne, %convert_element_type3A, %cond3A : i32
      scf.if %cond3A_543 {
        %add3A_655 = arith.constant 2 : i32
        %add3A_656 = arith.addi %mul3A_440, %add3A_655 : i32
        %mul3A_657 = arith.constant 160 : i32
        %mul3A_658 = arith.muli %add3A_656, %mul3A_657 : i32
        %dma_start3A_659 = tpu.memref_slice %arg12[%mul3A_658] : memref<1280xi32, #tpu.memory_space<vmem>> -> memref<160xi32, #tpu.memory_space<vmem>>
        %dma_start3A_660 = arith.constant 0 : i32
        %dma_start3A_661 = arith.constant 0 : i32
        %dma_start3A_662 = tpu.memref_slice %arg7[%dma_start3A_660, %dma_start3A_661] : memref<100000x128xf32, #tpu.memory_space<hbm>> -> memref<100000x128xf32, #tpu.memory_space<hbm>>
        tpu.enqueue_indirect_dma source(%dma_start3A_662 : memref<100000x128xf32, #tpu.memory_space<hbm>>) target(%arg14 : memref<160x128xf32, #tpu.memory_space<vmem>>) offsets(%dma_start3A_659 : memref<160xi32, #tpu.memory_space<vmem>>) semaphore(%arg19 : memref<!tpu.dma_semaphore, #tpu.memory_space<semaphore_mem>>)
      } else {
      }
      %dma_wait3A_544 = arith.constant 0 : i32
      %dma_wait3A_545 = arith.constant 0 : i32
      %dma_wait3A_546 = tpu.memref_slice %arg7[%dma_wait3A_544, %dma_wait3A_545] : memref<100000x128xf32, #tpu.memory_space<hbm>> -> memref<160x128xf32, #tpu.memory_space<hbm>>
      %dma_wait3A_547 = arith.constant 0 : i32
      %dma_wait3A_548 = arith.constant 0 : i32
      %dma_wait3A_549 = tpu.memref_slice %arg7[%dma_wait3A_547, %dma_wait3A_548] : memref<100000x128xf32, #tpu.memory_space<hbm>> -> memref<160x128xf32, #tpu.memory_space<hbm>>
      tpu.wait_dma2 semaphore(%arg20 : memref<!tpu.dma_semaphore, #tpu.memory_space<semaphore_mem>>) src(%dma_wait3A_549 : memref<160x128xf32, #tpu.memory_space<hbm>>) dst(%arg15 : memref<160x128xf32, #tpu.memory_space<vmem>>)
      %add3A_550 = arith.constant 1 : i32
      %add3A_551 = arith.addi %mul3A_440, %add3A_550 : i32
      %scan3A_552 = arith.constant 0 : i32
      %scan3A_553 = arith.constant 0 : i32
      %scan3A_554 = arith.constant 16 : i32
      %scan3A_555 = arith.addi %scan3A_553, %scan3A_554 : i32
      %scan3A_556 = arith.constant 1 : i32
      %scan3A_557 = scf.for %scan3A_655 = %scan3A_553 to %scan3A_555 step %scan3A_556 iter_args(%scan3A_656 = %scan3A_552) -> (i32)  : i32 {
        %mul3A_657 = arith.constant 16 : i32
        %mul3A_658 = arith.muli %add3A_551, %mul3A_657 : i32
        %add3A_659 = arith.addi %mul3A_658, %scan3A_655 : i32
        %get3A = arith.index_cast %add3A_659 : i32 to index
        %get3A_660 = arith.constant 0 : index
        %get3A_661 = tpu.vector_load %arg13[%get3A, %get3A_660] {strides = array<i32>} : memref<128x128xf32, #tpu.memory_space<vmem>>, vector<16xf32>,
        %get3A_662 = arith.index_cast %add3A_659 : i32 to index
        %get3A_663 = arith.constant 16 : index
        %get3A_664 = tpu.vector_load %arg13[%get3A_662, %get3A_663] {strides = array<i32>} : memref<128x128xf32, #tpu.memory_space<vmem>>, vector<16xf32>,
        %get3A_665 = arith.index_cast %add3A_659 : i32 to index
        %get3A_666 = arith.constant 32 : index
        %get3A_667 = tpu.vector_load %arg13[%get3A_665, %get3A_666] {strides = array<i32>} : memref<128x128xf32, #tpu.memory_space<vmem>>, vector<16xf32>,
        %get3A_668 = arith.index_cast %add3A_659 : i32 to index
        %get3A_669 = arith.constant 48 : index
        %get3A_670 = tpu.vector_load %arg13[%get3A_668, %get3A_669] {strides = array<i32>} : memref<128x128xf32, #tpu.memory_space<vmem>>, vector<16xf32>,
        %get3A_671 = arith.index_cast %add3A_659 : i32 to index
        %get3A_672 = arith.constant 64 : index
        %get3A_673 = tpu.vector_load %arg13[%get3A_671, %get3A_672] {strides = array<i32>} : memref<128x128xf32, #tpu.memory_space<vmem>>, vector<16xf32>,
        %get3A_674 = arith.index_cast %add3A_659 : i32 to index
        %get3A_675 = arith.constant 80 : index
        %get3A_676 = tpu.vector_load %arg13[%get3A_674, %get3A_675] {strides = array<i32>} : memref<128x128xf32, #tpu.memory_space<vmem>>, vector<16xf32>,
        %get3A_677 = arith.index_cast %add3A_659 : i32 to index
        %get3A_678 = arith.constant 96 : index
        %get3A_679 = tpu.vector_load %arg13[%get3A_677, %get3A_678] {strides = array<i32>} : memref<128x128xf32, #tpu.memory_space<vmem>>, vector<16xf32>,
        %get3A_680 = arith.index_cast %add3A_659 : i32 to index
        %get3A_681 = arith.constant 112 : index
        %get3A_682 = tpu.vector_load %arg13[%get3A_680, %get3A_681] {strides = array<i32>} : memref<128x128xf32, #tpu.memory_space<vmem>>, vector<16xf32>,
        %mul3A_683 = arith.constant 10 : i32
        %mul3A_684 = arith.muli %scan3A_655, %mul3A_683 : i32
        %add3A_685 = arith.constant 0 : i32
        %add3A_686 = arith.addi %mul3A_684, %add3A_685 : i32
        %get3A_687 = arith.index_cast %add3A_686 : i32 to index
        %get3A_688 = arith.constant 0 : index
        %get3A_689 = tpu.vector_load %arg15[%get3A_687, %get3A_688] {strides = array<i32>} : memref<160x128xf32, #tpu.memory_space<vmem>>, vector<16xf32>,
        %mul3A_690 = arith.mulf %get3A_661, %get3A_689 : vector<16xf32>
        %get3A_691 = arith.index_cast %add3A_686 : i32 to index
        %get3A_692 = arith.constant 16 : index
        %get3A_693 = tpu.vector_load %arg15[%get3A_691, %get3A_692] {strides = array<i32>} : memref<160x128xf32, #tpu.memory_space<vmem>>, vector<16xf32>,
        %mul3A_694 = arith.mulf %get3A_664, %get3A_693 : vector<16xf32>
        %add3A_695 = arith.addf %mul3A_690, %mul3A_694 : vector<16xf32>
        %get3A_696 = arith.index_cast %add3A_686 : i32 to index
        %get3A_697 = arith.constant 32 : index
        %get3A_698 = tpu.vector_load %arg15[%get3A_696, %get3A_697] {strides = array<i32>} : memref<160x128xf32, #tpu.memory_space<vmem>>, vector<16xf32>,
        %mul3A_699 = arith.mulf %get3A_667, %get3A_698 : vector<16xf32>
        %add3A_700 = arith.addf %add3A_695, %mul3A_699 : vector<16xf32>
        %get3A_701 = arith.index_cast %add3A_686 : i32 to index
        %get3A_702 = arith.constant 48 : index
        %get3A_703 = tpu.vector_load %arg15[%get3A_701, %get3A_702] {strides = array<i32>} : memref<160x128xf32, #tpu.memory_space<vmem>>, vector<16xf32>,
        %mul3A_704 = arith.mulf %get3A_670, %get3A_703 : vector<16xf32>
        %add3A_705 = arith.addf %add3A_700, %mul3A_704 : vector<16xf32>
        %get3A_706 = arith.index_cast %add3A_686 : i32 to index
        %get3A_707 = arith.constant 64 : index
        %get3A_708 = tpu.vector_load %arg15[%get3A_706, %get3A_707] {strides = array<i32>} : memref<160x128xf32, #tpu.memory_space<vmem>>, vector<16xf32>,
        %mul3A_709 = arith.mulf %get3A_673, %get3A_708 : vector<16xf32>
        %add3A_710 = arith.addf %add3A_705, %mul3A_709 : vector<16xf32>
        %get3A_711 = arith.index_cast %add3A_686 : i32 to index
        %get3A_712 = arith.constant 80 : index
        %get3A_713 = tpu.vector_load %arg15[%get3A_711, %get3A_712] {strides = array<i32>} : memref<160x128xf32, #tpu.memory_space<vmem>>, vector<16xf32>,
        %mul3A_714 = arith.mulf %get3A_676, %get3A_713 : vector<16xf32>
        %add3A_715 = arith.addf %add3A_710, %mul3A_714 : vector<16xf32>
        %get3A_716 = arith.index_cast %add3A_686 : i32 to index
        %get3A_717 = arith.constant 96 : index
        %get3A_718 = tpu.vector_load %arg15[%get3A_716, %get3A_717] {strides = array<i32>} : memref<160x128xf32, #tpu.memory_space<vmem>>, vector<16xf32>,
        %mul3A_719 = arith.mulf %get3A_679, %get3A_718 : vector<16xf32>
        %add3A_720 = arith.addf %add3A_715, %mul3A_719 : vector<16xf32>
        %get3A_721 = arith.index_cast %add3A_686 : i32 to index
        %get3A_722 = arith.constant 112 : index
        %get3A_723 = tpu.vector_load %arg15[%get3A_721, %get3A_722] {strides = array<i32>} : memref<160x128xf32, #tpu.memory_space<vmem>>, vector<16xf32>,
        %mul3A_724 = arith.mulf %get3A_682, %get3A_723 : vector<16xf32>
        %add3A_725 = arith.addf %add3A_720, %mul3A_724 : vector<16xf32>
        %reduce_sum3A = arith.constant true
        %reduce_sum3A_726 = vector.broadcast %reduce_sum3A : i1 to vector<16xi1>
        %reduce_sum3A_727 = tpu.scan <sum>, %add3A_725 masked %reduce_sum3A_726 : vector<16xf32>, vector<16xi1> -> vector<16xf32>
        %reduce_sum3A_728 = vector.extract %reduce_sum3A_727[15] : f32 from vector<16xf32>
        %broadcast_in_dim3A_729 = vector.broadcast %reduce_sum3A_728 : f32 to vector<16xf32>
        %select_n3A = arith.select %eq3A_312, %broadcast_in_dim3A_729, %broadcast_in_dim3A_3 : vector<16xi1>, vector<16xf32>
        %mul3A_730 = arith.constant 10 : i32
        %mul3A_731 = arith.muli %scan3A_655, %mul3A_730 : i32
        %add3A_732 = arith.constant 1 : i32
        %add3A_733 = arith.addi %mul3A_731, %add3A_732 : i32
        %get3A_734 = arith.index_cast %add3A_733 : i32 to index
        %get3A_735 = arith.constant 0 : index
        %get3A_736 = tpu.vector_load %arg15[%get3A_734, %get3A_735] {strides = array<i32>} : memref<160x128xf32, #tpu.memory_space<vmem>>, vector<16xf32>,
        %mul3A_737 = arith.mulf %get3A_661, %get3A_736 : vector<16xf32>
        %get3A_738 = arith.index_cast %add3A_733 : i32 to index
        %get3A_739 = arith.constant 16 : index
        %get3A_740 = tpu.vector_load %arg15[%get3A_738, %get3A_739] {strides = array<i32>} : memref<160x128xf32, #tpu.memory_space<vmem>>, vector<16xf32>,
        %mul3A_741 = arith.mulf %get3A_664, %get3A_740 : vector<16xf32>
        %add3A_742 = arith.addf %mul3A_737, %mul3A_741 : vector<16xf32>
        %get3A_743 = arith.index_cast %add3A_733 : i32 to index
        %get3A_744 = arith.constant 32 : index
        %get3A_745 = tpu.vector_load %arg15[%get3A_743, %get3A_744] {strides = array<i32>} : memref<160x128xf32, #tpu.memory_space<vmem>>, vector<16xf32>,
        %mul3A_746 = arith.mulf %get3A_667, %get3A_745 : vector<16xf32>
        %add3A_747 = arith.addf %add3A_742, %mul3A_746 : vector<16xf32>
        %get3A_748 = arith.index_cast %add3A_733 : i32 to index
        %get3A_749 = arith.constant 48 : index
        %get3A_750 = tpu.vector_load %arg15[%get3A_748, %get3A_749] {strides = array<i32>} : memref<160x128xf32, #tpu.memory_space<vmem>>, vector<16xf32>,
        %mul3A_751 = arith.mulf %get3A_670, %get3A_750 : vector<16xf32>
        %add3A_752 = arith.addf %add3A_747, %mul3A_751 : vector<16xf32>
        %get3A_753 = arith.index_cast %add3A_733 : i32 to index
        %get3A_754 = arith.constant 64 : index
        %get3A_755 = tpu.vector_load %arg15[%get3A_753, %get3A_754] {strides = array<i32>} : memref<160x128xf32, #tpu.memory_space<vmem>>, vector<16xf32>,
        %mul3A_756 = arith.mulf %get3A_673, %get3A_755 : vector<16xf32>
        %add3A_757 = arith.addf %add3A_752, %mul3A_756 : vector<16xf32>
        %get3A_758 = arith.index_cast %add3A_733 : i32 to index
        %get3A_759 = arith.constant 80 : index
        %get3A_760 = tpu.vector_load %arg15[%get3A_758, %get3A_759] {strides = array<i32>} : memref<160x128xf32, #tpu.memory_space<vmem>>, vector<16xf32>,
        %mul3A_761 = arith.mulf %get3A_676, %get3A_760 : vector<16xf32>
        %add3A_762 = arith.addf %add3A_757, %mul3A_761 : vector<16xf32>
        %get3A_763 = arith.index_cast %add3A_733 : i32 to index
        %get3A_764 = arith.constant 96 : index
        %get3A_765 = tpu.vector_load %arg15[%get3A_763, %get3A_764] {strides = array<i32>} : memref<160x128xf32, #tpu.memory_space<vmem>>, vector<16xf32>,
        %mul3A_766 = arith.mulf %get3A_679, %get3A_765 : vector<16xf32>
        %add3A_767 = arith.addf %add3A_762, %mul3A_766 : vector<16xf32>
        %get3A_768 = arith.index_cast %add3A_733 : i32 to index
        %get3A_769 = arith.constant 112 : index
        %get3A_770 = tpu.vector_load %arg15[%get3A_768, %get3A_769] {strides = array<i32>} : memref<160x128xf32, #tpu.memory_space<vmem>>, vector<16xf32>,
        %mul3A_771 = arith.mulf %get3A_682, %get3A_770 : vector<16xf32>
        %add3A_772 = arith.addf %add3A_767, %mul3A_771 : vector<16xf32>
        %reduce_sum3A_773 = arith.constant true
        %reduce_sum3A_774 = vector.broadcast %reduce_sum3A_773 : i1 to vector<16xi1>
        %reduce_sum3A_775 = tpu.scan <sum>, %add3A_772 masked %reduce_sum3A_774 : vector<16xf32>, vector<16xi1> -> vector<16xf32>
        %reduce_sum3A_776 = vector.extract %reduce_sum3A_775[15] : f32 from vector<16xf32>
        %broadcast_in_dim3A_777 = vector.broadcast %reduce_sum3A_776 : f32 to vector<16xf32>
        %select_n3A_778 = arith.select %eq3A_315, %broadcast_in_dim3A_777, %select_n3A : vector<16xi1>, vector<16xf32>
        %mul3A_779 = arith.constant 10 : i32
        %mul3A_780 = arith.muli %scan3A_655, %mul3A_779 : i32
        %add3A_781 = arith.constant 2 : i32
        %add3A_782 = arith.addi %mul3A_780, %add3A_781 : i32
        %get3A_783 = arith.index_cast %add3A_782 : i32 to index
        %get3A_784 = arith.constant 0 : index
        %get3A_785 = tpu.vector_load %arg15[%get3A_783, %get3A_784] {strides = array<i32>} : memref<160x128xf32, #tpu.memory_space<vmem>>, vector<16xf32>,
        %mul3A_786 = arith.mulf %get3A_661, %get3A_785 : vector<16xf32>
        %get3A_787 = arith.index_cast %add3A_782 : i32 to index
        %get3A_788 = arith.constant 16 : index
        %get3A_789 = tpu.vector_load %arg15[%get3A_787, %get3A_788] {strides = array<i32>} : memref<160x128xf32, #tpu.memory_space<vmem>>, vector<16xf32>,
        %mul3A_790 = arith.mulf %get3A_664, %get3A_789 : vector<16xf32>
        %add3A_791 = arith.addf %mul3A_786, %mul3A_790 : vector<16xf32>
        %get3A_792 = arith.index_cast %add3A_782 : i32 to index
        %get3A_793 = arith.constant 32 : index
        %get3A_794 = tpu.vector_load %arg15[%get3A_792, %get3A_793] {strides = array<i32>} : memref<160x128xf32, #tpu.memory_space<vmem>>, vector<16xf32>,
        %mul3A_795 = arith.mulf %get3A_667, %get3A_794 : vector<16xf32>
        %add3A_796 = arith.addf %add3A_791, %mul3A_795 : vector<16xf32>
        %get3A_797 = arith.index_cast %add3A_782 : i32 to index
        %get3A_798 = arith.constant 48 : index
        %get3A_799 = tpu.vector_load %arg15[%get3A_797, %get3A_798] {strides = array<i32>} : memref<160x128xf32, #tpu.memory_space<vmem>>, vector<16xf32>,
        %mul3A_800 = arith.mulf %get3A_670, %get3A_799 : vector<16xf32>
        %add3A_801 = arith.addf %add3A_796, %mul3A_800 : vector<16xf32>
        %get3A_802 = arith.index_cast %add3A_782 : i32 to index
        %get3A_803 = arith.constant 64 : index
        %get3A_804 = tpu.vector_load %arg15[%get3A_802, %get3A_803] {strides = array<i32>} : memref<160x128xf32, #tpu.memory_space<vmem>>, vector<16xf32>,
        %mul3A_805 = arith.mulf %get3A_673, %get3A_804 : vector<16xf32>
        %add3A_806 = arith.addf %add3A_801, %mul3A_805 : vector<16xf32>
        %get3A_807 = arith.index_cast %add3A_782 : i32 to index
        %get3A_808 = arith.constant 80 : index
        %get3A_809 = tpu.vector_load %arg15[%get3A_807, %get3A_808] {strides = array<i32>} : memref<160x128xf32, #tpu.memory_space<vmem>>, vector<16xf32>,
        %mul3A_810 = arith.mulf %get3A_676, %get3A_809 : vector<16xf32>
        %add3A_811 = arith.addf %add3A_806, %mul3A_810 : vector<16xf32>
        %get3A_812 = arith.index_cast %add3A_782 : i32 to index
        %get3A_813 = arith.constant 96 : index
        %get3A_814 = tpu.vector_load %arg15[%get3A_812, %get3A_813] {strides = array<i32>} : memref<160x128xf32, #tpu.memory_space<vmem>>, vector<16xf32>,
        %mul3A_815 = arith.mulf %get3A_679, %get3A_814 : vector<16xf32>
        %add3A_816 = arith.addf %add3A_811, %mul3A_815 : vector<16xf32>
        %get3A_817 = arith.index_cast %add3A_782 : i32 to index
        %get3A_818 = arith.constant 112 : index
        %get3A_819 = tpu.vector_load %arg15[%get3A_817, %get3A_818] {strides = array<i32>} : memref<160x128xf32, #tpu.memory_space<vmem>>, vector<16xf32>,
        %mul3A_820 = arith.mulf %get3A_682, %get3A_819 : vector<16xf32>
        %add3A_821 = arith.addf %add3A_816, %mul3A_820 : vector<16xf32>
        %reduce_sum3A_822 = arith.constant true
        %reduce_sum3A_823 = vector.broadcast %reduce_sum3A_822 : i1 to vector<16xi1>
        %reduce_sum3A_824 = tpu.scan <sum>, %add3A_821 masked %reduce_sum3A_823 : vector<16xf32>, vector<16xi1> -> vector<16xf32>
        %reduce_sum3A_825 = vector.extract %reduce_sum3A_824[15] : f32 from vector<16xf32>
        %broadcast_in_dim3A_826 = vector.broadcast %reduce_sum3A_825 : f32 to vector<16xf32>
        %select_n3A_827 = arith.select %eq3A_318, %broadcast_in_dim3A_826, %select_n3A_778 : vector<16xi1>, vector<16xf32>
        %mul3A_828 = arith.constant 10 : i32
        %mul3A_829 = arith.muli %scan3A_655, %mul3A_828 : i32
        %add3A_830 = arith.constant 3 : i32
        %add3A_831 = arith.addi %mul3A_829, %add3A_830 : i32
        %get3A_832 = arith.index_cast %add3A_831 : i32 to index
        %get3A_833 = arith.constant 0 : index
        %get3A_834 = tpu.vector_load %arg15[%get3A_832, %get3A_833] {strides = array<i32>} : memref<160x128xf32, #tpu.memory_space<vmem>>, vector<16xf32>,
        %mul3A_835 = arith.mulf %get3A_661, %get3A_834 : vector<16xf32>
        %get3A_836 = arith.index_cast %add3A_831 : i32 to index
        %get3A_837 = arith.constant 16 : index
        %get3A_838 = tpu.vector_load %arg15[%get3A_836, %get3A_837] {strides = array<i32>} : memref<160x128xf32, #tpu.memory_space<vmem>>, vector<16xf32>,
        %mul3A_839 = arith.mulf %get3A_664, %get3A_838 : vector<16xf32>
        %add3A_840 = arith.addf %mul3A_835, %mul3A_839 : vector<16xf32>
        %get3A_841 = arith.index_cast %add3A_831 : i32 to index
        %get3A_842 = arith.constant 32 : index
        %get3A_843 = tpu.vector_load %arg15[%get3A_841, %get3A_842] {strides = array<i32>} : memref<160x128xf32, #tpu.memory_space<vmem>>, vector<16xf32>,
        %mul3A_844 = arith.mulf %get3A_667, %get3A_843 : vector<16xf32>
        %add3A_845 = arith.addf %add3A_840, %mul3A_844 : vector<16xf32>
        %get3A_846 = arith.index_cast %add3A_831 : i32 to index
        %get3A_847 = arith.constant 48 : index
        %get3A_848 = tpu.vector_load %arg15[%get3A_846, %get3A_847] {strides = array<i32>} : memref<160x128xf32, #tpu.memory_space<vmem>>, vector<16xf32>,
        %mul3A_849 = arith.mulf %get3A_670, %get3A_848 : vector<16xf32>
        %add3A_850 = arith.addf %add3A_845, %mul3A_849 : vector<16xf32>
        %get3A_851 = arith.index_cast %add3A_831 : i32 to index
        %get3A_852 = arith.constant 64 : index
        %get3A_853 = tpu.vector_load %arg15[%get3A_851, %get3A_852] {strides = array<i32>} : memref<160x128xf32, #tpu.memory_space<vmem>>, vector<16xf32>,
        %mul3A_854 = arith.mulf %get3A_673, %get3A_853 : vector<16xf32>
        %add3A_855 = arith.addf %add3A_850, %mul3A_854 : vector<16xf32>
        %get3A_856 = arith.index_cast %add3A_831 : i32 to index
        %get3A_857 = arith.constant 80 : index
        %get3A_858 = tpu.vector_load %arg15[%get3A_856, %get3A_857] {strides = array<i32>} : memref<160x128xf32, #tpu.memory_space<vmem>>, vector<16xf32>,
        %mul3A_859 = arith.mulf %get3A_676, %get3A_858 : vector<16xf32>
        %add3A_860 = arith.addf %add3A_855, %mul3A_859 : vector<16xf32>
        %get3A_861 = arith.index_cast %add3A_831 : i32 to index
        %get3A_862 = arith.constant 96 : index
        %get3A_863 = tpu.vector_load %arg15[%get3A_861, %get3A_862] {strides = array<i32>} : memref<160x128xf32, #tpu.memory_space<vmem>>, vector<16xf32>,
        %mul3A_864 = arith.mulf %get3A_679, %get3A_863 : vector<16xf32>
        %add3A_865 = arith.addf %add3A_860, %mul3A_864 : vector<16xf32>
        %get3A_866 = arith.index_cast %add3A_831 : i32 to index
        %get3A_867 = arith.constant 112 : index
        %get3A_868 = tpu.vector_load %arg15[%get3A_866, %get3A_867] {strides = array<i32>} : memref<160x128xf32, #tpu.memory_space<vmem>>, vector<16xf32>,
        %mul3A_869 = arith.mulf %get3A_682, %get3A_868 : vector<16xf32>
        %add3A_870 = arith.addf %add3A_865, %mul3A_869 : vector<16xf32>
        %reduce_sum3A_871 = arith.constant true
        %reduce_sum3A_872 = vector.broadcast %reduce_sum3A_871 : i1 to vector<16xi1>
        %reduce_sum3A_873 = tpu.scan <sum>, %add3A_870 masked %reduce_sum3A_872 : vector<16xf32>, vector<16xi1> -> vector<16xf32>
        %reduce_sum3A_874 = vector.extract %reduce_sum3A_873[15] : f32 from vector<16xf32>
        %broadcast_in_dim3A_875 = vector.broadcast %reduce_sum3A_874 : f32 to vector<16xf32>
        %select_n3A_876 = arith.select %eq3A_321, %broadcast_in_dim3A_875, %select_n3A_827 : vector<16xi1>, vector<16xf32>
        %mul3A_877 = arith.constant 10 : i32
        %mul3A_878 = arith.muli %scan3A_655, %mul3A_877 : i32
        %add3A_879 = arith.constant 4 : i32
        %add3A_880 = arith.addi %mul3A_878, %add3A_879 : i32
        %get3A_881 = arith.index_cast %add3A_880 : i32 to index
        %get3A_882 = arith.constant 0 : index
        %get3A_883 = tpu.vector_load %arg15[%get3A_881, %get3A_882] {strides = array<i32>} : memref<160x128xf32, #tpu.memory_space<vmem>>, vector<16xf32>,
        %mul3A_884 = arith.mulf %get3A_661, %get3A_883 : vector<16xf32>
        %get3A_885 = arith.index_cast %add3A_880 : i32 to index
        %get3A_886 = arith.constant 16 : index
        %get3A_887 = tpu.vector_load %arg15[%get3A_885, %get3A_886] {strides = array<i32>} : memref<160x128xf32, #tpu.memory_space<vmem>>, vector<16xf32>,
        %mul3A_888 = arith.mulf %get3A_664, %get3A_887 : vector<16xf32>
        %add3A_889 = arith.addf %mul3A_884, %mul3A_888 : vector<16xf32>
        %get3A_890 = arith.index_cast %add3A_880 : i32 to index
        %get3A_891 = arith.constant 32 : index
        %get3A_892 = tpu.vector_load %arg15[%get3A_890, %get3A_891] {strides = array<i32>} : memref<160x128xf32, #tpu.memory_space<vmem>>, vector<16xf32>,
        %mul3A_893 = arith.mulf %get3A_667, %get3A_892 : vector<16xf32>
        %add3A_894 = arith.addf %add3A_889, %mul3A_893 : vector<16xf32>
        %get3A_895 = arith.index_cast %add3A_880 : i32 to index
        %get3A_896 = arith.constant 48 : index
        %get3A_897 = tpu.vector_load %arg15[%get3A_895, %get3A_896] {strides = array<i32>} : memref<160x128xf32, #tpu.memory_space<vmem>>, vector<16xf32>,
        %mul3A_898 = arith.mulf %get3A_670, %get3A_897 : vector<16xf32>
        %add3A_899 = arith.addf %add3A_894, %mul3A_898 : vector<16xf32>
        %get3A_900 = arith.index_cast %add3A_880 : i32 to index
        %get3A_901 = arith.constant 64 : index
        %get3A_902 = tpu.vector_load %arg15[%get3A_900, %get3A_901] {strides = array<i32>} : memref<160x128xf32, #tpu.memory_space<vmem>>, vector<16xf32>,
        %mul3A_903 = arith.mulf %get3A_673, %get3A_902 : vector<16xf32>
        %add3A_904 = arith.addf %add3A_899, %mul3A_903 : vector<16xf32>
        %get3A_905 = arith.index_cast %add3A_880 : i32 to index
        %get3A_906 = arith.constant 80 : index
        %get3A_907 = tpu.vector_load %arg15[%get3A_905, %get3A_906] {strides = array<i32>} : memref<160x128xf32, #tpu.memory_space<vmem>>, vector<16xf32>,
        %mul3A_908 = arith.mulf %get3A_676, %get3A_907 : vector<16xf32>
        %add3A_909 = arith.addf %add3A_904, %mul3A_908 : vector<16xf32>
        %get3A_910 = arith.index_cast %add3A_880 : i32 to index
        %get3A_911 = arith.constant 96 : index
        %get3A_912 = tpu.vector_load %arg15[%get3A_910, %get3A_911] {strides = array<i32>} : memref<160x128xf32, #tpu.memory_space<vmem>>, vector<16xf32>,
        %mul3A_913 = arith.mulf %get3A_679, %get3A_912 : vector<16xf32>
        %add3A_914 = arith.addf %add3A_909, %mul3A_913 : vector<16xf32>
        %get3A_915 = arith.index_cast %add3A_880 : i32 to index
        %get3A_916 = arith.constant 112 : index
        %get3A_917 = tpu.vector_load %arg15[%get3A_915, %get3A_916] {strides = array<i32>} : memref<160x128xf32, #tpu.memory_space<vmem>>, vector<16xf32>,
        %mul3A_918 = arith.mulf %get3A_682, %get3A_917 : vector<16xf32>
        %add3A_919 = arith.addf %add3A_914, %mul3A_918 : vector<16xf32>
        %reduce_sum3A_920 = arith.constant true
        %reduce_sum3A_921 = vector.broadcast %reduce_sum3A_920 : i1 to vector<16xi1>
        %reduce_sum3A_922 = tpu.scan <sum>, %add3A_919 masked %reduce_sum3A_921 : vector<16xf32>, vector<16xi1> -> vector<16xf32>
        %reduce_sum3A_923 = vector.extract %reduce_sum3A_922[15] : f32 from vector<16xf32>
        %broadcast_in_dim3A_924 = vector.broadcast %reduce_sum3A_923 : f32 to vector<16xf32>
        %select_n3A_925 = arith.select %eq3A_324, %broadcast_in_dim3A_924, %select_n3A_876 : vector<16xi1>, vector<16xf32>
        %mul3A_926 = arith.constant 10 : i32
        %mul3A_927 = arith.muli %scan3A_655, %mul3A_926 : i32
        %add3A_928 = arith.constant 5 : i32
        %add3A_929 = arith.addi %mul3A_927, %add3A_928 : i32
        %get3A_930 = arith.index_cast %add3A_929 : i32 to index
        %get3A_931 = arith.constant 0 : index
        %get3A_932 = tpu.vector_load %arg15[%get3A_930, %get3A_931] {strides = array<i32>} : memref<160x128xf32, #tpu.memory_space<vmem>>, vector<16xf32>,
        %mul3A_933 = arith.mulf %get3A_661, %get3A_932 : vector<16xf32>
        %get3A_934 = arith.index_cast %add3A_929 : i32 to index
        %get3A_935 = arith.constant 16 : index
        %get3A_936 = tpu.vector_load %arg15[%get3A_934, %get3A_935] {strides = array<i32>} : memref<160x128xf32, #tpu.memory_space<vmem>>, vector<16xf32>,
        %mul3A_937 = arith.mulf %get3A_664, %get3A_936 : vector<16xf32>
        %add3A_938 = arith.addf %mul3A_933, %mul3A_937 : vector<16xf32>
        %get3A_939 = arith.index_cast %add3A_929 : i32 to index
        %get3A_940 = arith.constant 32 : index
        %get3A_941 = tpu.vector_load %arg15[%get3A_939, %get3A_940] {strides = array<i32>} : memref<160x128xf32, #tpu.memory_space<vmem>>, vector<16xf32>,
        %mul3A_942 = arith.mulf %get3A_667, %get3A_941 : vector<16xf32>
        %add3A_943 = arith.addf %add3A_938, %mul3A_942 : vector<16xf32>
        %get3A_944 = arith.index_cast %add3A_929 : i32 to index
        %get3A_945 = arith.constant 48 : index
        %get3A_946 = tpu.vector_load %arg15[%get3A_944, %get3A_945] {strides = array<i32>} : memref<160x128xf32, #tpu.memory_space<vmem>>, vector<16xf32>,
        %mul3A_947 = arith.mulf %get3A_670, %get3A_946 : vector<16xf32>
        %add3A_948 = arith.addf %add3A_943, %mul3A_947 : vector<16xf32>
        %get3A_949 = arith.index_cast %add3A_929 : i32 to index
        %get3A_950 = arith.constant 64 : index
        %get3A_951 = tpu.vector_load %arg15[%get3A_949, %get3A_950] {strides = array<i32>} : memref<160x128xf32, #tpu.memory_space<vmem>>, vector<16xf32>,
        %mul3A_952 = arith.mulf %get3A_673, %get3A_951 : vector<16xf32>
        %add3A_953 = arith.addf %add3A_948, %mul3A_952 : vector<16xf32>
        %get3A_954 = arith.index_cast %add3A_929 : i32 to index
        %get3A_955 = arith.constant 80 : index
        %get3A_956 = tpu.vector_load %arg15[%get3A_954, %get3A_955] {strides = array<i32>} : memref<160x128xf32, #tpu.memory_space<vmem>>, vector<16xf32>,
        %mul3A_957 = arith.mulf %get3A_676, %get3A_956 : vector<16xf32>
        %add3A_958 = arith.addf %add3A_953, %mul3A_957 : vector<16xf32>
        %get3A_959 = arith.index_cast %add3A_929 : i32 to index
        %get3A_960 = arith.constant 96 : index
        %get3A_961 = tpu.vector_load %arg15[%get3A_959, %get3A_960] {strides = array<i32>} : memref<160x128xf32, #tpu.memory_space<vmem>>, vector<16xf32>,
        %mul3A_962 = arith.mulf %get3A_679, %get3A_961 : vector<16xf32>
        %add3A_963 = arith.addf %add3A_958, %mul3A_962 : vector<16xf32>
        %get3A_964 = arith.index_cast %add3A_929 : i32 to index
        %get3A_965 = arith.constant 112 : index
        %get3A_966 = tpu.vector_load %arg15[%get3A_964, %get3A_965] {strides = array<i32>} : memref<160x128xf32, #tpu.memory_space<vmem>>, vector<16xf32>,
        %mul3A_967 = arith.mulf %get3A_682, %get3A_966 : vector<16xf32>
        %add3A_968 = arith.addf %add3A_963, %mul3A_967 : vector<16xf32>
        %reduce_sum3A_969 = arith.constant true
        %reduce_sum3A_970 = vector.broadcast %reduce_sum3A_969 : i1 to vector<16xi1>
        %reduce_sum3A_971 = tpu.scan <sum>, %add3A_968 masked %reduce_sum3A_970 : vector<16xf32>, vector<16xi1> -> vector<16xf32>
        %reduce_sum3A_972 = vector.extract %reduce_sum3A_971[15] : f32 from vector<16xf32>
        %broadcast_in_dim3A_973 = vector.broadcast %reduce_sum3A_972 : f32 to vector<16xf32>
        %select_n3A_974 = arith.select %eq3A_327, %broadcast_in_dim3A_973, %select_n3A_925 : vector<16xi1>, vector<16xf32>
        %mul3A_975 = arith.constant 10 : i32
        %mul3A_976 = arith.muli %scan3A_655, %mul3A_975 : i32
        %add3A_977 = arith.constant 6 : i32
        %add3A_978 = arith.addi %mul3A_976, %add3A_977 : i32
        %get3A_979 = arith.index_cast %add3A_978 : i32 to index
        %get3A_980 = arith.constant 0 : index
        %get3A_981 = tpu.vector_load %arg15[%get3A_979, %get3A_980] {strides = array<i32>} : memref<160x128xf32, #tpu.memory_space<vmem>>, vector<16xf32>,
        %mul3A_982 = arith.mulf %get3A_661, %get3A_981 : vector<16xf32>
        %get3A_983 = arith.index_cast %add3A_978 : i32 to index
        %get3A_984 = arith.constant 16 : index
        %get3A_985 = tpu.vector_load %arg15[%get3A_983, %get3A_984] {strides = array<i32>} : memref<160x128xf32, #tpu.memory_space<vmem>>, vector<16xf32>,
        %mul3A_986 = arith.mulf %get3A_664, %get3A_985 : vector<16xf32>
        %add3A_987 = arith.addf %mul3A_982, %mul3A_986 : vector<16xf32>
        %get3A_988 = arith.index_cast %add3A_978 : i32 to index
        %get3A_989 = arith.constant 32 : index
        %get3A_990 = tpu.vector_load %arg15[%get3A_988, %get3A_989] {strides = array<i32>} : memref<160x128xf32, #tpu.memory_space<vmem>>, vector<16xf32>,
        %mul3A_991 = arith.mulf %get3A_667, %get3A_990 : vector<16xf32>
        %add3A_992 = arith.addf %add3A_987, %mul3A_991 : vector<16xf32>
        %get3A_993 = arith.index_cast %add3A_978 : i32 to index
        %get3A_994 = arith.constant 48 : index
        %get3A_995 = tpu.vector_load %arg15[%get3A_993, %get3A_994] {strides = array<i32>} : memref<160x128xf32, #tpu.memory_space<vmem>>, vector<16xf32>,
        %mul3A_996 = arith.mulf %get3A_670, %get3A_995 : vector<16xf32>
        %add3A_997 = arith.addf %add3A_992, %mul3A_996 : vector<16xf32>
        %get3A_998 = arith.index_cast %add3A_978 : i32 to index
        %get3A_999 = arith.constant 64 : index
        %get3A_1000 = tpu.vector_load %arg15[%get3A_998, %get3A_999] {strides = array<i32>} : memref<160x128xf32, #tpu.memory_space<vmem>>, vector<16xf32>,
        %mul3A_1001 = arith.mulf %get3A_673, %get3A_1000 : vector<16xf32>
        %add3A_1002 = arith.addf %add3A_997, %mul3A_1001 : vector<16xf32>
        %get3A_1003 = arith.index_cast %add3A_978 : i32 to index
        %get3A_1004 = arith.constant 80 : index
        %get3A_1005 = tpu.vector_load %arg15[%get3A_1003, %get3A_1004] {strides = array<i32>} : memref<160x128xf32, #tpu.memory_space<vmem>>, vector<16xf32>,
        %mul3A_1006 = arith.mulf %get3A_676, %get3A_1005 : vector<16xf32>
        %add3A_1007 = arith.addf %add3A_1002, %mul3A_1006 : vector<16xf32>
        %get3A_1008 = arith.index_cast %add3A_978 : i32 to index
        %get3A_1009 = arith.constant 96 : index
        %get3A_1010 = tpu.vector_load %arg15[%get3A_1008, %get3A_1009] {strides = array<i32>} : memref<160x128xf32, #tpu.memory_space<vmem>>, vector<16xf32>,
        %mul3A_1011 = arith.mulf %get3A_679, %get3A_1010 : vector<16xf32>
        %add3A_1012 = arith.addf %add3A_1007, %mul3A_1011 : vector<16xf32>
        %get3A_1013 = arith.index_cast %add3A_978 : i32 to index
        %get3A_1014 = arith.constant 112 : index
        %get3A_1015 = tpu.vector_load %arg15[%get3A_1013, %get3A_1014] {strides = array<i32>} : memref<160x128xf32, #tpu.memory_space<vmem>>, vector<16xf32>,
        %mul3A_1016 = arith.mulf %get3A_682, %get3A_1015 : vector<16xf32>
        %add3A_1017 = arith.addf %add3A_1012, %mul3A_1016 : vector<16xf32>
        %reduce_sum3A_1018 = arith.constant true
        %reduce_sum3A_1019 = vector.broadcast %reduce_sum3A_1018 : i1 to vector<16xi1>
        %reduce_sum3A_1020 = tpu.scan <sum>, %add3A_1017 masked %reduce_sum3A_1019 : vector<16xf32>, vector<16xi1> -> vector<16xf32>
        %reduce_sum3A_1021 = vector.extract %reduce_sum3A_1020[15] : f32 from vector<16xf32>
        %broadcast_in_dim3A_1022 = vector.broadcast %reduce_sum3A_1021 : f32 to vector<16xf32>
        %select_n3A_1023 = arith.select %eq3A_330, %broadcast_in_dim3A_1022, %select_n3A_974 : vector<16xi1>, vector<16xf32>
        %mul3A_1024 = arith.constant 10 : i32
        %mul3A_1025 = arith.muli %scan3A_655, %mul3A_1024 : i32
        %add3A_1026 = arith.constant 7 : i32
        %add3A_1027 = arith.addi %mul3A_1025, %add3A_1026 : i32
        %get3A_1028 = arith.index_cast %add3A_1027 : i32 to index
        %get3A_1029 = arith.constant 0 : index
        %get3A_1030 = tpu.vector_load %arg15[%get3A_1028, %get3A_1029] {strides = array<i32>} : memref<160x128xf32, #tpu.memory_space<vmem>>, vector<16xf32>,
        %mul3A_1031 = arith.mulf %get3A_661, %get3A_1030 : vector<16xf32>
        %get3A_1032 = arith.index_cast %add3A_1027 : i32 to index
        %get3A_1033 = arith.constant 16 : index
        %get3A_1034 = tpu.vector_load %arg15[%get3A_1032, %get3A_1033] {strides = array<i32>} : memref<160x128xf32, #tpu.memory_space<vmem>>, vector<16xf32>,
        %mul3A_1035 = arith.mulf %get3A_664, %get3A_1034 : vector<16xf32>
        %add3A_1036 = arith.addf %mul3A_1031, %mul3A_1035 : vector<16xf32>
        %get3A_1037 = arith.index_cast %add3A_1027 : i32 to index
        %get3A_1038 = arith.constant 32 : index
        %get3A_1039 = tpu.vector_load %arg15[%get3A_1037, %get3A_1038] {strides = array<i32>} : memref<160x128xf32, #tpu.memory_space<vmem>>, vector<16xf32>,
        %mul3A_1040 = arith.mulf %get3A_667, %get3A_1039 : vector<16xf32>
        %add3A_1041 = arith.addf %add3A_1036, %mul3A_1040 : vector<16xf32>
        %get3A_1042 = arith.index_cast %add3A_1027 : i32 to index
        %get3A_1043 = arith.constant 48 : index
        %get3A_1044 = tpu.vector_load %arg15[%get3A_1042, %get3A_1043] {strides = array<i32>} : memref<160x128xf32, #tpu.memory_space<vmem>>, vector<16xf32>,
        %mul3A_1045 = arith.mulf %get3A_670, %get3A_1044 : vector<16xf32>
        %add3A_1046 = arith.addf %add3A_1041, %mul3A_1045 : vector<16xf32>
        %get3A_1047 = arith.index_cast %add3A_1027 : i32 to index
        %get3A_1048 = arith.constant 64 : index
        %get3A_1049 = tpu.vector_load %arg15[%get3A_1047, %get3A_1048] {strides = array<i32>} : memref<160x128xf32, #tpu.memory_space<vmem>>, vector<16xf32>,
        %mul3A_1050 = arith.mulf %get3A_673, %get3A_1049 : vector<16xf32>
        %add3A_1051 = arith.addf %add3A_1046, %mul3A_1050 : vector<16xf32>
        %get3A_1052 = arith.index_cast %add3A_1027 : i32 to index
        %get3A_1053 = arith.constant 80 : index
        %get3A_1054 = tpu.vector_load %arg15[%get3A_1052, %get3A_1053] {strides = array<i32>} : memref<160x128xf32, #tpu.memory_space<vmem>>, vector<16xf32>,
        %mul3A_1055 = arith.mulf %get3A_676, %get3A_1054 : vector<16xf32>
        %add3A_1056 = arith.addf %add3A_1051, %mul3A_1055 : vector<16xf32>
        %get3A_1057 = arith.index_cast %add3A_1027 : i32 to index
        %get3A_1058 = arith.constant 96 : index
        %get3A_1059 = tpu.vector_load %arg15[%get3A_1057, %get3A_1058] {strides = array<i32>} : memref<160x128xf32, #tpu.memory_space<vmem>>, vector<16xf32>,
        %mul3A_1060 = arith.mulf %get3A_679, %get3A_1059 : vector<16xf32>
        %add3A_1061 = arith.addf %add3A_1056, %mul3A_1060 : vector<16xf32>
        %get3A_1062 = arith.index_cast %add3A_1027 : i32 to index
        %get3A_1063 = arith.constant 112 : index
        %get3A_1064 = tpu.vector_load %arg15[%get3A_1062, %get3A_1063] {strides = array<i32>} : memref<160x128xf32, #tpu.memory_space<vmem>>, vector<16xf32>,
        %mul3A_1065 = arith.mulf %get3A_682, %get3A_1064 : vector<16xf32>
        %add3A_1066 = arith.addf %add3A_1061, %mul3A_1065 : vector<16xf32>
        %reduce_sum3A_1067 = arith.constant true
        %reduce_sum3A_1068 = vector.broadcast %reduce_sum3A_1067 : i1 to vector<16xi1>
        %reduce_sum3A_1069 = tpu.scan <sum>, %add3A_1066 masked %reduce_sum3A_1068 : vector<16xf32>, vector<16xi1> -> vector<16xf32>
        %reduce_sum3A_1070 = vector.extract %reduce_sum3A_1069[15] : f32 from vector<16xf32>
        %broadcast_in_dim3A_1071 = vector.broadcast %reduce_sum3A_1070 : f32 to vector<16xf32>
        %select_n3A_1072 = arith.select %eq3A_333, %broadcast_in_dim3A_1071, %select_n3A_1023 : vector<16xi1>, vector<16xf32>
        %mul3A_1073 = arith.constant 10 : i32
        %mul3A_1074 = arith.muli %scan3A_655, %mul3A_1073 : i32
        %add3A_1075 = arith.constant 8 : i32
        %add3A_1076 = arith.addi %mul3A_1074, %add3A_1075 : i32
        %get3A_1077 = arith.index_cast %add3A_1076 : i32 to index
        %get3A_1078 = arith.constant 0 : index
        %get3A_1079 = tpu.vector_load %arg15[%get3A_1077, %get3A_1078] {strides = array<i32>} : memref<160x128xf32, #tpu.memory_space<vmem>>, vector<16xf32>,
        %mul3A_1080 = arith.mulf %get3A_661, %get3A_1079 : vector<16xf32>
        %get3A_1081 = arith.index_cast %add3A_1076 : i32 to index
        %get3A_1082 = arith.constant 16 : index
        %get3A_1083 = tpu.vector_load %arg15[%get3A_1081, %get3A_1082] {strides = array<i32>} : memref<160x128xf32, #tpu.memory_space<vmem>>, vector<16xf32>,
        %mul3A_1084 = arith.mulf %get3A_664, %get3A_1083 : vector<16xf32>
        %add3A_1085 = arith.addf %mul3A_1080, %mul3A_1084 : vector<16xf32>
        %get3A_1086 = arith.index_cast %add3A_1076 : i32 to index
        %get3A_1087 = arith.constant 32 : index
        %get3A_1088 = tpu.vector_load %arg15[%get3A_1086, %get3A_1087] {strides = array<i32>} : memref<160x128xf32, #tpu.memory_space<vmem>>, vector<16xf32>,
        %mul3A_1089 = arith.mulf %get3A_667, %get3A_1088 : vector<16xf32>
        %add3A_1090 = arith.addf %add3A_1085, %mul3A_1089 : vector<16xf32>
        %get3A_1091 = arith.index_cast %add3A_1076 : i32 to index
        %get3A_1092 = arith.constant 48 : index
        %get3A_1093 = tpu.vector_load %arg15[%get3A_1091, %get3A_1092] {strides = array<i32>} : memref<160x128xf32, #tpu.memory_space<vmem>>, vector<16xf32>,
        %mul3A_1094 = arith.mulf %get3A_670, %get3A_1093 : vector<16xf32>
        %add3A_1095 = arith.addf %add3A_1090, %mul3A_1094 : vector<16xf32>
        %get3A_1096 = arith.index_cast %add3A_1076 : i32 to index
        %get3A_1097 = arith.constant 64 : index
        %get3A_1098 = tpu.vector_load %arg15[%get3A_1096, %get3A_1097] {strides = array<i32>} : memref<160x128xf32, #tpu.memory_space<vmem>>, vector<16xf32>,
        %mul3A_1099 = arith.mulf %get3A_673, %get3A_1098 : vector<16xf32>
        %add3A_1100 = arith.addf %add3A_1095, %mul3A_1099 : vector<16xf32>
        %get3A_1101 = arith.index_cast %add3A_1076 : i32 to index
        %get3A_1102 = arith.constant 80 : index
        %get3A_1103 = tpu.vector_load %arg15[%get3A_1101, %get3A_1102] {strides = array<i32>} : memref<160x128xf32, #tpu.memory_space<vmem>>, vector<16xf32>,
        %mul3A_1104 = arith.mulf %get3A_676, %get3A_1103 : vector<16xf32>
        %add3A_1105 = arith.addf %add3A_1100, %mul3A_1104 : vector<16xf32>
        %get3A_1106 = arith.index_cast %add3A_1076 : i32 to index
        %get3A_1107 = arith.constant 96 : index
        %get3A_1108 = tpu.vector_load %arg15[%get3A_1106, %get3A_1107] {strides = array<i32>} : memref<160x128xf32, #tpu.memory_space<vmem>>, vector<16xf32>,
        %mul3A_1109 = arith.mulf %get3A_679, %get3A_1108 : vector<16xf32>
        %add3A_1110 = arith.addf %add3A_1105, %mul3A_1109 : vector<16xf32>
        %get3A_1111 = arith.index_cast %add3A_1076 : i32 to index
        %get3A_1112 = arith.constant 112 : index
        %get3A_1113 = tpu.vector_load %arg15[%get3A_1111, %get3A_1112] {strides = array<i32>} : memref<160x128xf32, #tpu.memory_space<vmem>>, vector<16xf32>,
        %mul3A_1114 = arith.mulf %get3A_682, %get3A_1113 : vector<16xf32>
        %add3A_1115 = arith.addf %add3A_1110, %mul3A_1114 : vector<16xf32>
        %reduce_sum3A_1116 = arith.constant true
        %reduce_sum3A_1117 = vector.broadcast %reduce_sum3A_1116 : i1 to vector<16xi1>
        %reduce_sum3A_1118 = tpu.scan <sum>, %add3A_1115 masked %reduce_sum3A_1117 : vector<16xf32>, vector<16xi1> -> vector<16xf32>
        %reduce_sum3A_1119 = vector.extract %reduce_sum3A_1118[15] : f32 from vector<16xf32>
        %broadcast_in_dim3A_1120 = vector.broadcast %reduce_sum3A_1119 : f32 to vector<16xf32>
        %select_n3A_1121 = arith.select %eq3A_336, %broadcast_in_dim3A_1120, %select_n3A_1072 : vector<16xi1>, vector<16xf32>
        %mul3A_1122 = arith.constant 10 : i32
        %mul3A_1123 = arith.muli %scan3A_655, %mul3A_1122 : i32
        %add3A_1124 = arith.constant 9 : i32
        %add3A_1125 = arith.addi %mul3A_1123, %add3A_1124 : i32
        %get3A_1126 = arith.index_cast %add3A_1125 : i32 to index
        %get3A_1127 = arith.constant 0 : index
        %get3A_1128 = tpu.vector_load %arg15[%get3A_1126, %get3A_1127] {strides = array<i32>} : memref<160x128xf32, #tpu.memory_space<vmem>>, vector<16xf32>,
        %mul3A_1129 = arith.mulf %get3A_661, %get3A_1128 : vector<16xf32>
        %get3A_1130 = arith.index_cast %add3A_1125 : i32 to index
        %get3A_1131 = arith.constant 16 : index
        %get3A_1132 = tpu.vector_load %arg15[%get3A_1130, %get3A_1131] {strides = array<i32>} : memref<160x128xf32, #tpu.memory_space<vmem>>, vector<16xf32>,
        %mul3A_1133 = arith.mulf %get3A_664, %get3A_1132 : vector<16xf32>
        %add3A_1134 = arith.addf %mul3A_1129, %mul3A_1133 : vector<16xf32>
        %get3A_1135 = arith.index_cast %add3A_1125 : i32 to index
        %get3A_1136 = arith.constant 32 : index
        %get3A_1137 = tpu.vector_load %arg15[%get3A_1135, %get3A_1136] {strides = array<i32>} : memref<160x128xf32, #tpu.memory_space<vmem>>, vector<16xf32>,
        %mul3A_1138 = arith.mulf %get3A_667, %get3A_1137 : vector<16xf32>
        %add3A_1139 = arith.addf %add3A_1134, %mul3A_1138 : vector<16xf32>
        %get3A_1140 = arith.index_cast %add3A_1125 : i32 to index
        %get3A_1141 = arith.constant 48 : index
        %get3A_1142 = tpu.vector_load %arg15[%get3A_1140, %get3A_1141] {strides = array<i32>} : memref<160x128xf32, #tpu.memory_space<vmem>>, vector<16xf32>,
        %mul3A_1143 = arith.mulf %get3A_670, %get3A_1142 : vector<16xf32>
        %add3A_1144 = arith.addf %add3A_1139, %mul3A_1143 : vector<16xf32>
        %get3A_1145 = arith.index_cast %add3A_1125 : i32 to index
        %get3A_1146 = arith.constant 64 : index
        %get3A_1147 = tpu.vector_load %arg15[%get3A_1145, %get3A_1146] {strides = array<i32>} : memref<160x128xf32, #tpu.memory_space<vmem>>, vector<16xf32>,
        %mul3A_1148 = arith.mulf %get3A_673, %get3A_1147 : vector<16xf32>
        %add3A_1149 = arith.addf %add3A_1144, %mul3A_1148 : vector<16xf32>
        %get3A_1150 = arith.index_cast %add3A_1125 : i32 to index
        %get3A_1151 = arith.constant 80 : index
        %get3A_1152 = tpu.vector_load %arg15[%get3A_1150, %get3A_1151] {strides = array<i32>} : memref<160x128xf32, #tpu.memory_space<vmem>>, vector<16xf32>,
        %mul3A_1153 = arith.mulf %get3A_676, %get3A_1152 : vector<16xf32>
        %add3A_1154 = arith.addf %add3A_1149, %mul3A_1153 : vector<16xf32>
        %get3A_1155 = arith.index_cast %add3A_1125 : i32 to index
        %get3A_1156 = arith.constant 96 : index
        %get3A_1157 = tpu.vector_load %arg15[%get3A_1155, %get3A_1156] {strides = array<i32>} : memref<160x128xf32, #tpu.memory_space<vmem>>, vector<16xf32>,
        %mul3A_1158 = arith.mulf %get3A_679, %get3A_1157 : vector<16xf32>
        %add3A_1159 = arith.addf %add3A_1154, %mul3A_1158 : vector<16xf32>
        %get3A_1160 = arith.index_cast %add3A_1125 : i32 to index
        %get3A_1161 = arith.constant 112 : index
        %get3A_1162 = tpu.vector_load %arg15[%get3A_1160, %get3A_1161] {strides = array<i32>} : memref<160x128xf32, #tpu.memory_space<vmem>>, vector<16xf32>,
        %mul3A_1163 = arith.mulf %get3A_682, %get3A_1162 : vector<16xf32>
        %add3A_1164 = arith.addf %add3A_1159, %mul3A_1163 : vector<16xf32>
        %reduce_sum3A_1165 = arith.constant true
        %reduce_sum3A_1166 = vector.broadcast %reduce_sum3A_1165 : i1 to vector<16xi1>
        %reduce_sum3A_1167 = tpu.scan <sum>, %add3A_1164 masked %reduce_sum3A_1166 : vector<16xf32>, vector<16xi1> -> vector<16xf32>
        %reduce_sum3A_1168 = vector.extract %reduce_sum3A_1167[15] : f32 from vector<16xf32>
        %broadcast_in_dim3A_1169 = vector.broadcast %reduce_sum3A_1168 : f32 to vector<16xf32>
        %select_n3A_1170 = arith.select %eq3A_339, %broadcast_in_dim3A_1169, %select_n3A_1121 : vector<16xi1>, vector<16xf32>
        %mul3A_1171 = arith.constant 16 : i32
        %mul3A_1172 = arith.muli %scan3A_655, %mul3A_1171 : i32
        %swap3A_1173 = arith.index_cast %mul3A_1172 : i32 to index
        %swap3A_1174 = tpu.vector_load %arg16[%swap3A_1173] {strides = array<i32>} : memref<256xf32, #tpu.memory_space<vmem>>, vector<16xf32>,
        tpu.vector_store %arg16[%swap3A_1173], %select_n3A_1170 {strides = array<i32>} : memref<256xf32, #tpu.memory_space<vmem>>, vector<16xf32>,
        %scan3A_1175 = arith.constant 0 : i32
        scf.yield %scan3A_1175 : i32
      }
      %scan3A_558 = arith.constant 16 : i32
      %gather3A_559 = tpu.vector_load_idx %arg16[%add3A_348] : memref<256xf32, #tpu.memory_space<vmem>>[vector<16xi32>], vector<16xf32>,
      %mul3A_560 = arith.constant 16 : i32
      %mul3A_561 = arith.muli %add3A_551, %mul3A_560 : i32
      %add3A_562 = arith.constant 0 : i32
      %add3A_563 = arith.addi %mul3A_561, %add3A_562 : i32
      %swap3A_564 = arith.constant 0 : i32
      %swap3A_565 = arith.index_cast %swap3A_564 : i32 to index
      %swap3A_566 = arith.index_cast %add3A_563 : i32 to index
      %swap3A_567 = tpu.vector_load %arg17[%swap3A_565, %swap3A_566] {strides = array<i32>} : memref<10x128xf32, #tpu.memory_space<vmem>>, vector<16xf32>,
      tpu.vector_store %arg17[%swap3A_565, %swap3A_566], %gather3A_559 {strides = array<i32>} : memref<10x128xf32, #tpu.memory_space<vmem>>, vector<16xf32>,
      %gather3A_568 = tpu.vector_load_idx %arg16[%add3A_357] : memref<256xf32, #tpu.memory_space<vmem>>[vector<16xi32>], vector<16xf32>,
      %mul3A_569 = arith.constant 16 : i32
      %mul3A_570 = arith.muli %add3A_551, %mul3A_569 : i32
      %add3A_571 = arith.constant 0 : i32
      %add3A_572 = arith.addi %mul3A_570, %add3A_571 : i32
      %swap3A_573 = arith.constant 1 : i32
      %swap3A_574 = arith.index_cast %swap3A_573 : i32 to index
      %swap3A_575 = arith.index_cast %add3A_572 : i32 to index
      %swap3A_576 = tpu.vector_load %arg17[%swap3A_574, %swap3A_575] {strides = array<i32>} : memref<10x128xf32, #tpu.memory_space<vmem>>, vector<16xf32>,
      tpu.vector_store %arg17[%swap3A_574, %swap3A_575], %gather3A_568 {strides = array<i32>} : memref<10x128xf32, #tpu.memory_space<vmem>>, vector<16xf32>,
      %gather3A_577 = tpu.vector_load_idx %arg16[%add3A_366] : memref<256xf32, #tpu.memory_space<vmem>>[vector<16xi32>], vector<16xf32>,
      %mul3A_578 = arith.constant 16 : i32
      %mul3A_579 = arith.muli %add3A_551, %mul3A_578 : i32
      %add3A_580 = arith.constant 0 : i32
      %add3A_581 = arith.addi %mul3A_579, %add3A_580 : i32
      %swap3A_582 = arith.constant 2 : i32
      %swap3A_583 = arith.index_cast %swap3A_582 : i32 to index
      %swap3A_584 = arith.index_cast %add3A_581 : i32 to index
      %swap3A_585 = tpu.vector_load %arg17[%swap3A_583, %swap3A_584] {strides = array<i32>} : memref<10x128xf32, #tpu.memory_space<vmem>>, vector<16xf32>,
      tpu.vector_store %arg17[%swap3A_583, %swap3A_584], %gather3A_577 {strides = array<i32>} : memref<10x128xf32, #tpu.memory_space<vmem>>, vector<16xf32>,
      %gather3A_586 = tpu.vector_load_idx %arg16[%add3A_375] : memref<256xf32, #tpu.memory_space<vmem>>[vector<16xi32>], vector<16xf32>,
      %mul3A_587 = arith.constant 16 : i32
      %mul3A_588 = arith.muli %add3A_551, %mul3A_587 : i32
      %add3A_589 = arith.constant 0 : i32
      %add3A_590 = arith.addi %mul3A_588, %add3A_589 : i32
      %swap3A_591 = arith.constant 3 : i32
      %swap3A_592 = arith.index_cast %swap3A_591 : i32 to index
      %swap3A_593 = arith.index_cast %add3A_590 : i32 to index
      %swap3A_594 = tpu.vector_load %arg17[%swap3A_592, %swap3A_593] {strides = array<i32>} : memref<10x128xf32, #tpu.memory_space<vmem>>, vector<16xf32>,
      tpu.vector_store %arg17[%swap3A_592, %swap3A_593], %gather3A_586 {strides = array<i32>} : memref<10x128xf32, #tpu.memory_space<vmem>>, vector<16xf32>,
      %gather3A_595 = tpu.vector_load_idx %arg16[%add3A_384] : memref<256xf32, #tpu.memory_space<vmem>>[vector<16xi32>], vector<16xf32>,
      %mul3A_596 = arith.constant 16 : i32
      %mul3A_597 = arith.muli %add3A_551, %mul3A_596 : i32
      %add3A_598 = arith.constant 0 : i32
      %add3A_599 = arith.addi %mul3A_597, %add3A_598 : i32
      %swap3A_600 = arith.constant 4 : i32
      %swap3A_601 = arith.index_cast %swap3A_600 : i32 to index
      %swap3A_602 = arith.index_cast %add3A_599 : i32 to index
      %swap3A_603 = tpu.vector_load %arg17[%swap3A_601, %swap3A_602] {strides = array<i32>} : memref<10x128xf32, #tpu.memory_space<vmem>>, vector<16xf32>,
      tpu.vector_store %arg17[%swap3A_601, %swap3A_602], %gather3A_595 {strides = array<i32>} : memref<10x128xf32, #tpu.memory_space<vmem>>, vector<16xf32>,
      %gather3A_604 = tpu.vector_load_idx %arg16[%add3A_393] : memref<256xf32, #tpu.memory_space<vmem>>[vector<16xi32>], vector<16xf32>,
      %mul3A_605 = arith.constant 16 : i32
      %mul3A_606 = arith.muli %add3A_551, %mul3A_605 : i32
      %add3A_607 = arith.constant 0 : i32
      %add3A_608 = arith.addi %mul3A_606, %add3A_607 : i32
      %swap3A_609 = arith.constant 5 : i32
      %swap3A_610 = arith.index_cast %swap3A_609 : i32 to index
      %swap3A_611 = arith.index_cast %add3A_608 : i32 to index
      %swap3A_612 = tpu.vector_load %arg17[%swap3A_610, %swap3A_611] {strides = array<i32>} : memref<10x128xf32, #tpu.memory_space<vmem>>, vector<16xf32>,
      tpu.vector_store %arg17[%swap3A_610, %swap3A_611], %gather3A_604 {strides = array<i32>} : memref<10x128xf32, #tpu.memory_space<vmem>>, vector<16xf32>,
      %gather3A_613 = tpu.vector_load_idx %arg16[%add3A_402] : memref<256xf32, #tpu.memory_space<vmem>>[vector<16xi32>], vector<16xf32>,
      %mul3A_614 = arith.constant 16 : i32
      %mul3A_615 = arith.muli %add3A_551, %mul3A_614 : i32
      %add3A_616 = arith.constant 0 : i32
      %add3A_617 = arith.addi %mul3A_615, %add3A_616 : i32
      %swap3A_618 = arith.constant 6 : i32
      %swap3A_619 = arith.index_cast %swap3A_618 : i32 to index
      %swap3A_620 = arith.index_cast %add3A_617 : i32 to index
      %swap3A_621 = tpu.vector_load %arg17[%swap3A_619, %swap3A_620] {strides = array<i32>} : memref<10x128xf32, #tpu.memory_space<vmem>>, vector<16xf32>,
      tpu.vector_store %arg17[%swap3A_619, %swap3A_620], %gather3A_613 {strides = array<i32>} : memref<10x128xf32, #tpu.memory_space<vmem>>, vector<16xf32>,
      %gather3A_622 = tpu.vector_load_idx %arg16[%add3A_411] : memref<256xf32, #tpu.memory_space<vmem>>[vector<16xi32>], vector<16xf32>,
      %mul3A_623 = arith.constant 16 : i32
      %mul3A_624 = arith.muli %add3A_551, %mul3A_623 : i32
      %add3A_625 = arith.constant 0 : i32
      %add3A_626 = arith.addi %mul3A_624, %add3A_625 : i32
      %swap3A_627 = arith.constant 7 : i32
      %swap3A_628 = arith.index_cast %swap3A_627 : i32 to index
      %swap3A_629 = arith.index_cast %add3A_626 : i32 to index
      %swap3A_630 = tpu.vector_load %arg17[%swap3A_628, %swap3A_629] {strides = array<i32>} : memref<10x128xf32, #tpu.memory_space<vmem>>, vector<16xf32>,
      tpu.vector_store %arg17[%swap3A_628, %swap3A_629], %gather3A_622 {strides = array<i32>} : memref<10x128xf32, #tpu.memory_space<vmem>>, vector<16xf32>,
      %gather3A_631 = tpu.vector_load_idx %arg16[%add3A_420] : memref<256xf32, #tpu.memory_space<vmem>>[vector<16xi32>], vector<16xf32>,
      %mul3A_632 = arith.constant 16 : i32
      %mul3A_633 = arith.muli %add3A_551, %mul3A_632 : i32
      %add3A_634 = arith.constant 0 : i32
      %add3A_635 = arith.addi %mul3A_633, %add3A_634 : i32
      %swap3A_636 = arith.constant 8 : i32
      %swap3A_637 = arith.index_cast %swap3A_636 : i32 to index
      %swap3A_638 = arith.index_cast %add3A_635 : i32 to index
      %swap3A_639 = tpu.vector_load %arg17[%swap3A_637, %swap3A_638] {strides = array<i32>} : memref<10x128xf32, #tpu.memory_space<vmem>>, vector<16xf32>,
      tpu.vector_store %arg17[%swap3A_637, %swap3A_638], %gather3A_631 {strides = array<i32>} : memref<10x128xf32, #tpu.memory_space<vmem>>, vector<16xf32>,
      %gather3A_640 = tpu.vector_load_idx %arg16[%add3A_429] : memref<256xf32, #tpu.memory_space<vmem>>[vector<16xi32>], vector<16xf32>,
      %mul3A_641 = arith.constant 16 : i32
      %mul3A_642 = arith.muli %add3A_551, %mul3A_641 : i32
      %add3A_643 = arith.constant 0 : i32
      %add3A_644 = arith.addi %mul3A_642, %add3A_643 : i32
      %swap3A_645 = arith.constant 9 : i32
      %swap3A_646 = arith.index_cast %swap3A_645 : i32 to index
      %swap3A_647 = arith.index_cast %add3A_644 : i32 to index
      %swap3A_648 = tpu.vector_load %arg17[%swap3A_646, %swap3A_647] {strides = array<i32>} : memref<10x128xf32, #tpu.memory_space<vmem>>, vector<16xf32>,
      tpu.vector_store %arg17[%swap3A_646, %swap3A_647], %gather3A_640 {strides = array<i32>} : memref<10x128xf32, #tpu.memory_space<vmem>>, vector<16xf32>,
      %lt3A_649 = arith.constant 3 : i32
      %lt3A_650 = arith.cmpi slt, %scan3A_437, %lt3A_649 : i32
      %convert_element_type3A_651 = arith.extui %lt3A_650 : i1 to i32
      %cond3A_652 = arith.constant 0 : i32
      %cond3A_653 = arith.cmpi ne, %convert_element_type3A_651, %cond3A_652 : i32
      scf.if %cond3A_653 {
        %add3A_655 = arith.constant 3 : i32
        %add3A_656 = arith.addi %mul3A_440, %add3A_655 : i32
        %mul3A_657 = arith.constant 160 : i32
        %mul3A_658 = arith.muli %add3A_656, %mul3A_657 : i32
        %dma_start3A_659 = tpu.memref_slice %arg12[%mul3A_658] : memref<1280xi32, #tpu.memory_space<vmem>> -> memref<160xi32, #tpu.memory_space<vmem>>
        %dma_start3A_660 = arith.constant 0 : i32
        %dma_start3A_661 = arith.constant 0 : i32
        %dma_start3A_662 = tpu.memref_slice %arg7[%dma_start3A_660, %dma_start3A_661] : memref<100000x128xf32, #tpu.memory_space<hbm>> -> memref<100000x128xf32, #tpu.memory_space<hbm>>
        tpu.enqueue_indirect_dma source(%dma_start3A_662 : memref<100000x128xf32, #tpu.memory_space<hbm>>) target(%arg15 : memref<160x128xf32, #tpu.memory_space<vmem>>) offsets(%dma_start3A_659 : memref<160xi32, #tpu.memory_space<vmem>>) semaphore(%arg20 : memref<!tpu.dma_semaphore, #tpu.memory_space<semaphore_mem>>)
      } else {
      }
      %scan3A_654 = arith.constant 0 : i32
      scf.yield %scan3A_654 : i32
    }
    %scan3A_436 = arith.constant 4 : i32
    "tpu.region"() ({
      %run_scoped3A = tpu.sem_alloc : memref<!tpu.dma_semaphore, #tpu.memory_space<semaphore_mem>>
      %dma_start3A_437 = arith.constant 0 : i32
      %dma_start3A_438 = tpu.memref_slice %arg8[%dma_start3A_437, %mul3A_2] : memref<10x4096xf32, #tpu.memory_space<hbm>> -> memref<10x128xf32, #tpu.memory_space<hbm>>
      %dma_start3A_439 = arith.constant 0 : i32
      %dma_start3A_440 = tpu.memref_slice %arg8[%dma_start3A_439, %mul3A_2] : memref<10x4096xf32, #tpu.memory_space<hbm>> -> memref<10x128xf32, #tpu.memory_space<hbm>>
      tpu.enqueue_dma source(%arg17 : memref<10x128xf32, #tpu.memory_space<vmem>>) target(%dma_start3A_440 : memref<10x128xf32, #tpu.memory_space<hbm>>) target_semaphore(%run_scoped3A : memref<!tpu.dma_semaphore, #tpu.memory_space<semaphore_mem>>)
      %dma_wait3A_441 = arith.constant 0 : i32
      %dma_wait3A_442 = tpu.memref_slice %arg8[%dma_wait3A_441, %mul3A_2] : memref<10x4096xf32, #tpu.memory_space<hbm>> -> memref<10x128xf32, #tpu.memory_space<hbm>>
      %dma_wait3A_443 = arith.constant 0 : i32
      %dma_wait3A_444 = tpu.memref_slice %arg8[%dma_wait3A_443, %mul3A_2] : memref<10x4096xf32, #tpu.memory_space<hbm>> -> memref<10x128xf32, #tpu.memory_space<hbm>>
      tpu.wait_dma2 semaphore(%run_scoped3A : memref<!tpu.dma_semaphore, #tpu.memory_space<semaphore_mem>>) src(%arg17 : memref<10x128xf32, #tpu.memory_space<vmem>>) dst(%dma_wait3A_444 : memref<10x128xf32, #tpu.memory_space<hbm>>)
      tpu.yield
    }) : () -> ()
    return
  }
}

</mosaic_0001>

<sc_bundles>
// kernel: _sc_call.3.cloned.1.call-start
scs
__scs_entry_jumppad:
0x0: {  	(pc) =	sbr.rel $0x88, $3  }
0x1: {  	(tag) =	ssettag $0x0;
	lr =	simm.s32 $0x1  }
0x2: {  	[smem:$0x3F9B] =	sst lr;
	_ =	strace $0xD0000000  }
0x3: {  	_ = 	snop  }
0x4: {  	_ = 	snop  }
0x5: {  	_ = 	snop  }
0x6: {  	_ = 	snop  }
0x7: {  	_ = 	snop  }
__scs_overlays_trampoline_lowered:
0x8: {  	[smem:$0x3FAA] =	sst s0  }
0x9: {  	[smem:$0x3FAB] =	sst s1  }
0xa: {  	[smem:$0x3FAC] =	sst s2  }
0xb: {  	[smem:$0x3FAD] =	sst s3  }
0xc: {  	[smem:$0x3FAE] =	sst s4  }
0xd: {  	[smem:$0x3FAF] =	sst s5  }
0xe: {  	[smem:$0x3FB0] =	sst s6  }
0xf: {  	[smem:$0x3FB1] =	sst s7  }
0x10: {  	[smem:$0x3FB2] =	sst s8  }
0x11: {  	[smem:$0x3FB3] =	sst s9;
	s0 =	simm.s32 @!p0 $0x0  }
0x12: {  	s1 =	sld [smem:$0x3F99];
	s0 =	simm.s32 @p0 $0x1  }
0x13: {  	[smem:$0x3FB4] =	sst s0;
	s0 =	simm.s32 @!p1 $0x0  }
0x14: {  	s2 =	sld [smem:$0x3F98];
	s0 =	simm.s32 @p1 $0x1  }
0x15: {  	[smem:$0x3FB5] =	sst s0;
	s0 =	simm.s32 @!p2 $0x0  }
0x16: {  	s3 =	sld [smem:$0x3FDB];
	s0 =	simm.s32 @p2 $0x1  }
0x17: {  	s4 =	simm.s32 $0x1BF5;
	[smem:$0x3FB7] =	sst s0  }
0x18: {  	s0 =	sld [smem:$0x3F9A];
	_ =	swait.ge [sflag:s4], $0x0  }
0x19: {  	s7 =	sld [smem:$0x3F9B]  }
0x1a: {  	s8 =	sadd.s32 $0xFFFFE003, lr  }
0x1b: {  	s9 =	sadd.s32 $0xFFFFFEF7, lr;
	s5 =	simm.s32 $0xFFFFFFFF;
	p2 =	slt.u32 s8, $0xFFFFF086  }
0x1c: {  	p1 =	slt.u32 s9, $0xF7A;
	s5 =	simm.s32 @!p2 $0x0  }
0x1d: {  	s5 =	simm.s32 @p1 $0x1;
	p0 =	seq.s32 s7, s2  }
0x1e: {  	s7 =	smul.u32 @!p0 $0xF7A, s2;
	p2 =	seq.s32 @!p0 s5, $0x0  }
0x1f: {  	s9 =	smul.u32 $0xF7A, s1;
	s8 =	simm.s32 @!p0 $0x1BF5;
	p2 =	por !p2, p0  }
0x20: {  	[sflag:s8] =	ssyncset.s32 @!p0 $0xFFFFF086;
	s6 =	sadd.s32 @!p0 s3, s7;
	s7 =	simm.s32 @!p0 $0x108  }
0x21: {  	s3 =	sadd.s32 s3, s9;
	s6 =	sadd.s32 @!p0 $0x88, s6;
	s7 =	simm.s32 @p2 $0x1082  }
0x22: {  	[simem:s7], [sflag:s8] =	dma.local @!p0 [hbm:s6], $0xF7A  }
0x23: {  	s9 =	sor.u32 $0xD0000000, s2;
	s6 =	simm.s32 $0x108;
	_ =	swait.ge @!p0 [sflag:s8], $0x0  }
0x24: {  	s3 =	sadd.s32 $0x88, s3;
	s6 =	simm.s32 @!p1 $0x1082;
	[sflag:s4] =	ssyncset.s32 $0xFFFFF086  }
0x25: {  	[simem:s6], [sflag:s4] =	dma.local [hbm:s3], $0xF7A  }
0x26: {  	[smem:$0x3F9B] =	sst s1;
	(tag) =	ssettag s2;
	_ =	strace s9  }
0x27: {  	s1 =	sld [smem:$0x3FAB]  }
0x28: {  	s2 =	sld [smem:$0x3FAC]  }
0x29: {  	s4 =	sld [smem:$0x3FAE]  }
0x2a: {  	p0 =	seq.s32 s5, $0x0;
	s5 =	sld [smem:$0x3FAF]  }
0x2b: {  	s6 =	sld [smem:$0x3FB0]  }
0x2c: {  	s7 =	sld [smem:$0x3FB1]  }
0x2d: {  	s3 =	simm.s32 $0x108;
	s8 =	sld [smem:$0x3FB2]  }
0x2e: {  	s3 =	simm.s32 @!p0 $0x1082;
	s9 =	sld [smem:$0x3FB3]  }
0x2f: {  	lr =	sadd.s32 s0, s3;
	s0 =	sld [smem:$0x3FAA]  }
0x30: {  	s3 =	sld [smem:$0x3FAD]  }
0x31: {  	[smem:$0x3FB6] =	sst s10  }
0x32: {  	s10 =	sld [smem:$0x3FB4];
	_ =	sdelay $0x3  }
0x33: {  	p0 =	seq.s32 s10, $0x1;
	s10 =	sld [smem:$0x3FB6];
	_ =	sdelay $0x3  }
0x34: {  	[smem:$0x3FB6] =	sst s10  }
0x35: {  	s10 =	sld [smem:$0x3FB5];
	_ =	sdelay $0x3  }
0x36: {  	p1 =	seq.s32 s10, $0x1;
	s10 =	sld [smem:$0x3FB6];
	_ =	sdelay $0x3  }
0x37: {  	[smem:$0x3FB6] =	sst s10  }
0x38: {  	s10 =	sld [smem:$0x3FB7]  }
0x39: {  	_ = 	snop;
	(pc) =	sbr.ind lr, $3  }
0x3a: {  	_ = 	snop  }
0x3b: {  	_ = 	snop  }
0x3c: {  	p2 =	seq.s32 s10, $0x1;
	s10 =	sld [smem:$0x3FB6]  }
0x3d: {  	_ =	shalt  }
0x3e: {  	_ =	shalt  }
0x3f: {  	_ =	shalt  }
0x40: {  	_ =	shalt  }
0x41: {  	_ =	shalt  }
0x42: {  	_ =	shalt  }
0x43: {  	_ =	shalt  }
0x44: {  	_ =	shalt  }
0x45: {  	_ =	shalt  }
0x46: {  	_ =	shalt  }
0x47: {  	_ =	shalt  }
0x48: {  	_ =	shalt  }
0x49: {  	_ =	shalt  }
0x4a: {  	_ =	shalt  }
0x4b: {  	_ =	shalt  }
0x4c: {  	_ =	shalt  }
0x4d: {  	_ =	shalt  }
0x4e: {  	_ =	shalt  }
0x4f: {  	_ =	shalt  }
0x50: {  	_ =	shalt  }
0x51: {  	_ =	shalt  }
0x52: {  	_ =	shalt  }
0x53: {  	_ =	shalt  }
0x54: {  	_ =	shalt  }
0x55: {  	_ =	shalt  }
0x56: {  	_ =	shalt  }
0x57: {  	_ =	shalt  }
0x58: {  	_ =	shalt  }
0x59: {  	_ =	shalt  }
0x5a: {  	_ =	shalt  }
0x5b: {  	_ =	shalt  }
0x5c: {  	_ =	shalt  }
0x5d: {  	_ =	shalt  }
0x5e: {  	_ =	shalt  }
0x5f: {  	_ =	shalt  }
0x60: {  	_ =	shalt  }
0x61: {  	_ =	shalt  }
0x62: {  	_ =	shalt  }
0x63: {  	_ =	shalt  }
0x64: {  	_ =	shalt  }
0x65: {  	_ =	shalt  }
0x66: {  	_ =	shalt  }
0x67: {  	_ =	shalt  }
0x68: {  	_ =	shalt  }
0x69: {  	_ =	shalt  }
0x6a: {  	_ =	shalt  }
0x6b: {  	_ =	shalt  }
0x6c: {  	_ =	shalt  }
0x6d: {  	_ =	shalt  }
0x6e: {  	_ =	shalt  }
0x6f: {  	_ =	shalt  }
0x70: {  	_ =	shalt  }
0x71: {  	_ =	shalt  }
0x72: {  	_ =	shalt  }
0x73: {  	_ =	shalt  }
0x74: {  	_ =	shalt  }
0x75: {  	_ =	shalt  }
0x76: {  	_ =	shalt  }
0x77: {  	_ =	shalt  }
0x78: {  	_ =	shalt  }
0x79: {  	_ =	shalt  }
0x7a: {  	_ =	shalt  }
0x7b: {  	_ =	shalt  }
0x7c: {  	_ =	shalt  }
0x7d: {  	_ =	shalt  }
0x7e: {  	_ =	shalt  }
0x7f: {  	_ =	shalt  }
0x80: {  	_ =	shalt  }
0x81: {  	_ =	shalt  }
0x82: {  	_ =	shalt  }
0x83: {  	_ =	shalt  }
0x84: {  	_ =	shalt  }
0x85: {  	_ =	shalt  }
0x86: {  	_ =	shalt  }
0x87: {  	_ =	shalt  }
.Lfunc_end0:
.L_simem_size_0:
called_computation_lowered:
.L_overlay_start_0:
0x88: {  	s2 =	sld [smem:$0x3FD9]  }
0x89: {  	s3 =	sld [smem:$0x3FFE];
	_ =	sdelay $0x1  }
0x8a: {  	s1 =	srdreg.scid  }
0x8b: {  	s0 =	sand.u32 $0x1, s1  }
0x8c: {  	s18 =	sshll.u32 s0, $0xA;
	s2 =	sadd.s32 s3, s2  }
0x8d: {  	s2 =	sadd.s32 s2, s18  }
0x8e: {  	[smem:$0x3FC2] =	sst s2  }
0x8f: {  	_ = 	snop  }
0x90: {  	s2 =	sld [smem:$0x3FC9]  }
0x91: {  	s19 =	sld [smem:$0x3FC8]  }
0x92: {  	s4 =	sld [smem:$0x3FC7]  }
0x93: {  	s5 =	sld [smem:$0x3FC6]  }
0x94: {  	s6 =	sld [smem:$0x3FC5]  }
0x95: {  	s7 =	sld [smem:$0x3FC4]  }
0x96: {  	s8 =	sld [smem:$0x3FD0];
	(tm) =	ssettm $0x1  }
0x97: {  	s9 =	sld [smem:$0x3FFB];
	_ =	sdelay $0x3  }
0x98: {  	_ =	strace s9  }
0x99: {  	s9 =	sld [smem:$0x3FFC];
	_ =	sdelay $0x3  }
0x9a: {  	_ =	strace s9  }
0x9b: {  	s9 =	sld [smem:$0x3FFD];
	_ =	sdelay $0x3  }
0x9c: {  	_ =	strace s9  }
0x9d: {  	_ =	strace $0x8FFFFFFF  }
0x9e: {  	s20 =	sld [smem:$0x3FDB];
	_ =	sdelay $0x1  }
0x9f: {  	s10 =	simm.s32 $_scs_section_size  }
0xa0: {  	s11 =	simm.s32 $_size__tile_overlayer_lowered;
	s12 =	simm.s32 $_tile_overlayer_lowered  }
0xa1: {  	s23 =	simm.s32 $0x1BFF;
	s22 =	sshll.u32 s12, $0x1;
	s9 =	sadd.s32 s10, s20  }
0xa2: {  	s13 =	simm.s32 $0x0;
	s21 =	sshll.u32 s11, $0x1;
	s11 =	sadd.s32 s22, s9  }
0xa3: {  	[timem:s13], [sflag:s23] =	dma.local [hbm:s11], s21  }
0xa4: {  	_ =	swait.ge [sflag:s23], s21  }
0xa5: {  	s10 =	ssub.s32 $0x0, s21;
	[sflag:s23] =	ssyncset.done $0x0  }
0xa6: {  	[sflag:s23] =	ssyncadd.s32 s10;
	_ =	sdelay $0x1  }
0xa7: {  	s24 =	simm.s32 $0x1B8B  }
0xa8: {  	_ =	swait.ge [sflag:s24], $0x1  }
0xa9: {  	[sflag:s24] =	ssyncset.done $0x0  }
0xaa: {  	s25 =	simm.s32 $0x1B8E;
	[sflag:s24] =	ssyncadd.s32 $0xFFFFFFFF  }
0xab: {  	s26 =	simm.s32 $execute0_lowered;
	[smem:$0x3FD2] =	sst s25  }
0xac: {  	s10 =	sshll.u32 s26, $0x1;
	_ =	strace $0x80000046;
	[dreg:$0x1] =	wrdreg $0xFFFFFFFF  }
0xad: {  	s28 =	simm.s32 $_size_execute0_lowered;
	s9 =	sadd.s32 s9, s10;
	[dreg:$0x0] =	wrdreg $0x0  }
0xae: {  	s10 =	sshll.u32 s28, $0x1;
	[dreg:$0x2] =	wrdreg s9  }
0xaf: {  	[dreg:$0x3] =	wrdreg s10  }
0xb0: {  	[dreg:$0x4] =	wrdreg $0xC0  }
0xb1: {  	_ =	task [dreg:s13], $0x5FFFF  }
0xb2: {  	[dreg:$0x1] =	wrdreg $0xFFFFFFFF  }
0xb3: {  	[dreg:$0x0] =	wrdreg $0x60  }
0xb4: {  	[dreg:$0x2] =	wrdreg s2  }
0xb5: {  	[dreg:$0x3] =	wrdreg s19  }
0xb6: {  	[dreg:$0x4] =	wrdreg s4  }
0xb7: {  	[dreg:$0x5] =	wrdreg s5  }
0xb8: {  	[dreg:$0x6] =	wrdreg s6  }
0xb9: {  	[dreg:$0x7] =	wrdreg s7  }
0xba: {  	[dreg:$0x8] =	wrdreg s8  }
0xbb: {  	[dreg:$0x9] =	wrdreg $0x9  }
0xbc: {  	_ =	task.clear_ibuf [dreg:s13], $0xAFFFF;
	_ =	strace $0x90000046  }
0xbd: {  	s29 =	simm.s32 $0x9;
	_ =	strace $0x80000048  }
0xbe: {  	_ =	swait.ge [sflag:s29], $0x1  }
0xbf: {  	[sflag:s29] =	ssyncadd.s32 $0xFFFFFFFF  }
0xc0: {  	_ =	strace $0x90000048  }
0xc1: {  	_ =	sfence  }
0xc2: {  	s30 =	sld [smem:$0x0];
	_ =	sdelay $0x2  }
0xc3: {  	s31 =	sshll.u32 s1, $0xD;
	s1 =	sshrl.u32 s1, $0x2  }
0xc4: {  	s3 =	sand.u32 $0x4000, s31;
	s1 =	sadd.s32 s1, s30  }
0xc5: {  	s0 =	sor.u32 s3, s0;
	s1 =	sshll.u32 s1, $0x11  }
0xc6: {  	s0 =	sor.u32 s1, s0  }
0xc7: {  	s0 =	sadd.s32 $0x8F2B, s0  }
0xc8: {  	[sflag:s0] =	ssyncadd.remote.s32 $0x1  }
0xc9: {  	_ =	sfence.sel $0xFFFF  }
0xca: {  	[dreg:$0x0] =	wrdreg $0xFFFFFFFF;
	(pc) =	sbr.abs _section_cstart, $3  }
0xcb: {  	[dreg:$0x1] =	wrdreg $0xFFFFFFFF  }
0xcc: {  	_ =	task.clear_ibuf [dreg:s13], $0x2FFFF;
	_ =	strace $0x9FFFFFFF  }
0xcd: {  	(tm) =	ssettm $0x7FFFFFFF  }
tec
execute0_lowered:
.L_overlay_start_1:
0x0: {  	(tag) =	ssettag $0x1  }
0x1: {  	s0 =	rddreg [dreg:$0x0]  }
0x2: {  	s2 =	rddreg [dreg:$0x1]  }
0x3: {  	s3 =	rddreg [dreg:$0x2]  }
0x4: {  	s1 =	rddreg [dreg:$0x3]  }
0x5: {  	s4 =	rddreg [dreg:$0x5];
	s5 =	srdreg.scid  }
0x6: {  	s7 =	stileid.u32;
	s10 =	rddreg [dreg:$0x6]  }
0x7: {  	s13 =	simm.s32 $0x400;
	s14 =	simm.s32 $0x800;
	s15 =	simm.s32 $0x4;
	v1 =	vlaneseq.u32  }
0x8: {  	s16 =	simm.s32 $0xC00;
	s17 =	simm.s32 $0xC80;
	s20 =	simm.s32 $0x80;
	v3 =	vmul.u32 $0x10, v1  }
0x9: {  	s21 =	simm.s32 $0x1980;
	s6 =	sand.u32 $0x1, s5;
	s5 =	simm.s32 $0x0  }
0xa: {  	s24 =	simm.s32 $0xA0;
	s29 =	simm.s32 $0xA980;
	[smem:$0x7FF] =	sst s5;
	v4 =	vor.u32 $0x1, v3  }
0xb: {  	v0 =	vimm.f32 $0.0e+00;
	s30 =	simm.s32 $0x1;
	s7 =	sshll.u32 s7, $0x1;
	_ =	strace $0x80000047;
	v58 =	vor.u32 $0x2, v3;
	[tilespmem:$0x1FF90] =	vst v4  }
0xc: {  	v2 =	vimm.s32 $0x0;
	vm0 =	vmmov $0x1;
	s31 =	simm.s32 $0x2;
	s19 =	simm.s32 $0x0;
	s8 =	sor.u32 s6, s7;
	v59 =	vor.u32 $0x3, v3;
	[tilespmem:$0x1FFA0] =	vst v58  }
.Ltmp0:
0xd: {  	vm1 =	vcmask $0x328;
	vm2 =	vcmask $0x728;
	s26 =	ssub.s32 $0x2, s6;
	s11 =	sshll.u32 s8, $0x7;
	v60 =	vor.u32 $0x4, v3;
	[tilespmem:$0x1FFB0] =	vst v59;
	(pc) =	sbr.rel .LBB2_1-.Ltmp0, $4  }
0xe: {  	vm3 =	vcmask $0xB28;
	vm4 =	vcmask $0xF28;
	s9 =	sshrl.u32 s26, $0x1;
	s8 =	sshll.u32 s8, $0x4;
	v61 =	vor.u32 $0x5, v3;
	s6 =	sadd.s32 s0, s11;
	[tilespmem:$0x1FFC0] =	vst v60  }
0xf: {  	vm5 =	vcmask $0x1328;
	vm6 =	vcmask $0x1728;
	v62 =	vor.u32 $0x6, v3;
	s28 =	ssub.s32 s26, s9;
	s8 =	sadd.s32 s2, s8;
	s9 =	sadd.s32 s3, s11;
	[tilespmem:$0x1FFD0] =	vst v61  }
0x10: {  	vm7 =	vcmask $0x1B28;
	vm8 =	vcmask $0x1F28;
	v63 =	vor.u32 $0x7, v3;
	s10 =	sadd.s32 s10, s11;
	[tilespmem:$0x1FFE0] =	vst v62;
	s3 =	simm.s32 $0xF980;
	s0 =	simm.s32 $0x3  }
0x11: {  	vm9 =	vcmask $0x2328;
	v11 =	vor.u32 $0x8, v3;
	v10 =	vmovc v3;
	v12 =	vor.u32 $0x9, v3;
	[tilespmem:$0x1FFF0] =	vst v63;
	s7 =	sadd.s32 $0x2000, s6;
	s11 =	smax.u32 s28, $0x1;
	s18 =	sadd.s32 $0x1000, s9  }
.LBB2_12:
0x12: {  	s2 =	simm.s32 $0xFA80;
	s19 =	sadd.s32 $0x1, s19  }
0x13: {  	[hbm4b:s10+s5] =	stream.linear.scatter [tilespmem:s2], [sflag:$0x4], $0x400, $0x38;
	[tilespmem:$0x10280] =	vst v63  }
0x14: {  	p0 =	sne.s32 s19, s11  }
.Ltmp1:
0x15: {  	s28 =	sadd.s32 $0x1000, s10;
	s12 =	simm.s32 $0xFE80;
	(pc) =	sbr.rel @!p0 .LBB2_13-.Ltmp1, $4  }
0x16: {  	[hbm4b:s28+s5] =	stream.linear.scatter [tilespmem:s12], [sflag:$0x4], $0x100, $0x38;
	[tilespmem:$0x10280] =	vst v63  }
0x17: {  	_ =	swait.ge [sflag:s15], $0x500  }
0x18: {  	[sflag:s15] =	ssyncset.done $0x0  }
0x19: {  	s13 =	simm.s32 $0x400;
	s14 =	simm.s32 $0x800;
	[sflag:s15] =	ssyncadd.s32 $0xFFFFFB00  }
.LBB2_1:
0x1a: {  	s2 =	simm.s32 $0x8000  }
0x1b: {  	[tilespmem:s5], [sflag:$0x4] =	stream.strided.gather [hbm4b:s6+s13], $0x800, s2, s13, $0x38;
	[tilespmem:$0x10280] =	vst v63  }
0x1c: {  	_ = 	snop  }
0x1d: {  	[tilespmem:s14], [sflag:$0x4] =	stream.linear.gather [hbm4b:s7+s5], $0x200, $0x38;
	[tilespmem:$0x10280] =	vst v63  }
0x1e: {  	_ =	swait.ge [sflag:s15], $0xA00  }
0x1f: {  	[sflag:s15] =	ssyncset.done $0x0  }
0x20: {  	[sflag:s15] =	ssyncadd.s32 $0xFFFFF600  }
0x21: {  	[tilespmem:s16], [sflag:$0x4] =	stream.linear.gather [hbm4b:s8+s5], $0x80, $0x38;
	[tilespmem:$0x10280] =	vst v63  }
0x22: {  	_ =	swait.ge [sflag:s15], $0x80  }
0x23: {  	[sflag:s15] =	ssyncset.done $0x0  }
0x24: {  	[sflag:s15] =	ssyncadd.s32 $0xFFFFFF80  }
0x25: {  	[tilespmem:s17], [sflag:$0x4] =	stream.linear.gather [hbm4b:s9+s5], $0x400, $0x38;
	[tilespmem:$0x10280] =	vst v63  }
0x26: {  	s28 =	simm.s32 $0x1080  }
0x27: {  	[tilespmem:s28], [sflag:$0x4] =	stream.linear.gather [hbm4b:s18+s5], $0x100, $0x38;
	[tilespmem:$0x10280] =	vst v63  }
0x28: {  	_ =	swait.ge [sflag:s15], $0x500  }
0x29: {  	[sflag:s15] =	ssyncset.done $0x0  }
0x2a: {  	s12 =	simm.s32 $0x200;
	s2 =	simm.s32 $0x0;
	[sflag:s15] =	ssyncadd.s32 $0xFFFFFB00  }
.LBB2_2:
0x2b: {  	p0 =	sne.s32 s12, $0xFE00;
	[tilespmem:s2+$0x19F0] =	vst v0  }
0x2c: {  	[tilespmem:s2+$0x1980] =	vst v0  }
0x2d: {  	[tilespmem:s2+$0x1990] =	vst v0  }
.Ltmp2:
0x2e: {  	[tilespmem:s2+$0x19A0] =	vst v0;
	(pc) =	sbr.rel @p0 .LBB2_2-.Ltmp2, $4  }
0x2f: {  	[tilespmem:s2+$0x19B0] =	vst v0  }
0x30: {  	[tilespmem:s2+$0x19C0] =	vst v0  }
0x31: {  	[tilespmem:s2+$0x19D0] =	vst v0  }
0x32: {  	[tilespmem:s2+$0x19E0] =	vst v0;
	s2 =	sshra.s32 s12, $0x2;
	s12 =	sadd.s32 $0x200, s12  }
0x33: {  	[tilespmem:s2+$0x19F0] =	vst v0  }
0x34: {  	[tilespmem:s2+$0x1980] =	vst v0  }
0x35: {  	[tilespmem:s2+$0x1990] =	vst v0  }
0x36: {  	[tilespmem:s2+$0x19A0] =	vst v0  }
0x37: {  	[tilespmem:s2+$0x19B0] =	vst v0  }
0x38: {  	[tilespmem:s2+$0x19C0] =	vst v0  }
0x39: {  	[tilespmem:s2+$0x19D0] =	vst v0  }
0x3a: {  	[tilespmem:s2+$0x19E0] =	vst v0;
	s26 =	rddreg [dreg:$0x4]  }
0x3b: {  	[tilespmem:s21], [sflag:$0x1] =	stream.indirect.gather.add.f32 [hbm:s26], $0x80, s16, s20, $0xb8;
	[tilespmem:$0x10280] =	vst v63  }
0x3c: {  	s2 =	simm.s32 $0x0  }
0x3d: {  	[tilespmem:s21], [sflag:$0x1] =	stream.indirect.gather.add.f32 [hbm:s1], $0x80, s2, s20, $0xb8;
	[tilespmem:$0x10280] =	vst v63  }
0x3e: {  	_ = 	snop  }
0x3f: {  	[tilespmem:s21], [sflag:$0x1] =	stream.indirect.gather.add.f32 [hbm:s1], $0x80, s20, s20, $0xb8;
	[tilespmem:$0x10280] =	vst v63  }
0x40: {  	s12 =	simm.s32 $0x100  }
0x41: {  	[tilespmem:s21], [sflag:$0x1] =	stream.indirect.gather.add.f32 [hbm:s1], $0x80, s12, s20, $0xb8;
	[tilespmem:$0x10280] =	vst v63  }
0x42: {  	s28 =	simm.s32 $0x180  }
0x43: {  	[tilespmem:s21], [sflag:$0x1] =	stream.indirect.gather.add.f32 [hbm:s1], $0x80, s28, s20, $0xb8;
	[tilespmem:$0x10280] =	vst v63  }
0x44: {  	s22 =	simm.s32 $0x200  }
0x45: {  	[tilespmem:s21], [sflag:$0x1] =	stream.indirect.gather.add.f32 [hbm:s1], $0x80, s22, s20, $0xb8;
	[tilespmem:$0x10280] =	vst v63  }
0x46: {  	s23 =	simm.s32 $0x280  }
0x47: {  	[tilespmem:s21], [sflag:$0x1] =	stream.indirect.gather.add.f32 [hbm:s1], $0x80, s23, s20, $0xb8;
	[tilespmem:$0x10280] =	vst v63  }
0x48: {  	s25 =	simm.s32 $0x300  }
0x49: {  	[tilespmem:s21], [sflag:$0x1] =	stream.indirect.gather.add.f32 [hbm:s1], $0x80, s25, s20, $0xb8;
	[tilespmem:$0x10280] =	vst v63  }
0x4a: {  	s26 =	simm.s32 $0x380  }
0x4b: {  	[tilespmem:s21], [sflag:$0x1] =	stream.indirect.gather.add.f32 [hbm:s1], $0x80, s26, s20, $0xb8;
	[tilespmem:$0x10280] =	vst v63  }
0x4c: {  	_ = 	snop  }
0x4d: {  	[tilespmem:s21], [sflag:$0x1] =	stream.indirect.gather.add.f32 [hbm:s1], $0x80, s13, s20, $0xb8;
	[tilespmem:$0x10280] =	vst v63  }
0x4e: {  	s28 =	simm.s32 $0x480  }
0x4f: {  	v13 =	vor.u32 s2, v1;
	[tilespmem:s21], [sflag:$0x1] =	stream.indirect.gather.add.f32 [hbm:s1], $0x80, s28, s20, $0xb8;
	[tilespmem:$0x10280] =	vst v63  }
0x50: {  	v14 =	vmulhi.u32 $0xCCCCCCCD, v13;
	s13 =	simm.s32 $0x500  }
0x51: {  	[tilespmem:s21], [sflag:$0x1] =	stream.indirect.gather.add.f32 [hbm:s1], $0x80, s13, s20, $0xb8;
	[tilespmem:$0x10280] =	vst v63  }
0x52: {  	v14 =	vshrl.u32 v14, $0x3;
	s22 =	simm.s32 $0x580  }
0x53: {  	v15 =	vmul.u32 $0xFFFFFFF6, v14;
	[tilespmem:s21], [sflag:$0x1] =	stream.indirect.gather.add.f32 [hbm:s1], $0x80, s22, s20, $0xb8;
	[tilespmem:$0x10280] =	vst v63  }
0x54: {  	v16 =	vmov s2;
	v17 =	vsub.s32 $0x0, v13;
	s23 =	simm.s32 $0x600;
	s25 =	simm.s32 $0x10  }
0x55: {  	vm10 =	veq.s32 v16, v1;
	vm11 =	vne.s32 v15, v17;
	[tilespmem:s21], [sflag:$0x1] =	stream.indirect.gather.add.f32 [hbm:s1], $0x80, s23, s20, $0xb8;
	[tilespmem:$0x10280] =	vst v63  }
0x56: {  	vm10 =	vmand vm10, vm11;
	v18 =	vor.u32 s25, v1;
	s26 =	simm.s32 $0x680  }
0x57: {  	v16 =	vsel vm10, $0xFFFFFFFF, v2;
	v15 =	vmulhi.u32 $0xCCCCCCCD, v18;
	[tilespmem:s21], [sflag:$0x1] =	stream.indirect.gather.add.f32 [hbm:s1], $0x80, s26, s20, $0xb8;
	[tilespmem:$0x10280] =	vst v63  }
0x58: {  	v14 =	vadd.s32 v16, v14;
	s28 =	simm.s32 $0x700  }
0x59: {  	v16 =	vmul.u32 $0x1FFFFF6, v14;
	v15 =	vshrl.u32 v15, $0x3;
	[tilespmem:s21], [sflag:$0x1] =	stream.indirect.gather.add.f32 [hbm:s1], $0x80, s28, s20, $0xb8;
	[tilespmem:$0x10280] =	vst v63  }
0x5a: {  	v17 =	vmov s25;
	v19 =	vmul.u32 $0xFFFFFFF6, v15;
	s13 =	simm.s32 $0x20;
	s22 =	simm.s32 $0x780  }
0x5b: {  	v13 =	vadd.s32 v13, v16;
	vm10 =	veq.s32 v17, v1;
	v17 =	vsub.s32 $0x0, v18;
	[tilespmem:s21], [sflag:$0x1] =	stream.indirect.gather.add.f32 [hbm:s1], $0x80, s22, s20, $0xb8;
	[tilespmem:$0x10280] =	vst v63  }
0x5c: {  	v16 =	vand.u32 $0xFFFFFF80, v14;
	vm11 =	vne.s32 v19, v17;
	v20 =	vor.u32 s13, v1  }
0x5d: {  	v13 =	vshll.u32 v13, $0x7;
	vm10 =	vmand vm10, vm11;
	v17 =	vmulhi.u32 $0xCCCCCCCD, v20;
	[tilespmem:s21], [sflag:$0x1] =	stream.indirect.gather.add.f32 [hbm:s1], $0x80, s14, s20, $0xb8;
	[tilespmem:$0x10280] =	vst v63  }
0x5e: {  	v14 =	vand.u32 $0x7F, v14;
	v13 =	vadd.s32 v16, v13;
	v16 =	vsel vm10, $0xFFFFFFFF, v2;
	s23 =	simm.s32 $0x880  }
0x5f: {  	v14 =	vor.u32 v14, v13;
	v15 =	vadd.s32 v16, v15;
	v16 =	vshrl.u32 v17, $0x3;
	[tilespmem:s21], [sflag:$0x1] =	stream.indirect.gather.add.f32 [hbm:s1], $0x80, s23, s20, $0xb8;
	[tilespmem:$0x10280] =	vst v63  }
0x60: {  	s25 =	simm.s32 $0x30;
	v19 =	vmov s13;
	v17 =	vmul.u32 $0x1FFFFF6, v15;
	v21 =	vmul.u32 $0xFFFFFFF6, v16;
	s26 =	simm.s32 $0x900  }
0x61: {  	v13 =	vor.u32 s25, v1;
	vm10 =	veq.s32 v19, v1;
	v19 =	vsub.s32 $0x0, v20;
	[tilespmem:s21], [sflag:$0x1] =	stream.indirect.gather.add.f32 [hbm:s1], $0x80, s26, s20, $0xb8;
	[tilespmem:$0x10280] =	vst v63  }
0x62: {  	v17 =	vadd.s32 v18, v17;
	v18 =	vand.u32 $0xFFFFFF80, v15;
	vm11 =	vne.s32 v21, v19;
	s28 =	simm.s32 $0x980  }
0x63: {  	v15 =	vand.u32 $0x7F, v15;
	v17 =	vshll.u32 v17, $0x7;
	vm10 =	vmand vm10, vm11;
	[tilespmem:s21], [sflag:$0x1] =	stream.indirect.gather.add.f32 [hbm:s1], $0x80, s28, s20, $0xb8;
	[tilespmem:$0x10280] =	vst v63  }
0x64: {  	v19 =	vld.idx.msk [tilespmem:v14+s17+$0x0], $0xffff;
	v14 =	vadd.s32 v18, v17;
	v17 =	vmulhi.u32 $0xCCCCCCCD, v13;
	v18 =	vsel vm10, $0xFFFFFFFF, v2  }
0x65: {  	v63 =	vor.u32 v15, v14;
	v18 =	vadd.s32 v18, v16  }
0x66: {  	s2 =	simm.s32 $0x40;
	v15 =	vshrl.u32 v17, $0x3;
	v16 =	vmul.u32 $0x1FFFFF6, v18  }
0x67: {  	v14 =	vor.u32 s2, v1;
	v17 =	vmov s25;
	v22 =	vmul.u32 $0xFFFFFFF6, v15  }
0x68: {  	s12 =	simm.s32 $0x1480;
	vm10 =	veq.s32 v17, v1;
	v17 =	vsub.s32 $0x0, v13;
	v16 =	vadd.s32 v20, v16  }
0x69: {  	[tilespmem:s12+$0x0] =	vst v19;
	vm11 =	vne.s32 v22, v17;
	v19 =	vand.u32 $0xFFFFFF80, v18;
	v20 =	vshll.u32 v16, $0x7  }
0x6a: {  	s13 =	simm.s32 $0x50;
	v17 =	vand.u32 $0x7F, v18;
	v16 =	vld.idx.msk [tilespmem:v63+s17+$0x0], $0xffff;
	vm10 =	vmand vm10, vm11;
	v18 =	vadd.s32 v19, v20  }
.LBB2_4:
0x6b: {  	p0 =	sne.s32 s13, $0x4F0;
	v19 =	vmulhi.u32 $0xCCCCCCCD, v14;
	v20 =	vsel vm10, $0xFFFFFFFF, v2;
	v17 =	vor.u32 v17, v18  }
0x6c: {  	v18 =	vadd.s32 v20, v15  }
.Ltmp3:
0x6d: {  	v15 =	vshrl.u32 v19, $0x3;
	v19 =	vmul.u32 $0x1FFFFF6, v18;
	(pc) =	sbr.rel @p0 .LBB2_4-.Ltmp3, $4  }
0x6e: {  	v21 =	vmov s2;
	s12 =	sadd.s32 $0x10, s12;
	s2 =	smov.u32 s13;
	v20 =	vor.u32 s13, v1;
	v22 =	vmul.u32 $0xFFFFFFF6, v15  }
0x6f: {  	vm10 =	veq.s32 v21, v1;
	v21 =	vsub.s32 $0x0, v14;
	v19 =	vadd.s32 v13, v19;
	[tilespmem:s12+$0x0] =	vst v16;
	v13 =	vmovc v14  }
0x70: {  	v14 =	vmovc v20;
	vm11 =	vne.s32 v22, v21;
	v21 =	vand.u32 $0xFFFFFF80, v18;
	v19 =	vshll.u32 v19, $0x7;
	v16 =	vld.idx.msk [tilespmem:v17+s17+$0x0], $0xffff  }
0x71: {  	s13 =	sadd.s32 $0x10, s13;
	v17 =	vand.u32 $0x7F, v18;
	vm10 =	vmand vm10, vm11;
	v18 =	vadd.s32 v21, v19  }
0x72: {  	v19 =	vmulhi.u32 $0xCCCCCCCD, v14  }
0x73: {  	v20 =	vsel vm10, $0xFFFFFFFF, v2  }
0x74: {  	v17 =	vor.u32 v17, v18;
	v15 =	vadd.s32 v20, v15;
	v58 =	vshrl.u32 v19, $0x3  }
0x75: {  	v59 =	vmul.u32 $0x1FFFFF6, v15;
	v60 =	vmul.u32 $0xFFFFFFF6, v58  }
0x76: {  	v21 =	vmov s2;
	v22 =	vsub.s32 $0x0, v14  }
0x77: {  	s23 =	sadd.s32 $0x10, s12;
	vm10 =	veq.s32 v21, v1;
	v13 =	vadd.s32 v13, v59;
	vm11 =	vne.s32 v60, v22  }
0x78: {  	v61 =	vand.u32 $0xFFFFFF80, v15;
	[tilespmem:s23+$0x0] =	vst v16;
	v13 =	vshll.u32 v13, $0x7;
	vm10 =	vmand vm10, vm11  }
0x79: {  	v15 =	vand.u32 $0x7F, v15;
	v17 =	vld.idx.msk [tilespmem:v17+s17+$0x0], $0xffff;
	v13 =	vadd.s32 v61, v13;
	v62 =	vsel vm10, $0xFFFFFFFF, v2  }
0x7a: {  	v13 =	vor.u32 v15, v13;
	v15 =	vadd.s32 v62, v58  }
0x7b: {  	v16 =	vmul.u32 $0x1FFFFF6, v15;
	_ =	sdelay $0x1  }
0x7c: {  	s2 =	sadd.s32 $0x10, s23;
	v14 =	vadd.s32 v14, v16  }
0x7d: {  	v63 =	vand.u32 $0xFFFFFF80, v15;
	[tilespmem:s2+$0x0] =	vst v17;
	v14 =	vshll.u32 v14, $0x7  }
0x7e: {  	v15 =	vand.u32 $0x7F, v15;
	v13 =	vld.idx.msk [tilespmem:v13+s17+$0x0], $0xffff;
	v14 =	vadd.s32 v63, v14  }
0x7f: {  	v14 =	vor.u32 v15, v14;
	_ =	sdelay $0x2  }
0x80: {  	s2 =	sadd.s32 $0x10, s2  }
0x81: {  	[tilespmem:s2+$0x0] =	vst v13  }
0x82: {  	v13 =	vld.idx.msk [tilespmem:v14+s17+$0x0], $0xffff;
	_ =	sdelay $0x3  }
0x83: {  	s2 =	sadd.s32 $0x10, s2  }
0x84: {  	s25 =	simm.s32 $0x1480;
	s26 =	simm.s32 $0x5980;
	[tilespmem:s2+$0x0] =	vst v13  }
0x85: {  	[tilespmem:s26], [sflag:$0x2] =	stream.indirect.gather [hbm4b:s4+s24], $0x80, s25, s24, $0xb8;
	[tilespmem:$0x10280] =	vst v63  }
0x86: {  	s28 =	simm.s32 $0x1520  }
0x87: {  	[tilespmem:s29], [sflag:$0x3] =	stream.indirect.gather [hbm4b:s4+s24], $0x80, s28, s24, $0xb8;
	[tilespmem:$0x10280] =	vst v63  }
0x88: {  	_ =	swait.ge [sflag:s30], $0x4000  }
0x89: {  	[sflag:s30] =	ssyncset.done $0x0  }
0x8a: {  	[sflag:s30] =	ssyncadd.s32 $0xFFFFC000  }
0x8b: {  	_ =	swait.ge [sflag:s30], $0x4000  }
0x8c: {  	[sflag:s30] =	ssyncset.done $0x0  }
0x8d: {  	[sflag:s30] =	ssyncadd.s32 $0xFFFFC000  }
0x8e: {  	_ =	swait.ge [sflag:s30], $0x4000  }
0x8f: {  	[sflag:s30] =	ssyncset.done $0x0  }
0x90: {  	[sflag:s30] =	ssyncadd.s32 $0xFFFFC000  }
0x91: {  	_ =	swait.ge [sflag:s30], $0x4000  }
0x92: {  	[sflag:s30] =	ssyncset.done $0x0  }
0x93: {  	[sflag:s30] =	ssyncadd.s32 $0xFFFFC000  }
0x94: {  	_ =	swait.ge [sflag:s30], $0x4000  }
0x95: {  	[sflag:s30] =	ssyncset.done $0x0  }
0x96: {  	[sflag:s30] =	ssyncadd.s32 $0xFFFFC000  }
0x97: {  	_ =	swait.ge [sflag:s30], $0x4000  }
0x98: {  	[sflag:s30] =	ssyncset.done $0x0  }
0x99: {  	[sflag:s30] =	ssyncadd.s32 $0xFFFFC000  }
0x9a: {  	_ =	swait.ge [sflag:s30], $0x4000  }
0x9b: {  	[sflag:s30] =	ssyncset.done $0x0  }
0x9c: {  	[sflag:s30] =	ssyncadd.s32 $0xFFFFC000  }
0x9d: {  	_ =	swait.ge [sflag:s30], $0x4000  }
0x9e: {  	[sflag:s30] =	ssyncset.done $0x0  }
0x9f: {  	[sflag:s30] =	ssyncadd.s32 $0xFFFFC000  }
0xa0: {  	_ =	swait.ge [sflag:s30], $0x4000  }
0xa1: {  	[sflag:s30] =	ssyncset.done $0x0  }
0xa2: {  	[sflag:s30] =	ssyncadd.s32 $0xFFFFC000  }
0xa3: {  	_ =	swait.ge [sflag:s30], $0x4000  }
0xa4: {  	[sflag:s30] =	ssyncset.done $0x0  }
0xa5: {  	[sflag:s30] =	ssyncadd.s32 $0xFFFFC000  }
0xa6: {  	_ =	swait.ge [sflag:s30], $0x4000  }
0xa7: {  	[sflag:s30] =	ssyncset.done $0x0  }
0xa8: {  	[sflag:s30] =	ssyncadd.s32 $0xFFFFC000  }
0xa9: {  	_ =	swait.ge [sflag:s30], $0x4000  }
0xaa: {  	[sflag:s30] =	ssyncset.done $0x0  }
0xab: {  	[sflag:s30] =	ssyncadd.s32 $0xFFFFC000  }
0xac: {  	_ =	swait.ge [sflag:s30], $0x4000  }
0xad: {  	[sflag:s30] =	ssyncset.done $0x0  }
0xae: {  	[sflag:s30] =	ssyncadd.s32 $0xFFFFC000  }
0xaf: {  	_ =	swait.ge [sflag:s30], $0x4000  }
0xb0: {  	[sflag:s30] =	ssyncset.done $0x0  }
0xb1: {  	[sflag:s30] =	ssyncadd.s32 $0xFFFFC000  }
0xb2: {  	_ =	swait.ge [sflag:s30], $0x4000  }
0xb3: {  	[sflag:s30] =	ssyncset.done $0x0  }
0xb4: {  	[sflag:s30] =	ssyncadd.s32 $0xFFFFC000  }
0xb5: {  	_ =	swait.ge [sflag:s30], $0x4000  }
0xb6: {  	[sflag:s30] =	ssyncset.done $0x0  }
0xb7: {  	[sflag:s30] =	ssyncadd.s32 $0xFFFFC000  }
0xb8: {  	_ =	swait.ge [sflag:s30], $0x4000  }
0xb9: {  	[sflag:s30] =	ssyncset.done $0x0  }
0xba: {  	[sflag:s30] =	ssyncadd.s32 $0xFFFFC000  }
0xbb: {  	_ =	swait.ge [sflag:s30], $0x4000  }
0xbc: {  	[sflag:s30] =	ssyncset.done $0x0  }
0xbd: {  	[sflag:s30] =	ssyncadd.s32 $0xFFFFC000  }
0xbe: {  	_ =	swait.ge [sflag:s30], $0x4000  }
0xbf: {  	[sflag:s30] =	ssyncset.done $0x0  }
0xc0: {  	[sflag:s30] =	ssyncadd.s32 $0xFFFFC000  }
0xc1: {  	_ =	swait.ge [sflag:s30], $0x4000  }
0xc2: {  	[sflag:s30] =	ssyncset.done $0x0  }
0xc3: {  	[sflag:s30] =	ssyncadd.s32 $0xFFFFC000  }
0xc4: {  	_ =	swait.ge [sflag:s30], $0x4000  }
0xc5: {  	s22 =	simm.s32 $0x0;
	[sflag:s30] =	ssyncset.done $0x0  }
0xc6: {  	s12 =	simm.s32 $0x21F0;
	s23 =	simm.s32 $0x19C0;
	[sflag:s30] =	ssyncadd.s32 $0xFFFFC000  }
.LBB2_6:
0xc7: {  	_ =	swait.ge [sflag:s31], $0x5000  }
0xc8: {  	[sflag:s31] =	ssyncset.done $0x0  }
0xc9: {  	s26 =	simm.s32 $0x5C00;
	[sflag:s31] =	ssyncadd.s32 $0xFFFFB000  }
0xca: {  	v15 =	vld [tilespmem:s26+$0x1F0]  }
0xcb: {  	v16 =	vld [tilespmem:s26+$0x170]  }
0xcc: {  	v18 =	vld [tilespmem:s26+$0x1E0]  }
0xcd: {  	v19 =	vld [tilespmem:s26+$0x160]  }
0xce: {  	v23 =	vld [tilespmem:s26+$0x1D0]  }
0xcf: {  	v17 =	vld [tilespmem:s26+$0x70]  }
0xd0: {  	v29 =	vld [tilespmem:s26+$0x150]  }
0xd1: {  	v35 =	vld [tilespmem:s26+$0x1C0]  }
0xd2: {  	v20 =	vld [tilespmem:s26+$0xFFFFFFF0]  }
0xd3: {  	v21 =	vld [tilespmem:s26+$0x60]  }
0xd4: {  	v41 =	vld [tilespmem:s26+$0x140]  }
0xd5: {  	v42 =	vld [tilespmem:s26+$0x1B0]  }
0xd6: {  	v22 =	vld [tilespmem:s26+$0xFFFFFF70]  }
0xd7: {  	v25 =	vld [tilespmem:s26+$0xFFFFFFE0]  }
0xd8: {  	v33 =	vld [tilespmem:s26+$0x50]  }
0xd9: {  	v44 =	vld [tilespmem:s26+$0x1A0]  }
0xda: {  	v45 =	vld [tilespmem:s26+$0x200]  }
0xdb: {  	v46 =	vld [tilespmem:s26+$0x210]  }
0xdc: {  	v24 =	vld [tilespmem:s26+$0xFFFFFEF0]  }
0xdd: {  	v26 =	vld [tilespmem:s26+$0xFFFFFF60]  }
0xde: {  	v37 =	vld [tilespmem:s26+$0xFFFFFFD0]  }
0xdf: {  	v48 =	vld [tilespmem:s26+$0x180]  }
0xe0: {  	v49 =	vld [tilespmem:s26+$0x190]  }
0xe1: {  	v30 =	vld [tilespmem:s26+$0xFFFFFE70]  }
0xe2: {  	v38 =	vld [tilespmem:s26+$0xFFFFFEE0]  }
0xe3: {  	v50 =	vld [tilespmem:s26+$0xFFFFFF50]  }
0xe4: {  	v51 =	vld [tilespmem:s26+$0x100]  }
0xe5: {  	v52 =	vld [tilespmem:s26+$0x110]  }
0xe6: {  	v13 =	vld [tilespmem:s23+$0x30]  }
0xe7: {  	v32 =	vld [tilespmem:s26+$0xFFFFFDF0]  }
0xe8: {  	v40 =	vld [tilespmem:s26+$0xFFFFFE60]  }
0xe9: {  	v53 =	vld [tilespmem:s26+$0xFFFFFED0]  }
0xea: {  	v14 =	vld [tilespmem:s23+$0x20]  }
0xeb: {  	v55 =	vld [tilespmem:s26+$0x80]  }
0xec: {  	v56 =	vld [tilespmem:s26+$0xFFFFFDE0]  }
0xed: {  	v57 =	vld [tilespmem:s26+$0x90];
	v36 =	vmul.f32 v15, v13  }
0xee: {  	v59 =	vld [tilespmem:s26+$0xFFFFFE50];
	v28 =	vmul.f32 v17, v13;
	v31 =	vmul.f32 v16, v13  }
0xef: {  	v60 =	vld [tilespmem:s26+$0xFFFFFDD0];
	v15 =	vmul.f32 v22, v13;
	v27 =	vmul.f32 v20, v13  }
0xf0: {  	v62 =	vld [tilespmem:s23+$0xFFFFFFC0];
	v20 =	vmul.f32 v30, v13;
	v24 =	vmul.f32 v24, v13  }
0xf1: {  	v63 =	vld [tilespmem:s23+$0xFFFFFFD0];
	v17 =	vmul.f32 v32, v13;
	v58 =	vmul.f32 v18, v14  }
0xf2: {  	v3 =	vld [tilespmem:s26+$0xFFFFFE00];
	v34 =	vmul.f32 v21, v14;
	v39 =	vmul.f32 v19, v14  }
0xf3: {  	v4 =	vld [tilespmem:s26+$0x10];
	v18 =	vmul.f32 v26, v14;
	v32 =	vmul.f32 v25, v14  }
0xf4: {  	v5 =	vld [tilespmem:s26+$0xFFFFFF90];
	v26 =	vmul.f32 v40, v14;
	v30 =	vmul.f32 v38, v14  }
0xf5: {  	v16 =	vld [tilespmem:s23+$0x10];
	v22 =	vmul.f32 v56, v14;
	v48 =	vmul.f32 v48, v62  }
0xf6: {  	v19 =	vld [tilespmem:s23+$0x0];
	v45 =	vmul.f32 v45, v62;
	v55 =	vmul.f32 v55, v62  }
0xf7: {  	v7 =	vld [tilespmem:s26+$0xFFFFFF10];
	v51 =	vmul.f32 v51, v62;
	v46 =	vmul.f32 v46, v63  }
0xf8: {  	v8 =	vld [tilespmem:s26+$0xFFFFFE10];
	v3 =	vmul.f32 v3, v62;
	v52 =	vmul.f32 v52, v63  }
0xf9: {  	v9 =	vld [tilespmem:s26+$0xFFFFFD80];
	v4 =	vmul.f32 v4, v63;
	v57 =	vmul.f32 v57, v63  }
0xfa: {  	v25 =	vld [tilespmem:s23+$0xFFFFFFE0];
	v5 =	vmul.f32 v5, v63;
	v40 =	vmul.f32 v33, v16  }
0xfb: {  	v33 =	vmul.f32 v59, v16;
	v59 =	vmul.f32 v35, v19;
	v35 =	vld [tilespmem:s26+$0xFFFFFF00]  }
0xfc: {  	v21 =	vld [tilespmem:s23+$0xFFFFFFF0];
	v56 =	vmul.f32 v23, v16;
	v61 =	vmul.f32 v29, v16  }
0xfd: {  	v23 =	vmul.f32 v50, v16;
	v38 =	vmul.f32 v37, v16;
	v50 =	vld [tilespmem:s26+$0x0]  }
0xfe: {  	v37 =	vmul.f32 v53, v16;
	v29 =	vmul.f32 v60, v16;
	v53 =	vld [tilespmem:s26+$0xFFFFFF80]  }
0xff: {  	v47 =	vld [tilespmem:s26+$0x120];
	v60 =	vmul.f32 v41, v19;
	v41 =	vmul.f32 v44, v25  }
0x100: {  	v44 =	vld [tilespmem:s26+$0xFFFFFE80];
	v6 =	vmul.f32 v35, v62;
	v35 =	vmul.f32 v49, v63  }
0x101: {  	v7 =	vmul.f32 v7, v63;
	v8 =	vmul.f32 v8, v63;
	v49 =	vld [tilespmem:s26+$0xFFFFFE90]  }
0x102: {  	v43 =	vld [tilespmem:s26+$0x130];
	v9 =	vmul.f32 v9, v62;
	v42 =	vmul.f32 v42, v21;
	v48 =	vadd.f32 v35, v48  }
0x103: {  	v54 =	vld [tilespmem:s26+$0x20];
	v53 =	vmul.f32 v53, v62;
	v50 =	vmul.f32 v50, v62;
	v35 =	vadd.f32 v46, v45  }
0x104: {  	v47 =	vmul.f32 v47, v25;
	v46 =	vld [tilespmem:s26+$0xFFFFFD90];
	v45 =	vadd.f32 v52, v51;
	v48 =	vadd.f32 v41, v48  }
0x105: {  	v44 =	vmul.f32 v44, v62;
	v4 =	vadd.f32 v4, v50;
	v51 =	vld [tilespmem:s26+$0x30];
	v5 =	vadd.f32 v5, v53  }
0x106: {  	v52 =	vld [tilespmem:s26+$0xFFFFFFA0];
	v41 =	vadd.f32 v57, v55;
	v49 =	vmul.f32 v49, v63;
	v48 =	vadd.f32 v42, v48  }
0x107: {  	v43 =	vmul.f32 v43, v21;
	v42 =	vadd.f32 v7, v6;
	v6 =	vld [tilespmem:s26+$0x40];
	v7 =	vadd.f32 v47, v45  }
0x108: {  	v54 =	vmul.f32 v54, v25;
	v57 =	vld [tilespmem:s26+$0xFFFFFFB0];
	v45 =	vadd.f32 v49, v44;
	v59 =	vadd.f32 v59, v48  }
0x109: {  	v50 =	vld [tilespmem:s26+$0xFFFFFEA0];
	v62 =	vmul.f32 v46, v63;
	v44 =	vadd.f32 v8, v3;
	v3 =	vadd.f32 v43, v7  }
0x10a: {  	v4 =	vadd.f32 v54, v4;
	v46 =	vld [tilespmem:s26+$0xFFFFFFC0];
	v63 =	vmul.f32 v51, v21;
	v8 =	vadd.f32 v56, v59  }
0x10b: {  	v49 =	vld [tilespmem:s26+$0xFFFFFEB0];
	v43 =	vadd.f32 v62, v9;
	v9 =	vmul.f32 v52, v25;
	v3 =	vadd.f32 v60, v3  }
0x10c: {  	v47 =	vld [tilespmem:s26+$0xFFFFFE20];
	v51 =	vadd.f32 v63, v4;
	v52 =	vmul.f32 v6, v19;
	v53 =	vadd.f32 v58, v8  }
0x10d: {  	s28 =	simm.s32 $0x40;
	s2 =	simm.s32 $0x0;
	s13 =	smov.u32 s23;
	v48 =	vld [tilespmem:s26+$0xFFFFFEC0];
	v56 =	vmul.f32 v57, v21;
	v54 =	vadd.f32 v9, v5;
	v55 =	vadd.f32 v61, v3  }
.LBB2_7:
0x10e: {  	p0 =	sne.s32 s28, $0x3C0;
	v3 =	vld [tilespmem:s26+$0xFFFFFE30];
	v4 =	vmul.f32 v50, v25;
	v5 =	vadd.f32 v52, v51;
	v6 =	vadd.f32 v36, v53  }
0x10f: {  	v7 =	vld [tilespmem:s26+$0xFFFFFDA0];
	v8 =	vadd.f32 v56, v54;
	v9 =	vmul.f32 v46, v19;
	v36 =	vadd.f32 v39, v55  }
0x110: {  	v39 =	vld [tilespmem:s26+$0xFFFFFE40];
	v4 =	vadd.f32 v4, v45;
	v45 =	vmul.f32 v49, v21;
	v5 =	vadd.f32 v40, v5;
	(xrf2) =	vadd.scan.msk.f32 $0xffff, v6  }
0x111: {  	v6 =	vld [tilespmem:s26+$0xFFFFFDB0];
	v40 =	vmul.f32 v47, v25;
	v8 =	vadd.f32 v9, v8;
	v9 =	vadd.f32 v31, v36  }
0x112: {  	v4 =	vadd.f32 v45, v4;
	v31 =	vmul.f32 v48, v19;
	v36 =	vld [tilespmem:s26+$0xFFFFFF20];
	v5 =	vadd.f32 v34, v5  }
0x113: {  	v34 =	vld [tilespmem:s26+$0xFFFFFDC0];
	v40 =	vadd.f32 v40, v44;
	v3 =	vmul.f32 v3, v21;
	v8 =	vadd.f32 v38, v8;
	(xrf2) =	vadd.scan.msk.f32 $0xffff, v9  }
0x114: {  	v7 =	vmul.f32 v7, v25;
	v4 =	vadd.f32 v31, v4;
	v9 =	vld [tilespmem:s26+$0xFFFFFF30];
	v5 =	vadd.f32 v28, v5  }
0x115: {  	v3 =	vadd.f32 v3, v40;
	v28 =	vmul.f32 v39, v19;
	v8 =	vadd.f32 v32, v8;
	v31 =	vld [tilespmem:s26+$0xA0]  }
0x116: {  	v7 =	vadd.f32 v7, v43;
	v6 =	vmul.f32 v6, v21;
	v4 =	vadd.f32 v37, v4;
	v32 =	vld [tilespmem:s26+$0xFFFFFF40];
	(xrf2) =	vadd.scan.msk.f32 $0xffff, v5  }
0x117: {  	v3 =	vadd.f32 v28, v3;
	v5 =	vmul.f32 v36, v25;
	v8 =	vadd.f32 v27, v8;
	v27 =	vld [tilespmem:s26+$0xB0]  }
0x118: {  	v6 =	vadd.f32 v6, v7;
	v7 =	vmul.f32 v34, v19;
	v4 =	vadd.f32 v30, v4;
	v28 =	vld [tilespmem:s26+$0x220]  }
0x119: {  	v3 =	vadd.f32 v33, v3;
	v5 =	vadd.f32 v5, v42;
	v9 =	vmul.f32 v9, v21;
	v30 =	vld [tilespmem:s26+$0xC0];
	(xrf2) =	vadd.scan.msk.f32 $0xffff, v8  }
0x11a: {  	v6 =	vadd.f32 v7, v6;
	v4 =	vadd.f32 v24, v4;
	v7 =	vmul.f32 v31, v25;
	v8 =	vld [tilespmem:s26+$0x230];
	v24, _, _ =	vpop (xrf2)  }
0x11b: {  	v3 =	vadd.f32 v26, v3;
	v5 =	vadd.f32 v9, v5;
	v9 =	vmul.f32 v32, v19;
	v26 =	vld [tilespmem:s26+$0xD0]  }
0x11c: {  	v6 =	vadd.f32 v29, v6;
	v7 =	vadd.f32 v7, v41;
	v27 =	vmul.f32 v27, v21;
	v29 =	vld [tilespmem:s26+$0x240];
	(xrf2) =	vadd.scan.msk.f32 $0xffff, v4  }
0x11d: {  	v3 =	vadd.f32 v20, v3;
	v4 =	vadd.f32 v9, v5;
	v5 =	vld [tilespmem:s26+$0xE0];
	v9 =	vmul.f32 v28, v25;
	v20, _, _ =	vpop (xrf2)  }
0x11e: {  	v6 =	vadd.f32 v22, v6;
	v7 =	vadd.f32 v27, v7;
	v22 =	vmul.f32 v30, v19;
	v25 =	vld [tilespmem:s26+$0x250]  }
0x11f: {  	v4 =	vadd.f32 v23, v4;
	v23 =	vld [tilespmem:s26+$0xF0];
	v9 =	vadd.f32 v9, v35;
	v8 =	vmul.f32 v8, v21;
	(xrf2) =	vadd.scan.msk.f32 $0xffff, v3  }
0x120: {  	v3 =	vadd.f32 v17, v6;
	v6 =	vadd.f32 v22, v7;
	v7 =	vmul.f32 v26, v16;
	v17 =	vld [tilespmem:s26+$0x260];
	v21, _, _ =	vpop (xrf2)  }
0x121: {  	v4 =	vadd.f32 v18, v4;
	v8 =	vadd.f32 v8, v9;
	v18 =	vmul.f32 v29, v19  }
0x122: {  	v6 =	vadd.f32 v7, v6;
	v5 =	vmul.f32 v5, v14;
	v7 =	vld [tilespmem:s26+$0x270];
	(xrf2) =	vadd.scan.msk.f32 $0xffff, v3  }
0x123: {  	v3 =	vadd.f32 v15, v4;
	v4 =	vadd.f32 v18, v8;
	v8 =	vmul.f32 v25, v16;
	v9, _, _ =	vpop (xrf2)  }
0x124: {  	v15 =	vadd.f32 v5, v6;
	v6 =	vmul.f32 v23, v13  }
0x125: {  	v4 =	vadd.f32 v8, v4;
	v8 =	vmul.f32 v17, v14;
	(xrf2) =	vadd.scan.msk.f32 $0xffff, v3  }
0x126: {  	v3 =	vadd.f32 v6, v15;
	v5, _, _ =	vpop (xrf2)  }
0x127: {  	v8 =	vadd.f32 v8, v4;
	v6 =	vmul.f32 v7, v13  }
0x128: {  	(xrf2) =	vadd.scan.msk.f32 $0xffff, v3  }
0x129: {  	v6 =	vadd.f32 v6, v8;
	v4, _, _ =	vpop (xrf2);
	_ =	sdelay $0x1  }
0x12a: {  	(xrf2) =	vadd.scan.msk.f32 $0xffff, v6  }
0x12b: {  	v3, _, _ =	vpop (xrf2)  }
0x12c: {  	v3 =	vbroadcast v3, $0xF  }
0x12d: {  	v4 =	vbroadcast v4, $0xF  }
0x12e: {  	v5 =	vbroadcast v5, $0xF;
	v3 =	vnsel vm0, $0x0, v3;
	v6, _, _ =	vpop (xrf2)  }
0x12f: {  	v3 =	vsel vm1, v3, v4;
	v4 =	vbroadcast v6, $0xF  }
0x130: {  	v3 =	vsel vm2, v3, v5;
	v5 =	vbroadcast v9, $0xF  }
0x131: {  	v3 =	vsel vm3, v3, v4;
	v4 =	vbroadcast v21, $0xF;
	v6, _, _ =	vpop (xrf2)  }
0x132: {  	v3 =	vsel vm4, v3, v5;
	v5 =	vbroadcast v6, $0xF  }
0x133: {  	v3 =	vsel vm5, v3, v4;
	v4 =	vbroadcast v20, $0xF  }
0x134: {  	v3 =	vsel vm6, v3, v5;
	v5 =	vbroadcast v24, $0xF;
	v6, _, _ =	vpop (xrf2)  }
0x135: {  	v3 =	vsel vm7, v3, v4;
	v4 =	vbroadcast v6, $0xF  }
0x136: {  	v3 =	vsel vm8, v3, v5  }
0x137: {  	s25 =	sshra.s32 s2, $0x2;
	s2 =	smov.u32 s28;
	v3 =	vsel vm9, v3, v4  }
0x138: {  	s26 =	sadd.s32 $0x500, s26;
	[tilespmem:s25+$0xF980] =	vst v3  }
0x139: {  	v3 =	vld [tilespmem:s26+$0x1F0]  }
0x13a: {  	v4 =	vld [tilespmem:s26+$0x170]  }
0x13b: {  	v5 =	vld [tilespmem:s26+$0x1E0]  }
0x13c: {  	v6 =	vld [tilespmem:s26+$0x160]  }
0x13d: {  	v7 =	vld [tilespmem:s26+$0x1D0]  }
0x13e: {  	v8 =	vld [tilespmem:s26+$0x70]  }
0x13f: {  	v9 =	vld [tilespmem:s26+$0x150]  }
0x140: {  	v35 =	vld [tilespmem:s26+$0x1C0]  }
0x141: {  	v16 =	vld [tilespmem:s26+$0xFFFFFFF0]  }
0x142: {  	v18 =	vld [tilespmem:s26+$0x60]  }
0x143: {  	v41 =	vld [tilespmem:s26+$0x140]  }
0x144: {  	v42 =	vld [tilespmem:s26+$0x1B0]  }
0x145: {  	v15 =	vld [tilespmem:s26+$0xFFFFFF70]  }
0x146: {  	v19 =	vld [tilespmem:s26+$0xFFFFFFE0]  }
0x147: {  	v23 =	vld [tilespmem:s26+$0x50]  }
0x148: {  	v43 =	vld [tilespmem:s26+$0x130]  }
0x149: {  	v44 =	vld [tilespmem:s26+$0x1A0]  }
0x14a: {  	v45 =	vld [tilespmem:s26+$0x200]  }
0x14b: {  	v46 =	vld [tilespmem:s26+$0x210]  }
0x14c: {  	v17 =	vld [tilespmem:s26+$0xFFFFFEF0]  }
0x14d: {  	v21 =	vld [tilespmem:s26+$0xFFFFFF60]  }
0x14e: {  	v29 =	vld [tilespmem:s26+$0xFFFFFFD0]  }
0x14f: {  	v47 =	vld [tilespmem:s26+$0x120]  }
0x150: {  	v48 =	vld [tilespmem:s26+$0x180]  }
0x151: {  	v49 =	vld [tilespmem:s26+$0x190]  }
0x152: {  	v20 =	vld [tilespmem:s26+$0xFFFFFE70]  }
0x153: {  	v22 =	vld [tilespmem:s26+$0xFFFFFEE0]  }
0x154: {  	v33 =	vld [tilespmem:s26+$0xFFFFFF50]  }
0x155: {  	v50 =	vld [tilespmem:s26+$0x100]  }
0x156: {  	s13 =	sadd.s32 $0x80, s13;
	v51 =	vld [tilespmem:s26+$0x110]  }
0x157: {  	v13 =	vld [tilespmem:s13+$0x30]  }
0x158: {  	v25 =	vld [tilespmem:s26+$0xFFFFFDF0]  }
0x159: {  	v26 =	vld [tilespmem:s26+$0xFFFFFE60]  }
0x15a: {  	v37 =	vld [tilespmem:s26+$0xFFFFFED0]  }
0x15b: {  	v14 =	vld [tilespmem:s13+$0x20]  }
0x15c: {  	v52 =	vld [tilespmem:s26+$0x20];
	v36 =	vmul.f32 v3, v13  }
0x15d: {  	v28 =	vmul.f32 v8, v13;
	v31 =	vmul.f32 v4, v13;
	v3 =	vld [tilespmem:s26+$0x80]  }
0x15e: {  	v15 =	vmul.f32 v15, v13;
	v27 =	vmul.f32 v16, v13;
	v4 =	vld [tilespmem:s26+$0xFFFFFDE0]  }
0x15f: {  	v20 =	vmul.f32 v20, v13;
	v24 =	vmul.f32 v17, v13;
	v16 =	vld [tilespmem:s13+$0x10]  }
0x160: {  	v17 =	vmul.f32 v25, v13;
	v8 =	vld [tilespmem:s26+$0x90];
	v5 =	vmul.f32 v5, v14  }
0x161: {  	v34 =	vmul.f32 v18, v14;
	v39 =	vmul.f32 v6, v14;
	v53 =	vld [tilespmem:s26+$0xFFFFFE50]  }
0x162: {  	v18 =	vmul.f32 v21, v14;
	v32 =	vmul.f32 v19, v14;
	v6 =	vld [tilespmem:s26+$0xFFFFFDD0]  }
0x163: {  	v26 =	vmul.f32 v26, v14;
	v30 =	vmul.f32 v22, v14;
	v19 =	vld [tilespmem:s13+$0x0]  }
0x164: {  	v22 =	vmul.f32 v4, v14;
	v21 =	vld [tilespmem:s13+$0xFFFFFFF0];
	v4 =	vmul.f32 v7, v16  }
0x165: {  	v40 =	vmul.f32 v23, v16;
	v7 =	vmul.f32 v9, v16;
	v25 =	vld [tilespmem:s13+$0xFFFFFFE0]  }
0x166: {  	v23 =	vmul.f32 v33, v16;
	v38 =	vmul.f32 v29, v16;
	v9 =	vld [tilespmem:s26+$0x0]  }
0x167: {  	v37 =	vmul.f32 v37, v16;
	v33 =	vmul.f32 v53, v16;
	v54 =	vld [tilespmem:s13+$0xFFFFFFC0]  }
0x168: {  	v29 =	vmul.f32 v6, v16;
	v6 =	vld [tilespmem:s26+$0xFFFFFF80];
	v53 =	vmul.f32 v35, v19  }
0x169: {  	v55 =	vmul.f32 v41, v19;
	v35 =	vld [tilespmem:s26+$0xFFFFFF00];
	v42 =	vmul.f32 v42, v21  }
0x16a: {  	v43 =	vmul.f32 v43, v21;
	v56 =	vld [tilespmem:s13+$0xFFFFFFD0];
	v41 =	vmul.f32 v44, v25  }
0x16b: {  	v52 =	vmul.f32 v52, v25;
	v47 =	vmul.f32 v47, v25;
	v44 =	vld [tilespmem:s26+$0xFFFFFE80]  }
0x16c: {  	v57 =	vld [tilespmem:s26+$0xFFFFFE00];
	v48 =	vmul.f32 v48, v54;
	v45 =	vmul.f32 v45, v54  }
0x16d: {  	v3 =	vmul.f32 v3, v54;
	v50 =	vmul.f32 v50, v54;
	v58 =	vld [tilespmem:s26+$0x10]  }
0x16e: {  	v9 =	vmul.f32 v9, v54;
	v6 =	vmul.f32 v6, v54;
	v59 =	vld [tilespmem:s26+$0xFFFFFF90]  }
0x16f: {  	v60 =	vmul.f32 v35, v54;
	v61 =	vld [tilespmem:s26+$0xFFFFFF10];
	v35 =	vmul.f32 v49, v56  }
0x170: {  	v46 =	vmul.f32 v46, v56;
	v44 =	vmul.f32 v44, v54;
	v49 =	vld [tilespmem:s26+$0xFFFFFE90]  }
0x171: {  	v51 =	vmul.f32 v51, v56;
	v57 =	vmul.f32 v57, v54;
	v62 =	vld [tilespmem:s26+$0xFFFFFE10];
	v48 =	vadd.f32 v35, v48  }
0x172: {  	v8 =	vmul.f32 v8, v56;
	v35 =	vadd.f32 v46, v45;
	v63 =	vld [tilespmem:s26+$0xFFFFFD80];
	v58 =	vmul.f32 v58, v56  }
0x173: {  	v50 =	vadd.f32 v51, v50;
	v46 =	vld [tilespmem:s26+$0xFFFFFD90];
	v45 =	vmul.f32 v59, v56;
	v48 =	vadd.f32 v41, v48  }
0x174: {  	v41 =	vadd.f32 v8, v3;
	v51 =	vmul.f32 v61, v56;
	v9 =	vadd.f32 v58, v9;
	v58 =	vld [tilespmem:s26+$0x30]  }
0x175: {  	v3 =	vmul.f32 v49, v56;
	v6 =	vadd.f32 v45, v6;
	v8 =	vld [tilespmem:s26+$0xFFFFFFA0];
	v48 =	vadd.f32 v42, v48  }
0x176: {  	v47 =	vadd.f32 v47, v50;
	v49 =	vmul.f32 v62, v56;
	v42 =	vadd.f32 v51, v60;
	v59 =	vld [tilespmem:s26+$0x40]  }
0x177: {  	v51 =	vmul.f32 v63, v54;
	v45 =	vadd.f32 v3, v44;
	v3 =	vld [tilespmem:s26+$0xFFFFFFB0];
	v48 =	vadd.f32 v53, v48  }
.Ltmp4:
0x178: {  	v47 =	vadd.f32 v43, v47;
	v53 =	vmul.f32 v46, v56;
	v44 =	vadd.f32 v49, v57;
	v50 =	vld [tilespmem:s26+$0xFFFFFEA0];
	(pc) =	sbr.rel @p0 .LBB2_7-.Ltmp4, $4  }
0x179: {  	v9 =	vadd.f32 v52, v9;
	v46 =	vld [tilespmem:s26+$0xFFFFFFC0];
	v52 =	vmul.f32 v58, v21;
	v4 =	vadd.f32 v4, v48  }
0x17a: {  	v55 =	vadd.f32 v55, v47;
	v43 =	vadd.f32 v53, v51;
	v49 =	vld [tilespmem:s26+$0xFFFFFEB0];
	v8 =	vmul.f32 v8, v25  }
0x17b: {  	v47 =	vld [tilespmem:s26+$0xFFFFFE20];
	v51 =	vadd.f32 v52, v9;
	v52 =	vmul.f32 v59, v19;
	v53 =	vadd.f32 v5, v4  }
0x17c: {  	s28 =	sadd.s32 $0x40, s28;
	v55 =	vadd.f32 v7, v55;
	v48 =	vld [tilespmem:s26+$0xFFFFFEC0];
	v54 =	vadd.f32 v8, v6;
	v56 =	vmul.f32 v3, v21  }
0x17d: {  	v3 =	vld [tilespmem:s26+$0xFFFFFE30];
	v4 =	vmul.f32 v50, v25;
	v5 =	vadd.f32 v52, v51;
	v6 =	vadd.f32 v36, v53  }
0x17e: {  	v7 =	vld [tilespmem:s26+$0xFFFFFDA0];
	v8 =	vadd.f32 v56, v54;
	v9 =	vmul.f32 v46, v19;
	v51 =	vadd.f32 v39, v55  }
0x17f: {  	v52 =	vld [tilespmem:s26+$0xFFFFFE40];
	v4 =	vadd.f32 v4, v45;
	v53 =	vmul.f32 v49, v21;
	v5 =	vadd.f32 v40, v5  }
0x180: {  	v54 =	vld [tilespmem:s26+$0xFFFFFDB0];
	v55 =	vmul.f32 v47, v25;
	v8 =	vadd.f32 v9, v8;
	v9 =	vadd.f32 v31, v51  }
0x181: {  	v56 =	vld [tilespmem:s26+$0xFFFFFF20];
	v4 =	vadd.f32 v53, v4;
	v31 =	vmul.f32 v48, v19;
	v5 =	vadd.f32 v34, v5  }
0x182: {  	v57 =	vld [tilespmem:s26+$0xFFFFFDC0];
	v44 =	vadd.f32 v55, v44;
	v3 =	vmul.f32 v3, v21;
	v8 =	vadd.f32 v38, v8  }
0x183: {  	v7 =	vmul.f32 v7, v25;
	v4 =	vadd.f32 v31, v4;
	v31 =	vld [tilespmem:s26+$0xFFFFFF30];
	v5 =	vadd.f32 v28, v5  }
0x184: {  	v58 =	vld [tilespmem:s26+$0xA0];
	v28 =	vmul.f32 v52, v19;
	v3 =	vadd.f32 v3, v44;
	v8 =	vadd.f32 v32, v8  }
0x185: {  	v60 =	vld [tilespmem:s26+$0xFFFFFF40];
	v59 =	vmul.f32 v54, v21;
	v7 =	vadd.f32 v7, v43;
	v4 =	vadd.f32 v37, v4  }
0x186: {  	v3 =	vadd.f32 v28, v3;
	v28 =	vmul.f32 v56, v25;
	v8 =	vadd.f32 v27, v8  }
0x187: {  	v34 =	vmul.f32 v57, v19;
	v27 =	vld [tilespmem:s26+$0xB0];
	v7 =	vadd.f32 v59, v7;
	v4 =	vadd.f32 v30, v4  }
0x188: {  	v30 =	vld [tilespmem:s26+$0x220];
	v3 =	vadd.f32 v33, v3;
	v28 =	vadd.f32 v28, v42;
	v31 =	vmul.f32 v31, v21  }
0x189: {  	v61 =	vld [tilespmem:s26+$0xC0];
	v7 =	vadd.f32 v34, v7;
	v4 =	vadd.f32 v24, v4;
	v24 =	vmul.f32 v58, v25  }
0x18a: {  	v62 =	vld [tilespmem:s26+$0x230];
	v3 =	vadd.f32 v26, v3;
	v26 =	vadd.f32 v31, v28;
	v28 =	vmul.f32 v60, v19  }
0x18b: {  	(xrf2) =	vadd.scan.msk.f32 $0xffff, v6;
	v31 =	vld [tilespmem:s26+$0xD0];
	v63 =	vadd.f32 v29, v7  }
0x18c: {  	(xrf2) =	vadd.scan.msk.f32 $0xffff, v9;
	v34 =	vadd.f32 v24, v41;
	v24 =	vmul.f32 v27, v21;
	v27 =	vld [tilespmem:s26+$0x240];
	v9 =	vadd.f32 v28, v26  }
0x18d: {  	(xrf2) =	vadd.scan.msk.f32 $0xffff, v5;
	v3 =	vadd.f32 v20, v3;
	v20 =	vld [tilespmem:s26+$0xE0];
	v25 =	vmul.f32 v30, v25;
	v36 =	vadd.f32 v22, v63  }
0x18e: {  	v38 =	vmul.f32 v61, v19;
	(xrf2) =	vadd.scan.msk.f32 $0xffff, v8;
	v22 =	vld [tilespmem:s26+$0x250];
	v37 =	vadd.f32 v24, v34;
	v8 =	vadd.f32 v23, v9  }
0x18f: {  	v21 =	vmul.f32 v62, v21;
	(xrf2) =	vadd.scan.msk.f32 $0xffff, v4;
	v9 =	vld [tilespmem:s26+$0xF0];
	v23 =	vadd.f32 v25, v35;
	v39 =	vadd.f32 v17, v36  }
0x190: {  	v42 =	vld [tilespmem:s26+$0x260];
	(xrf2) =	vadd.scan.msk.f32 $0xffff, v3;
	v40 =	vadd.f32 v38, v37;
	v41 =	vmul.f32 v31, v16;
	v3 =	vadd.f32 v18, v8  }
0x191: {  	v8 =	vadd.f32 v21, v23;
	v17 =	vmul.f32 v27, v19  }
0x192: {  	v18 =	vld [tilespmem:s26+$0x270];
	(xrf2) =	vadd.scan.msk.f32 $0xffff, v39;
	v5 =	vadd.f32 v41, v40;
	v43 =	vmul.f32 v20, v14;
	v3 =	vadd.f32 v15, v3  }
0x193: {  	v44 =	vadd.f32 v17, v8;
	v8 =	vmul.f32 v22, v16  }
0x194: {  	v5 =	vadd.f32 v43, v5;
	v45 =	vmul.f32 v9, v13  }
0x195: {  	v7 =	vmul.f32 v42, v14;
	v4 =	vadd.f32 v8, v44;
	(xrf2) =	vadd.scan.msk.f32 $0xffff, v3  }
0x196: {  	v5 =	vadd.f32 v45, v5;
	v3, _, _ =	vpop (xrf2)  }
0x197: {  	v47 =	vmul.f32 v18, v13;
	v4 =	vadd.f32 v7, v4;
	v46, _, _ =	vpop (xrf2)  }
0x198: {  	(xrf2) =	vadd.scan.msk.f32 $0xffff, v5;
	v8, _, _ =	vpop (xrf2)  }
0x199: {  	v4 =	vadd.f32 v47, v4;
	v48, _, _ =	vpop (xrf2)  }
0x19a: {  	v49, _, _ =	vpop (xrf2)  }
0x19b: {  	(xrf2) =	vadd.scan.msk.f32 $0xffff, v4;
	v9, _, _ =	vpop (xrf2)  }
0x19c: {  	v50, _, _ =	vpop (xrf2)  }
0x19d: {  	v4 =	vbroadcast v50, $0xF  }
0x19e: {  	v9 =	vbroadcast v9, $0xF  }
0x19f: {  	v7 =	vbroadcast v49, $0xF;
	v13, _, _ =	vpop (xrf2);
	v4 =	vnsel vm0, $0x0, v4  }
0x1a0: {  	v4 =	vsel vm1, v4, v9;
	v9 =	vbroadcast v13, $0xF  }
0x1a1: {  	v5 =	vbroadcast v48, $0xF;
	v4 =	vsel vm2, v4, v7  }
0x1a2: {  	v51 =	vbroadcast v8, $0xF;
	v8, _, _ =	vpop (xrf2);
	v4 =	vsel vm3, v4, v9  }
0x1a3: {  	v52 =	vbroadcast v8, $0xF;
	v4 =	vsel vm4, v4, v5  }
0x1a4: {  	v6 =	vbroadcast v46, $0xF;
	v4 =	vsel vm5, v4, v51  }
0x1a5: {  	v3 =	vbroadcast v3, $0xF;
	v53, _, _ =	vpop (xrf2);
	v4 =	vsel vm6, v4, v52  }
0x1a6: {  	v5 =	vbroadcast v53, $0xF;
	v4 =	vsel vm7, v4, v6  }
0x1a7: {  	v3 =	vsel vm8, v4, v3  }
0x1a8: {  	s2 =	sshra.s32 s2, $0x2;
	v3 =	vsel vm9, v3, v5  }
0x1a9: {  	[tilespmem:s2+$0xF980] =	vst v3  }
0x1aa: {  	v3 =	vld.idx.msk [tilespmem:v10+s3+$0x0], $0xffff;
	_ =	sdelay $0x3  }
0x1ab: {  	s14 =	sshll.u32 s22, $0x5  }
0x1ac: {  	[tilespmem:s14+$0xFA80] =	vst v3;
	v3 =	vld [tilespmem:$0x1FF90];
	_ =	sdelay $0x7  }
0x1ad: {  	v3 =	vld.idx.msk [tilespmem:v3+s3+$0x0], $0xffff;
	_ =	sdelay $0x4  }
0x1ae: {  	[tilespmem:s14+$0xFB00] =	vst v3;
	v3 =	vld [tilespmem:$0x1FFA0];
	_ =	sdelay $0x7  }
0x1af: {  	v3 =	vld.idx.msk [tilespmem:v3+s3+$0x0], $0xffff;
	_ =	sdelay $0x4  }
0x1b0: {  	[tilespmem:s14+$0xFB80] =	vst v3;
	v3 =	vld [tilespmem:$0x1FFB0];
	_ =	sdelay $0x7  }
0x1b1: {  	v3 =	vld.idx.msk [tilespmem:v3+s3+$0x0], $0xffff;
	_ =	sdelay $0x4  }
0x1b2: {  	[tilespmem:s14+$0xFC00] =	vst v3;
	v3 =	vld [tilespmem:$0x1FFC0];
	_ =	sdelay $0x7  }
0x1b3: {  	v3 =	vld.idx.msk [tilespmem:v3+s3+$0x0], $0xffff;
	_ =	sdelay $0x4  }
0x1b4: {  	[tilespmem:s14+$0xFC80] =	vst v3;
	v3 =	vld [tilespmem:$0x1FFD0];
	_ =	sdelay $0x7  }
0x1b5: {  	v3 =	vld.idx.msk [tilespmem:v3+s3+$0x0], $0xffff;
	_ =	sdelay $0x4  }
0x1b6: {  	[tilespmem:s14+$0xFD00] =	vst v3;
	v3 =	vld [tilespmem:$0x1FFE0];
	_ =	sdelay $0x7  }
0x1b7: {  	v3 =	vld.idx.msk [tilespmem:v3+s3+$0x0], $0xffff;
	_ =	sdelay $0x4  }
0x1b8: {  	[tilespmem:s14+$0xFD80] =	vst v3;
	v3 =	vld [tilespmem:$0x1FFF0];
	_ =	sdelay $0x7  }
0x1b9: {  	v3 =	vld.idx.msk [tilespmem:v3+s3+$0x0], $0xffff;
	_ =	sdelay $0x4  }
0x1ba: {  	[tilespmem:s14+$0xFE00] =	vst v3  }
0x1bb: {  	v3 =	vld.idx.msk [tilespmem:v11+s3+$0x0], $0xffff;
	_ =	sdelay $0x4  }
0x1bc: {  	[tilespmem:s14+$0xFE80] =	vst v3  }
0x1bd: {  	v3 =	vld.idx.msk [tilespmem:v12+s3+$0x0], $0xffff  }
0x1be: {  	p0 =	seq.s32 s22, $0x3  }
0x1bf: {  	s13 =	smul.u32 @!p0 $0x500, s22;
	_ =	sdelay $0x1  }
0x1c0: {  	s13 =	sshra.s32 @!p0 s13, $0x2  }
0x1c1: {  	s25 =	simm.s32 @!p0 $0x5980;
	s2 =	sadd.s32 @!p0 $0x15C0, s13;
	s13 =	simm.s32 @!p0 $0xA0;
	[tilespmem:s14+$0xFF00] =	vst v3  }
0x1c2: {  	[tilespmem:s25], [sflag:$0x2] =	stream.indirect.gather @!p0 [hbm4b:s4+s13], $0x80, s2, s13, $0xb8;
	[tilespmem:$0x10280] =	vst v63  }
0x1c3: {  	_ =	swait.ge [sflag:s0], $0x5000  }
0x1c4: {  	[sflag:s0] =	ssyncset.done $0x0  }
0x1c5: {  	s26 =	simm.s32 $0xAC00;
	[sflag:s0] =	ssyncadd.s32 $0xFFFFB000  }
0x1c6: {  	v3 =	vld [tilespmem:s26+$0x1F0]  }
0x1c7: {  	v54 =	vld [tilespmem:s26+$0x170]  }
0x1c8: {  	v5 =	vld [tilespmem:s26+$0x1E0]  }
0x1c9: {  	v6 =	vld [tilespmem:s26+$0x160]  }
0x1ca: {  	v7 =	vld [tilespmem:s26+$0x1D0]  }
0x1cb: {  	v8 =	vld [tilespmem:s26+$0x70]  }
0x1cc: {  	v9 =	vld [tilespmem:s26+$0x150]  }
0x1cd: {  	v22 =	vld [tilespmem:s26+$0x1C0]  }
0x1ce: {  	v14 =	vld [tilespmem:s26+$0xFFFFFFF0]  }
0x1cf: {  	v27 =	vld [tilespmem:s26+$0x60]  }
0x1d0: {  	v28 =	vld [tilespmem:s26+$0x140]  }
0x1d1: {  	v16 =	vld [tilespmem:s26+$0x1B0]  }
0x1d2: {  	v15 =	vld [tilespmem:s26+$0xFFFFFF70]  }
0x1d3: {  	v30 =	vld [tilespmem:s26+$0xFFFFFFE0]  }
0x1d4: {  	v34 =	vld [tilespmem:s26+$0x50]  }
0x1d5: {  	v33 =	vld [tilespmem:s26+$0x130]  }
0x1d6: {  	v18 =	vld [tilespmem:s26+$0x1A0]  }
0x1d7: {  	v21 =	vld [tilespmem:s26+$0x200]  }
0x1d8: {  	v25 =	vld [tilespmem:s26+$0x210]  }
0x1d9: {  	v35 =	vld [tilespmem:s26+$0xFFFFFEF0]  }
0x1da: {  	v37 =	vld [tilespmem:s26+$0xFFFFFF60]  }
0x1db: {  	v39 =	vld [tilespmem:s26+$0xFFFFFFD0]  }
0x1dc: {  	v36 =	vld [tilespmem:s26+$0x120]  }
0x1dd: {  	v26 =	vld [tilespmem:s26+$0x180]  }
0x1de: {  	v55 =	vld [tilespmem:s26+$0x190]  }
0x1df: {  	v19 =	vld [tilespmem:s26+$0xFFFFFE70]  }
0x1e0: {  	v41 =	vld [tilespmem:s26+$0xFFFFFEE0]  }
0x1e1: {  	v46 =	vld [tilespmem:s26+$0xFFFFFF50]  }
0x1e2: {  	v56 =	vld [tilespmem:s26+$0x100]  }
0x1e3: {  	v57 =	vld [tilespmem:s26+$0x110]  }
0x1e4: {  	v13 =	vld [tilespmem:s12+$0x0]  }
0x1e5: {  	v42 =	vld [tilespmem:s26+$0xFFFFFDF0]  }
0x1e6: {  	v58 =	vld [tilespmem:s26+$0x80]  }
0x1e7: {  	v45 =	vld [tilespmem:s26+$0x90]  }
0x1e8: {  	v17 =	vld [tilespmem:s12+$0xFFFFFFC0]  }
0x1e9: {  	v20 =	vld [tilespmem:s12+$0xFFFFFFB0]  }
0x1ea: {  	v48 =	vld [tilespmem:s12+$0xFFFFFF90]  }
0x1eb: {  	v49 =	vld [tilespmem:s12+$0xFFFFFFA0]  }
0x1ec: {  	v59 =	vld [tilespmem:s26+$0x0];
	v31 =	vmul.f32 v3, v13  }
0x1ed: {  	v4 =	vld [tilespmem:s26+$0xFFFFFF00];
	v24 =	vmul.f32 v8, v13;
	v29 =	vmul.f32 v54, v13  }
0x1ee: {  	v60 =	vld [tilespmem:s26+$0x10];
	v15 =	vmul.f32 v15, v13;
	v23 =	vmul.f32 v14, v13  }
0x1ef: {  	v51 =	vld [tilespmem:s26+$0xFFFFFE00];
	v19 =	vmul.f32 v19, v13;
	v16 =	vmul.f32 v16, v17  }
0x1f0: {  	v61 =	vld [tilespmem:s26+$0xFFFFFF90];
	v14 =	vmul.f32 v26, v48;
	v26 =	vmul.f32 v55, v49  }
0x1f1: {  	v63 =	vld [tilespmem:s26+$0xFFFFFF10];
	v21 =	vmul.f32 v21, v48;
	v25 =	vmul.f32 v25, v49  }
0x1f2: {  	v3 =	vld [tilespmem:s26+$0xFFFFFF80];
	v38 =	vmul.f32 v56, v48;
	v18 =	vmul.f32 v18, v20  }
0x1f3: {  	v8 =	vld [tilespmem:s26+$0xFFFFFE80];
	v56 =	vmul.f32 v58, v48;
	v45 =	vmul.f32 v45, v49  }
0x1f4: {  	v62 =	vadd.f32 v26, v14;
	v14 =	vmul.f32 v57, v49;
	v26 =	vadd.f32 v25, v21;
	v21 =	vld [tilespmem:s26+$0xFFFFFD80]  }
0x1f5: {  	v4 =	vmul.f32 v4, v48;
	v25 =	vmul.f32 v59, v48;
	v59 =	vld [tilespmem:s26+$0xFFFFFE90]  }
0x1f6: {  	v51 =	vmul.f32 v51, v48;
	v57 =	vmul.f32 v60, v49;
	v43 =	vadd.f32 v14, v38;
	v14 =	vld [tilespmem:s12+$0xFFFFFFF0]  }
0x1f7: {  	v33 =	vmul.f32 v33, v17;
	v32 =	vadd.f32 v45, v56;
	v58 =	vadd.f32 v18, v62;
	v18 =	vld [tilespmem:s12+$0xFFFFFFD0]  }
0x1f8: {  	v45 =	vmul.f32 v36, v20;
	v60 =	vadd.f32 v57, v25;
	v25 =	vmul.f32 v61, v49;
	v61 =	vld [tilespmem:s26+$0xFFFFFE10]  }
0x1f9: {  	v62 =	vld [tilespmem:s26+$0xFFFFFD90];
	v3 =	vmul.f32 v3, v48;
	v8 =	vmul.f32 v8, v48  }
0x1fa: {  	v44 =	vld [tilespmem:s26+$0xFFFFFE60];
	v47 =	vadd.f32 v16, v58;
	v48 =	vmul.f32 v21, v48;
	v21 =	vmul.f32 v63, v49  }
0x1fb: {  	v53 =	vld [tilespmem:s26+$0xFFFFFDD0];
	v3 =	vadd.f32 v25, v3;
	v25 =	vmul.f32 v35, v13;
	v50 =	vmul.f32 v59, v49  }
0x1fc: {  	v16 =	vld [tilespmem:s12+$0xFFFFFFE0];
	v38 =	vadd.f32 v21, v4;
	v21 =	vmul.f32 v42, v13;
	v5 =	vmul.f32 v5, v14  }
0x1fd: {  	v63 =	vld [tilespmem:s26+$0x20];
	v35 =	vadd.f32 v45, v43;
	v22 =	vmul.f32 v22, v18;
	v36 =	vmul.f32 v27, v14  }
0x1fe: {  	v55 =	vld [tilespmem:s26+$0xFFFFFED0];
	v45 =	vadd.f32 v50, v8;
	v8 =	vmul.f32 v61, v49;
	v58 =	vmul.f32 v62, v49  }
0x1ff: {  	v54 =	vld [tilespmem:s26+$0x40];
	v40 =	vmul.f32 v6, v14;
	v62 =	vadd.f32 v33, v35;
	v35 =	vmul.f32 v30, v14  }
0x200: {  	v57 =	vld [tilespmem:s26+$0xFFFFFDE0];
	v30 =	vmul.f32 v44, v14;
	v33 =	vmul.f32 v41, v14  }
0x201: {  	v59 =	vld [tilespmem:s26+$0x30];
	v28 =	vmul.f32 v28, v18;
	v27 =	vadd.f32 v22, v47;
	v22 =	vmul.f32 v37, v14  }
0x202: {  	v7 =	vmul.f32 v7, v16;
	v61 =	vmul.f32 v63, v20;
	v63 =	vld [tilespmem:s26+$0xFFFFFFA0]  }
0x203: {  	v43 =	vadd.f32 v8, v51;
	v8 =	vld [tilespmem:s26+$0xFFFFFE50];
	v42 =	vmul.f32 v34, v16;
	v9 =	vmul.f32 v9, v16  }
0x204: {  	v62 =	vadd.f32 v28, v62;
	v28 =	vmul.f32 v46, v16;
	v6 =	vadd.f32 v61, v60;
	v60 =	vld [tilespmem:s26+$0xFFFFFFB0]  }
0x205: {  	v50 =	vld [tilespmem:s26+$0xFFFFFEA0];
	v44 =	vadd.f32 v58, v48;
	v41 =	vmul.f32 v39, v16;
	v39 =	vmul.f32 v55, v16  }
0x206: {  	v46 =	vld [tilespmem:s26+$0xFFFFFFC0];
	v34 =	vmul.f32 v53, v16;
	v7 =	vadd.f32 v7, v27;
	v61 =	vmul.f32 v59, v17  }
0x207: {  	v47 =	vld [tilespmem:s26+$0xFFFFFEB0];
	v55 =	vmul.f32 v54, v18;
	v54 =	vadd.f32 v9, v62;
	v63 =	vmul.f32 v63, v20  }
0x208: {  	s25 =	sshll.u32 s22, $0x1;
	s2 =	simm.s32 $0x0;
	v48 =	vld [tilespmem:s26+$0xFFFFFE20];
	v27 =	vmul.f32 v57, v14;
	v52 =	vadd.f32 v5, v7;
	v51 =	vadd.f32 v61, v6  }
0x209: {  	s13 =	simm.s32 $0x40;
	s28 =	sor.u32 $0x1, s25;
	s25 =	smov.u32 s12;
	v49 =	vld [tilespmem:s26+$0xFFFFFEC0];
	v37 =	vmul.f32 v8, v16;
	v53 =	vadd.f32 v63, v3;
	v56 =	vmul.f32 v60, v17  }
.LBB2_9:
0x20a: {  	p1 =	sne.s32 s13, $0x3C0;
	v3 =	vld [tilespmem:s26+$0xFFFFFE30];
	v4 =	vmul.f32 v50, v20;
	v5 =	vadd.f32 v55, v51;
	v6 =	vadd.f32 v31, v52  }
0x20b: {  	v7 =	vld [tilespmem:s26+$0xFFFFFDA0];
	v8 =	vadd.f32 v56, v53;
	v9 =	vmul.f32 v46, v18;
	v31 =	vadd.f32 v40, v54  }
0x20c: {  	v40 =	vld [tilespmem:s26+$0xFFFFFE40];
	v4 =	vadd.f32 v4, v45;
	v45 =	vmul.f32 v47, v17;
	v5 =	vadd.f32 v42, v5;
	(xrf2) =	vadd.scan.msk.f32 $0xffff, v6  }
0x20d: {  	v6 =	vld [tilespmem:s26+$0xFFFFFDB0];
	v42 =	vmul.f32 v48, v20;
	v8 =	vadd.f32 v9, v8;
	v9 =	vadd.f32 v29, v31  }
0x20e: {  	v4 =	vadd.f32 v45, v4;
	v29 =	vmul.f32 v49, v18;
	v31 =	vld [tilespmem:s26+$0xFFFFFF20];
	v5 =	vadd.f32 v36, v5  }
0x20f: {  	v36 =	vld [tilespmem:s26+$0xFFFFFDC0];
	v42 =	vadd.f32 v42, v43;
	v3 =	vmul.f32 v3, v17;
	v8 =	vadd.f32 v41, v8;
	(xrf2) =	vadd.scan.msk.f32 $0xffff, v9  }
0x210: {  	v7 =	vmul.f32 v7, v20;
	v4 =	vadd.f32 v29, v4;
	v9 =	vld [tilespmem:s26+$0xFFFFFF30];
	v5 =	vadd.f32 v24, v5  }
0x211: {  	v3 =	vadd.f32 v3, v42;
	v24 =	vmul.f32 v40, v18;
	v8 =	vadd.f32 v35, v8;
	v29 =	vld [tilespmem:s26+$0xA0]  }
0x212: {  	v7 =	vadd.f32 v7, v44;
	v6 =	vmul.f32 v6, v17;
	v4 =	vadd.f32 v39, v4;
	v35 =	vld [tilespmem:s26+$0xFFFFFF40];
	(xrf2) =	vadd.scan.msk.f32 $0xffff, v5  }
0x213: {  	v3 =	vadd.f32 v24, v3;
	v5 =	vmul.f32 v31, v20;
	v8 =	vadd.f32 v23, v8;
	v23 =	vld [tilespmem:s26+$0xB0]  }
0x214: {  	v6 =	vadd.f32 v6, v7;
	v7 =	vmul.f32 v36, v18;
	v4 =	vadd.f32 v33, v4;
	v24 =	vld [tilespmem:s26+$0x220]  }
0x215: {  	v3 =	vadd.f32 v37, v3;
	v5 =	vadd.f32 v5, v38;
	v9 =	vmul.f32 v9, v17;
	v31 =	vld [tilespmem:s26+$0xC0];
	(xrf2) =	vadd.scan.msk.f32 $0xffff, v8  }
0x216: {  	v6 =	vadd.f32 v7, v6;
	v4 =	vadd.f32 v25, v4;
	v7 =	vmul.f32 v29, v20;
	v8 =	vld [tilespmem:s26+$0x230];
	v25, _, _ =	vpop (xrf2)  }
0x217: {  	v3 =	vadd.f32 v30, v3;
	v5 =	vadd.f32 v9, v5;
	v9 =	vmul.f32 v35, v18;
	v29 =	vld [tilespmem:s26+$0xD0]  }
0x218: {  	v6 =	vadd.f32 v34, v6;
	v7 =	vadd.f32 v7, v32;
	v23 =	vmul.f32 v23, v17;
	v30 =	vld [tilespmem:s26+$0x240];
	(xrf2) =	vadd.scan.msk.f32 $0xffff, v4  }
0x219: {  	v3 =	vadd.f32 v19, v3;
	v4 =	vadd.f32 v9, v5;
	v5 =	vld [tilespmem:s26+$0xE0];
	v9 =	vmul.f32 v24, v20;
	v19, _, _ =	vpop (xrf2)  }
0x21a: {  	v6 =	vadd.f32 v27, v6;
	v7 =	vadd.f32 v23, v7;
	v27 =	vmul.f32 v31, v18;
	v23 =	vld [tilespmem:s26+$0x250]  }
0x21b: {  	v4 =	vadd.f32 v28, v4;
	v24 =	vld [tilespmem:s26+$0xF0];
	v9 =	vadd.f32 v9, v26;
	v8 =	vmul.f32 v8, v17;
	(xrf2) =	vadd.scan.msk.f32 $0xffff, v3  }
0x21c: {  	v3 =	vadd.f32 v21, v6;
	v6 =	vadd.f32 v27, v7;
	v7 =	vmul.f32 v29, v16;
	v17 =	vld [tilespmem:s26+$0x260];
	v20, _, _ =	vpop (xrf2)  }
0x21d: {  	v4 =	vadd.f32 v22, v4;
	v8 =	vadd.f32 v8, v9;
	v18 =	vmul.f32 v30, v18  }
0x21e: {  	v6 =	vadd.f32 v7, v6;
	v5 =	vmul.f32 v5, v14;
	v7 =	vld [tilespmem:s26+$0x270];
	(xrf2) =	vadd.scan.msk.f32 $0xffff, v3  }
0x21f: {  	v3 =	vadd.f32 v15, v4;
	v4 =	vadd.f32 v18, v8;
	v8 =	vmul.f32 v23, v16;
	v9, _, _ =	vpop (xrf2)  }
0x220: {  	v15 =	vadd.f32 v5, v6;
	v6 =	vmul.f32 v24, v13  }
0x221: {  	v4 =	vadd.f32 v8, v4;
	v8 =	vmul.f32 v17, v14;
	(xrf2) =	vadd.scan.msk.f32 $0xffff, v3  }
0x222: {  	v3 =	vadd.f32 v6, v15;
	v5, _, _ =	vpop (xrf2)  }
0x223: {  	v8 =	vadd.f32 v8, v4;
	v6 =	vmul.f32 v7, v13  }
0x224: {  	(xrf2) =	vadd.scan.msk.f32 $0xffff, v3  }
0x225: {  	v6 =	vadd.f32 v6, v8;
	v4, _, _ =	vpop (xrf2);
	_ =	sdelay $0x1  }
0x226: {  	(xrf2) =	vadd.scan.msk.f32 $0xffff, v6  }
0x227: {  	v3, _, _ =	vpop (xrf2)  }
0x228: {  	v3 =	vbroadcast v3, $0xF  }
0x229: {  	v4 =	vbroadcast v4, $0xF  }
0x22a: {  	v5 =	vbroadcast v5, $0xF;
	v3 =	vnsel vm0, $0x0, v3;
	v6, _, _ =	vpop (xrf2)  }
0x22b: {  	v3 =	vsel vm1, v3, v4;
	v4 =	vbroadcast v6, $0xF  }
0x22c: {  	v3 =	vsel vm2, v3, v5;
	v5 =	vbroadcast v9, $0xF  }
0x22d: {  	v3 =	vsel vm3, v3, v4;
	v4 =	vbroadcast v20, $0xF;
	v6, _, _ =	vpop (xrf2)  }
0x22e: {  	v3 =	vsel vm4, v3, v5;
	v5 =	vbroadcast v6, $0xF  }
0x22f: {  	v3 =	vsel vm5, v3, v4;
	v4 =	vbroadcast v19, $0xF  }
0x230: {  	v3 =	vsel vm6, v3, v5;
	v5 =	vbroadcast v25, $0xF;
	v6, _, _ =	vpop (xrf2)  }
0x231: {  	v3 =	vsel vm7, v3, v4;
	v4 =	vbroadcast v6, $0xF  }
0x232: {  	v3 =	vsel vm8, v3, v5  }
0x233: {  	s14 =	sshra.s32 s2, $0x2;
	s2 =	smov.u32 s13;
	v3 =	vsel vm9, v3, v4  }
0x234: {  	s26 =	sadd.s32 $0x500, s26;
	[tilespmem:s14+$0xF980] =	vst v3  }
0x235: {  	v3 =	vld [tilespmem:s26+$0x1F0]  }
0x236: {  	v4 =	vld [tilespmem:s26+$0x170]  }
0x237: {  	v5 =	vld [tilespmem:s26+$0x1E0]  }
0x238: {  	v6 =	vld [tilespmem:s26+$0x160]  }
0x239: {  	v7 =	vld [tilespmem:s26+$0x1D0]  }
0x23a: {  	v8 =	vld [tilespmem:s26+$0x70]  }
0x23b: {  	v9 =	vld [tilespmem:s26+$0x150]  }
0x23c: {  	v26 =	vld [tilespmem:s26+$0x1C0]  }
0x23d: {  	v16 =	vld [tilespmem:s26+$0xFFFFFFF0]  }
0x23e: {  	v17 =	vld [tilespmem:s26+$0x60]  }
0x23f: {  	v32 =	vld [tilespmem:s26+$0x140]  }
0x240: {  	v38 =	vld [tilespmem:s26+$0x1B0]  }
0x241: {  	v15 =	vld [tilespmem:s26+$0xFFFFFF70]  }
0x242: {  	v18 =	vld [tilespmem:s26+$0xFFFFFFE0]  }
0x243: {  	v28 =	vld [tilespmem:s26+$0x50]  }
0x244: {  	v43 =	vld [tilespmem:s26+$0x130]  }
0x245: {  	v44 =	vld [tilespmem:s26+$0x1A0]  }
0x246: {  	v45 =	vld [tilespmem:s26+$0x200]  }
0x247: {  	v46 =	vld [tilespmem:s26+$0x210]  }
0x248: {  	v20 =	vld [tilespmem:s26+$0xFFFFFEF0]  }
0x249: {  	v22 =	vld [tilespmem:s26+$0xFFFFFF60]  }
0x24a: {  	v34 =	vld [tilespmem:s26+$0xFFFFFFD0]  }
0x24b: {  	v47 =	vld [tilespmem:s26+$0x120]  }
0x24c: {  	v48 =	vld [tilespmem:s26+$0x180]  }
0x24d: {  	v49 =	vld [tilespmem:s26+$0x190]  }
0x24e: {  	v19 =	vld [tilespmem:s26+$0xFFFFFE70]  }
0x24f: {  	v27 =	vld [tilespmem:s26+$0xFFFFFEE0]  }
0x250: {  	v37 =	vld [tilespmem:s26+$0xFFFFFF50]  }
0x251: {  	v50 =	vld [tilespmem:s26+$0x100]  }
0x252: {  	s25 =	sadd.s32 $0x80, s25;
	v51 =	vld [tilespmem:s26+$0x110]  }
0x253: {  	v13 =	vld [tilespmem:s25+$0x0]  }
0x254: {  	v21 =	vld [tilespmem:s26+$0xFFFFFDF0]  }
0x255: {  	v30 =	vld [tilespmem:s26+$0xFFFFFE60]  }
0x256: {  	v39 =	vld [tilespmem:s26+$0xFFFFFED0]  }
0x257: {  	v14 =	vld [tilespmem:s25+$0xFFFFFFF0]  }
0x258: {  	v52 =	vld [tilespmem:s26+$0x20];
	v31 =	vmul.f32 v3, v13  }
0x259: {  	v24 =	vmul.f32 v8, v13;
	v29 =	vmul.f32 v4, v13;
	v3 =	vld [tilespmem:s26+$0x80]  }
0x25a: {  	v15 =	vmul.f32 v15, v13;
	v23 =	vmul.f32 v16, v13;
	v4 =	vld [tilespmem:s26+$0xFFFFFDE0]  }
0x25b: {  	v19 =	vmul.f32 v19, v13;
	v25 =	vmul.f32 v20, v13;
	v16 =	vld [tilespmem:s25+$0xFFFFFFE0]  }
0x25c: {  	v21 =	vmul.f32 v21, v13;
	v8 =	vld [tilespmem:s26+$0x90];
	v5 =	vmul.f32 v5, v14  }
0x25d: {  	v36 =	vmul.f32 v17, v14;
	v40 =	vmul.f32 v6, v14;
	v53 =	vld [tilespmem:s26+$0xFFFFFE50]  }
0x25e: {  	v22 =	vmul.f32 v22, v14;
	v35 =	vmul.f32 v18, v14;
	v6 =	vld [tilespmem:s26+$0xFFFFFDD0]  }
0x25f: {  	v30 =	vmul.f32 v30, v14;
	v33 =	vmul.f32 v27, v14;
	v18 =	vld [tilespmem:s25+$0xFFFFFFD0]  }
0x260: {  	v27 =	vmul.f32 v4, v14;
	v17 =	vld [tilespmem:s25+$0xFFFFFFC0];
	v4 =	vmul.f32 v7, v16  }
0x261: {  	v42 =	vmul.f32 v28, v16;
	v7 =	vmul.f32 v9, v16;
	v20 =	vld [tilespmem:s25+$0xFFFFFFB0]  }
0x262: {  	v28 =	vmul.f32 v37, v16;
	v41 =	vmul.f32 v34, v16;
	v9 =	vld [tilespmem:s26+$0x0]  }
0x263: {  	v39 =	vmul.f32 v39, v16;
	v37 =	vmul.f32 v53, v16;
	v54 =	vld [tilespmem:s25+$0xFFFFFF90]  }
0x264: {  	v34 =	vmul.f32 v6, v16;
	v6 =	vld [tilespmem:s26+$0xFFFFFF80];
	v53 =	vmul.f32 v26, v18  }
0x265: {  	v55 =	vmul.f32 v32, v18;
	v26 =	vld [tilespmem:s26+$0xFFFFFF00];
	v38 =	vmul.f32 v38, v17  }
0x266: {  	v57 =	vmul.f32 v43, v17;
	v56 =	vld [tilespmem:s25+$0xFFFFFFA0];
	v32 =	vmul.f32 v44, v20  }
0x267: {  	v44 =	vmul.f32 v52, v20;
	v47 =	vmul.f32 v47, v20;
	v43 =	vld [tilespmem:s26+$0xFFFFFE80]  }
0x268: {  	v52 =	vld [tilespmem:s26+$0xFFFFFE00];
	v48 =	vmul.f32 v48, v54;
	v45 =	vmul.f32 v45, v54  }
0x269: {  	v3 =	vmul.f32 v3, v54;
	v50 =	vmul.f32 v50, v54;
	v58 =	vld [tilespmem:s26+$0x10]  }
0x26a: {  	v9 =	vmul.f32 v9, v54;
	v6 =	vmul.f32 v6, v54;
	v59 =	vld [tilespmem:s26+$0xFFFFFF90]  }
0x26b: {  	v60 =	vmul.f32 v26, v54;
	v61 =	vld [tilespmem:s26+$0xFFFFFF10];
	v26 =	vmul.f32 v49, v56  }
0x26c: {  	v46 =	vmul.f32 v46, v56;
	v43 =	vmul.f32 v43, v54;
	v49 =	vld [tilespmem:s26+$0xFFFFFE90]  }
0x26d: {  	v51 =	vmul.f32 v51, v56;
	v52 =	vmul.f32 v52, v54;
	v62 =	vld [tilespmem:s26+$0xFFFFFE10];
	v48 =	vadd.f32 v26, v48  }
0x26e: {  	v8 =	vmul.f32 v8, v56;
	v26 =	vadd.f32 v46, v45;
	v63 =	vld [tilespmem:s26+$0xFFFFFD80];
	v58 =	vmul.f32 v58, v56  }
0x26f: {  	v50 =	vadd.f32 v51, v50;
	v46 =	vld [tilespmem:s26+$0xFFFFFD90];
	v45 =	vmul.f32 v59, v56;
	v48 =	vadd.f32 v32, v48  }
0x270: {  	v32 =	vadd.f32 v8, v3;
	v51 =	vmul.f32 v61, v56;
	v9 =	vadd.f32 v58, v9;
	v58 =	vld [tilespmem:s26+$0x30]  }
0x271: {  	v3 =	vmul.f32 v49, v56;
	v6 =	vadd.f32 v45, v6;
	v8 =	vld [tilespmem:s26+$0xFFFFFFA0];
	v48 =	vadd.f32 v38, v48  }
0x272: {  	v47 =	vadd.f32 v47, v50;
	v49 =	vmul.f32 v62, v56;
	v38 =	vadd.f32 v51, v60;
	v59 =	vld [tilespmem:s26+$0x40]  }
0x273: {  	v51 =	vmul.f32 v63, v54;
	v45 =	vadd.f32 v3, v43;
	v3 =	vld [tilespmem:s26+$0xFFFFFFB0];
	v48 =	vadd.f32 v53, v48  }
.Ltmp5:
0x274: {  	v53 =	vmul.f32 v46, v56;
	v43 =	vadd.f32 v49, v52;
	v50 =	vld [tilespmem:s26+$0xFFFFFEA0];
	v49 =	vadd.f32 v57, v47;
	(pc) =	sbr.rel @p1 .LBB2_9-.Ltmp5, $4  }
0x275: {  	v9 =	vadd.f32 v44, v9;
	v46 =	vld [tilespmem:s26+$0xFFFFFFC0];
	v52 =	vmul.f32 v58, v17;
	v4 =	vadd.f32 v4, v48  }
0x276: {  	v44 =	vadd.f32 v53, v51;
	v47 =	vld [tilespmem:s26+$0xFFFFFEB0];
	v8 =	vmul.f32 v8, v20;
	v54 =	vadd.f32 v55, v49  }
0x277: {  	v48 =	vld [tilespmem:s26+$0xFFFFFE20];
	v51 =	vadd.f32 v52, v9;
	v55 =	vmul.f32 v59, v18;
	v52 =	vadd.f32 v5, v4  }
0x278: {  	s13 =	sadd.s32 $0x40, s13;
	v49 =	vld [tilespmem:s26+$0xFFFFFEC0];
	v53 =	vadd.f32 v8, v6;
	v56 =	vmul.f32 v3, v17;
	v54 =	vadd.f32 v7, v54  }
0x279: {  	v3 =	vld [tilespmem:s26+$0xFFFFFE30]  }
0x27a: {  	v4 =	vmul.f32 v50, v20;
	v5 =	vadd.f32 v55, v51;
	v6 =	vadd.f32 v31, v52;
	v7 =	vld [tilespmem:s26+$0xFFFFFDA0]  }
0x27b: {  	v60 =	vld [tilespmem:s26+$0xFFFFFE40];
	v8 =	vadd.f32 v56, v53;
	v9 =	vmul.f32 v46, v18;
	v59 =	vadd.f32 v40, v54  }
0x27c: {  	v62 =	vld [tilespmem:s26+$0xFFFFFDB0];
	v4 =	vadd.f32 v4, v45;
	v61 =	vmul.f32 v47, v17;
	v5 =	vadd.f32 v42, v5  }
0x27d: {  	v50 =	vld [tilespmem:s26+$0xFFFFFDC0];
	v63 =	vmul.f32 v48, v20;
	v8 =	vadd.f32 v9, v8;
	v9 =	vadd.f32 v29, v59  }
0x27e: {  	v4 =	vadd.f32 v61, v4;
	v48 =	vmul.f32 v49, v18;
	v49 =	vld [tilespmem:s26+$0xFFFFFF20];
	v5 =	vadd.f32 v36, v5  }
0x27f: {  	v51 =	vld [tilespmem:s26+$0xFFFFFF30];
	v43 =	vadd.f32 v63, v43;
	v3 =	vmul.f32 v3, v17;
	v8 =	vadd.f32 v41, v8  }
0x280: {  	v53 =	vld [tilespmem:s26+$0xA0];
	v7 =	vmul.f32 v7, v20;
	v52 =	vmul.f32 v60, v18;
	v4 =	vadd.f32 v48, v4  }
0x281: {  	v54 =	vmul.f32 v62, v17;
	v5 =	vadd.f32 v24, v5;
	v3 =	vadd.f32 v3, v43  }
0x282: {  	v55 =	vld [tilespmem:s26+$0xFFFFFF40];
	v58 =	vmul.f32 v50, v18;
	v8 =	vadd.f32 v35, v8;
	v7 =	vadd.f32 v7, v44  }
0x283: {  	v57 =	vld [tilespmem:s26+$0xB0];
	v4 =	vadd.f32 v39, v4;
	v3 =	vadd.f32 v52, v3;
	v56 =	vmul.f32 v49, v20  }
0x284: {  	v59 =	vld [tilespmem:s26+$0x220];
	v29 =	vmul.f32 v51, v17;
	v8 =	vadd.f32 v23, v8;
	v7 =	vadd.f32 v54, v7  }
0x285: {  	v60 =	vld [tilespmem:s26+$0xC0];
	v61 =	vmul.f32 v53, v20;
	v4 =	vadd.f32 v33, v4;
	v24 =	vadd.f32 v56, v38  }
0x286: {  	v3 =	vadd.f32 v37, v3;
	v7 =	vadd.f32 v58, v7  }
0x287: {  	v62 =	vld [tilespmem:s26+$0x230];
	v63 =	vmul.f32 v55, v18;
	v38 =	vadd.f32 v61, v32;
	v24 =	vadd.f32 v29, v24  }
0x288: {  	(xrf2) =	vadd.scan.msk.f32 $0xffff, v6;
	v35 =	vld [tilespmem:s26+$0xD0];
	v23 =	vmul.f32 v57, v17;
	v4 =	vadd.f32 v25, v4;
	v3 =	vadd.f32 v30, v3  }
0x289: {  	(xrf2) =	vadd.scan.msk.f32 $0xffff, v9;
	v39 =	vld [tilespmem:s26+$0x240];
	v41 =	vmul.f32 v59, v20;
	v37 =	vadd.f32 v34, v7;
	v9 =	vadd.f32 v63, v24  }
0x28a: {  	v40 =	vld [tilespmem:s26+$0xE0];
	(xrf2) =	vadd.scan.msk.f32 $0xffff, v5;
	v44 =	vmul.f32 v60, v18;
	v43 =	vadd.f32 v23, v38;
	v3 =	vadd.f32 v19, v3  }
0x28b: {  	v45 =	vld [tilespmem:s26+$0x250];
	(xrf2) =	vadd.scan.msk.f32 $0xffff, v8;
	v42 =	vadd.f32 v27, v37;
	v8 =	vadd.f32 v28, v9  }
0x28c: {  	v20 =	vadd.f32 v41, v26;
	v46 =	vmul.f32 v62, v17;
	(xrf2) =	vadd.scan.msk.f32 $0xffff, v4;
	v48 =	vadd.f32 v44, v43;
	v9 =	vld [tilespmem:s26+$0xF0]  }
0x28d: {  	v50 =	vld [tilespmem:s26+$0x260];
	v49 =	vmul.f32 v35, v16;
	v47 =	vadd.f32 v21, v42;
	(xrf2) =	vadd.scan.msk.f32 $0xffff, v3;
	v3 =	vadd.f32 v22, v8  }
0x28e: {  	v51 =	vmul.f32 v39, v18;
	v8 =	vadd.f32 v46, v20  }
0x28f: {  	v53 =	vld [tilespmem:s26+$0x270];
	v52 =	vmul.f32 v40, v14;
	v5 =	vadd.f32 v49, v48;
	(xrf2) =	vadd.scan.msk.f32 $0xffff, v47;
	v3 =	vadd.f32 v15, v3  }
0x290: {  	v54 =	vadd.f32 v51, v8;
	v8 =	vmul.f32 v45, v16  }
0x291: {  	v5 =	vadd.f32 v52, v5;
	v55 =	vmul.f32 v9, v13  }
0x292: {  	v7 =	vmul.f32 v50, v14;
	v4 =	vadd.f32 v8, v54;
	(xrf2) =	vadd.scan.msk.f32 $0xffff, v3  }
0x293: {  	v5 =	vadd.f32 v55, v5;
	v3, _, _ =	vpop (xrf2)  }
0x294: {  	v57 =	vmul.f32 v53, v13;
	v4 =	vadd.f32 v7, v4;
	v56, _, _ =	vpop (xrf2)  }
0x295: {  	(xrf2) =	vadd.scan.msk.f32 $0xffff, v5;
	v8, _, _ =	vpop (xrf2)  }
0x296: {  	v4 =	vadd.f32 v57, v4;
	v58, _, _ =	vpop (xrf2)  }
0x297: {  	v59, _, _ =	vpop (xrf2)  }
0x298: {  	(xrf2) =	vadd.scan.msk.f32 $0xffff, v4;
	v9, _, _ =	vpop (xrf2)  }
0x299: {  	v60, _, _ =	vpop (xrf2)  }
0x29a: {  	v4 =	vbroadcast v60, $0xF  }
0x29b: {  	v9 =	vbroadcast v9, $0xF  }
0x29c: {  	v7 =	vbroadcast v59, $0xF;
	v13, _, _ =	vpop (xrf2);
	v4 =	vnsel vm0, $0x0, v4  }
0x29d: {  	v4 =	vsel vm1, v4, v9;
	v9 =	vbroadcast v13, $0xF  }
0x29e: {  	v5 =	vbroadcast v58, $0xF;
	v4 =	vsel vm2, v4, v7  }
0x29f: {  	v61 =	vbroadcast v8, $0xF;
	v8, _, _ =	vpop (xrf2);
	v4 =	vsel vm3, v4, v9  }
0x2a0: {  	v62 =	vbroadcast v8, $0xF;
	v4 =	vsel vm4, v4, v5  }
0x2a1: {  	v6 =	vbroadcast v56, $0xF;
	v4 =	vsel vm5, v4, v61  }
0x2a2: {  	v3 =	vbroadcast v3, $0xF;
	v63, _, _ =	vpop (xrf2);
	v4 =	vsel vm6, v4, v62  }
0x2a3: {  	v5 =	vbroadcast v63, $0xF;
	v4 =	vsel vm7, v4, v6  }
0x2a4: {  	v3 =	vsel vm8, v4, v3  }
0x2a5: {  	s2 =	sshra.s32 s2, $0x2;
	v3 =	vsel vm9, v3, v5  }
0x2a6: {  	[tilespmem:s2+$0xF980] =	vst v3  }
0x2a7: {  	v3 =	vld.idx.msk [tilespmem:v10+s3+$0x0], $0xffff;
	_ =	sdelay $0x3  }
0x2a8: {  	s28 =	sshll.u32 s28, $0x4  }
0x2a9: {  	[tilespmem:s28+$0xFA80] =	vst v3;
	v3 =	vld [tilespmem:$0x1FF90];
	_ =	sdelay $0x7  }
0x2aa: {  	v3 =	vld.idx.msk [tilespmem:v3+s3+$0x0], $0xffff;
	_ =	sdelay $0x4  }
0x2ab: {  	[tilespmem:s28+$0xFB00] =	vst v3;
	v3 =	vld [tilespmem:$0x1FFA0];
	_ =	sdelay $0x7  }
0x2ac: {  	v3 =	vld.idx.msk [tilespmem:v3+s3+$0x0], $0xffff;
	_ =	sdelay $0x4  }
0x2ad: {  	[tilespmem:s28+$0xFB80] =	vst v3;
	v3 =	vld [tilespmem:$0x1FFB0];
	_ =	sdelay $0x7  }
0x2ae: {  	v3 =	vld.idx.msk [tilespmem:v3+s3+$0x0], $0xffff;
	_ =	sdelay $0x4  }
0x2af: {  	[tilespmem:s28+$0xFC00] =	vst v3;
	v3 =	vld [tilespmem:$0x1FFC0];
	_ =	sdelay $0x7  }
0x2b0: {  	v3 =	vld.idx.msk [tilespmem:v3+s3+$0x0], $0xffff;
	_ =	sdelay $0x4  }
0x2b1: {  	[tilespmem:s28+$0xFC80] =	vst v3;
	v3 =	vld [tilespmem:$0x1FFD0];
	_ =	sdelay $0x7  }
0x2b2: {  	v3 =	vld.idx.msk [tilespmem:v3+s3+$0x0], $0xffff;
	_ =	sdelay $0x4  }
0x2b3: {  	[tilespmem:s28+$0xFD00] =	vst v3;
	v3 =	vld [tilespmem:$0x1FFE0];
	_ =	sdelay $0x7  }
0x2b4: {  	v3 =	vld.idx.msk [tilespmem:v3+s3+$0x0], $0xffff;
	_ =	sdelay $0x4  }
0x2b5: {  	[tilespmem:s28+$0xFD80] =	vst v3;
	v3 =	vld [tilespmem:$0x1FFF0];
	_ =	sdelay $0x7  }
0x2b6: {  	v3 =	vld.idx.msk [tilespmem:v3+s3+$0x0], $0xffff;
	_ =	sdelay $0x4  }
0x2b7: {  	[tilespmem:s28+$0xFE00] =	vst v3  }
0x2b8: {  	v3 =	vld.idx.msk [tilespmem:v11+s3+$0x0], $0xffff;
	_ =	sdelay $0x4  }
0x2b9: {  	[tilespmem:s28+$0xFE80] =	vst v3  }
0x2ba: {  	v3 =	vld.idx.msk [tilespmem:v12+s3+$0x0], $0xffff  }
.Ltmp6:
0x2bb: {  	_ = 	snop;
	(pc) =	sbr.rel @p0 .LBB2_12-.Ltmp6, $2  }
0x2bc: {  	_ =	sdelay $0x2  }
0x2bd: {  	[tilespmem:s28+$0xFF00] =	vst v3  }
0x2be: {  	s2 =	smul.u32 $0x500, s22  }
.Ltmp7:
0x2bf: {  	_ = 	snop;
	(pc) =	sbr.rel .LBB2_6-.Ltmp7, $4  }
0x2c0: {  	_ = 	snop  }
0x2c1: {  	s22 =	sadd.s32 $0x1, s22;
	s2 =	sshra.s32 s2, $0x2  }
0x2c2: {  	s23 =	sadd.s32 $0x1000, s23;
	s12 =	sadd.s32 $0x1000, s12;
	s2 =	sadd.s32 $0x1660, s2  }
0x2c3: {  	[tilespmem:s29], [sflag:$0x3] =	stream.indirect.gather [hbm4b:s4+s24], $0x80, s2, s24, $0xb8;
	[tilespmem:$0x10280] =	vst v63  }
.LBB2_13:
0x2c4: {  	_ =	sfence.sel $0x180000  }
0x2c5: {  	[bflag:$0x0] =	sbarrier.arrive $0xFFFF  }
0x2c6: {  	_ =	strace $0x90000047  }
0x2c7: {  	s0 =	stileid.u32;
	[bflag:$0x2] =	sbarrier.arrive $0xFFFF  }
0x2c8: {  	p0 =	sne.s32 s0, $0x0;
	s0 =	rddreg [dreg:$0x7]  }
0x2c9: {  	s0 =	sadd.s32 @!p0 $0x100000, s0  }
0x2ca: {  	[sflag:s0] =	ssyncadd.tile.s32 @!p0 $0x1;
	_ =	shalt  }
.Lfunc_end2:
_tile_overlayer_lowered:
.L_overlay_start_2:
0x2cb: {  	(tag) =	ssettag $0x2  }
0x2cc: {  	s0 =	rddreg [dreg:$0x0];
	s2 =	stileid.u32  }
0x2cd: {  	s1 =	rddreg [dreg:$0x1];
	p0 =	sne.s32 s2, $0x0  }
0x2ce: {  	s3 =	rddreg [dreg:$0x2];
	[bflag:$0x3] =	sbarrier.arrive $0xFFFF;
	s2 =	simm.s32 @!p0 $0x1C04  }
0x2cf: {  	[timem:s3], [sflag:s2] =	dma.local @!p0 [hbm:s0], s1  }
0x2d0: {  	s0 =	simm.s32 @!p0 $0x4  }
0x2d1: {  	_ =	swait.ge @!p0 [sflag:s0], s1  }
0x2d2: {  	s1 =	ssub.s32 @!p0 $0x0, s1;
	[sflag:s0] =	ssyncset.done @!p0 $0x0  }
0x2d3: {  	[sflag:s0] =	ssyncadd.s32 @!p0 s1  }
0x2d4: {  	[bflag:$0x3] =	sbarrier.arrive $0xFFFF  }
0x2d5: {  	_ =	shalt  }

</sc_bundles>
